<compile_context>
chip_gen: v7x
topology: tpu7x:2x2x1
jax: 0.10.2.dev20260603
libtpu: 0.0.44.dev20260713+nightly
codegen_flags: <defaults>
</compile_context>

<pallas_src>
import functools

import jax
import jax.numpy as jnp
from jax import lax
from jax.experimental import pallas as pl
from jax.experimental.pallas import tpu as pltpu
from jax.experimental.pallas import tpu_sc as plsc

B_ROWS, SEQ = 4096, 200
D = 128
B_TOTAL = B_ROWS * SEQ
NC, NS = 2, 16
NW = NC * NS
ROWS_PER_W = B_TOTAL // NW
CR = 256
NBUF = 2
N_CHUNKS = ROWS_PER_W // CR
ROW_UNROLL = 8
L = 16

_mesh = plsc.VectorSubcoreMesh(core_axis_name="c", subcore_axis_name="s")


@functools.partial(
    pl.kernel,
    out_type=jax.ShapeDtypeStruct((B_TOTAL, D), jnp.float32),
    mesh=_mesh,
    scratch_types=[
        pltpu.VMEM((20 * D,), jnp.float32),
        pltpu.VMEM((ROWS_PER_W,), jnp.int32),
        pltpu.VMEM((NBUF, CR, D), jnp.float32),
        pltpu.SemaphoreType.DMA,
    ],
    compiler_params=pltpu.CompilerParams(needs_layout_passes=False),
)
def _emb_lookup(x_hbm, table_hbm, out_hbm, table_v, idx_v, rows_v, osem):
    wid = lax.axis_index("s") * NC + lax.axis_index("c")
    base = wid * ROWS_PER_W

    pltpu.sync_copy(table_hbm, table_v)
    pltpu.sync_copy(x_hbm.at[pl.ds(base, ROWS_PER_W)], idx_v)
    iota = lax.broadcasted_iota(jnp.int32, (L,), 0)

    def stage(c, b, drain):
        if drain:
            pltpu.make_async_copy(
                rows_v.at[b], out_hbm.at[pl.ds(0, CR)], osem
            ).wait()

        @plsc.parallel_loop(0, CR, unroll=ROW_UNROLL)
        def _rows(r):
            rg = c * CR + r
            t_vec = plsc.load_gather(idx_v, [jnp.full((L,), rg, jnp.int32)])
            addr = t_vec * D + iota
            for k in range(D // L):
                v = plsc.load_gather(table_v, [addr + (k * L)])
                rows_v[b, r, pl.ds(k * L, L)] = v

        pltpu.async_copy(
            rows_v.at[b], out_hbm.at[pl.ds(base + c * CR, CR)], osem
        )

    for b in range(NBUF):
        stage(b, b, drain=False)

    def body(i, _):
        for b in range(NBUF):
            stage(i * NBUF + b, b, drain=True)
        return 0

    lax.fori_loop(1, N_CHUNKS // NBUF, body, 0)

    for b in range(NBUF):
        pltpu.make_async_copy(
            rows_v.at[b], out_hbm.at[pl.ds(0, CR)], osem
        ).wait()


def kernel(x, table):
    x_flat = x.reshape(B_TOTAL).astype(jnp.int32)
    out = _emb_lookup(x_flat, table.reshape(20 * D))
    return out.reshape(B_ROWS, SEQ, D)

# --- scband reference (transcript-rebuilt; emitter-appended) ---
"""Pipeline reference for scband-test-model-13159779795556 (READ-ONLY COPY).

The authoritative reference and input builder live on the scoring server;
editing this copy changes nothing except your own understanding.
"""

import jax, jax.numpy as jnp
import numpy as np


def setup_inputs(seed: int = 0) -> dict:
    key = jax.random.key(seed)
    k1, k2 = jax.random.split(key)
    x = jax.random.randint(k1, (4096, 200), 0, 20, dtype=jnp.int64 if jax.config.jax_enable_x64 else jnp.int32)
    table = jax.random.normal(k2, (20, 128), dtype=jnp.float32)
    return {"x": x, "table": table}


def reference(x, table):
    # nn.Embedding forward: gather rows of the embedding table
    return jnp.take(table, x, axis=0)

if __name__ == "__main__":
    import jax
    _d = setup_inputs()
    print(jax.jit(kernel)(*tuple(_d.values())))

</pallas_src>

<mosaic_0001>
#map = affine_map<(d0, d1) -> (0)>
#map1 = affine_map<(d0, d1) -> (0, 0)>
module attributes {stable_mosaic.version = 14 : i64} {
  func.func @_emb_lookup(%arg0: i32, %arg1: i32, %arg2: memref<819200xi32, #tpu.memory_space<hbm>>, %arg3: memref<2560xf32, #tpu.memory_space<hbm>>, %arg4: memref<819200x128xf32, #tpu.memory_space<hbm>>, %arg5: memref<2560xf32, #tpu.memory_space<vmem>>, %arg6: memref<25600xi32, #tpu.memory_space<vmem>>, %arg7: memref<2x256x128xf32, #tpu.memory_space<vmem>>, %arg8: memref<!tpu.dma_semaphore, #tpu.memory_space<semaphore_mem>>) attributes {dimension_semantics = [#tpu.dimension_semantics<core_parallel>, #tpu.dimension_semantics<subcore_parallel>], iteration_bounds = array<i64: 2, 16>, scalar_prefetch = 0 : i64, scratch_operands = 4 : i64, tpu.core_type = #tpu.core_type<sc_vector_subcore>, window_params = [{transform_indices = #map}, {transform_indices = #map}, {transform_indices = #map1}]} {
    %mul3A = arith.constant 2 : i32
    %mul3A_0 = arith.muli %arg1, %mul3A : i32
    %add3A = arith.addi %mul3A_0, %arg0 : i32
    %mul3A_1 = arith.constant 25600 : i32
    %mul3A_2 = arith.muli %add3A, %mul3A_1 : i32
    "tpu.region"() ({
      %run_scoped3A = tpu.sem_alloc : memref<!tpu.dma_semaphore, #tpu.memory_space<semaphore_mem>>
      tpu.enqueue_dma source(%arg3 : memref<2560xf32, #tpu.memory_space<hbm>>) target(%arg5 : memref<2560xf32, #tpu.memory_space<vmem>>) target_semaphore(%run_scoped3A : memref<!tpu.dma_semaphore, #tpu.memory_space<semaphore_mem>>)
      tpu.wait_dma2 semaphore(%run_scoped3A : memref<!tpu.dma_semaphore, #tpu.memory_space<semaphore_mem>>) src(%arg3 : memref<2560xf32, #tpu.memory_space<hbm>>) dst(%arg5 : memref<2560xf32, #tpu.memory_space<vmem>>)
      tpu.yield
    }) : () -> ()
    "tpu.region"() ({
      %run_scoped3A = tpu.sem_alloc : memref<!tpu.dma_semaphore, #tpu.memory_space<semaphore_mem>>
      %dma_start3A_72 = tpu.memref_slice %arg2[%mul3A_2] : memref<819200xi32, #tpu.memory_space<hbm>> -> memref<25600xi32, #tpu.memory_space<hbm>>
      %dma_start3A_73 = tpu.memref_slice %arg2[%mul3A_2] : memref<819200xi32, #tpu.memory_space<hbm>> -> memref<25600xi32, #tpu.memory_space<hbm>>
      tpu.enqueue_dma source(%dma_start3A_73 : memref<25600xi32, #tpu.memory_space<hbm>>) target(%arg6 : memref<25600xi32, #tpu.memory_space<vmem>>) target_semaphore(%run_scoped3A : memref<!tpu.dma_semaphore, #tpu.memory_space<semaphore_mem>>)
      %dma_wait3A_74 = tpu.memref_slice %arg2[%mul3A_2] : memref<819200xi32, #tpu.memory_space<hbm>> -> memref<25600xi32, #tpu.memory_space<hbm>>
      %dma_wait3A_75 = tpu.memref_slice %arg2[%mul3A_2] : memref<819200xi32, #tpu.memory_space<hbm>> -> memref<25600xi32, #tpu.memory_space<hbm>>
      tpu.wait_dma2 semaphore(%run_scoped3A : memref<!tpu.dma_semaphore, #tpu.memory_space<semaphore_mem>>) src(%dma_wait3A_75 : memref<25600xi32, #tpu.memory_space<hbm>>) dst(%arg6 : memref<25600xi32, #tpu.memory_space<vmem>>)
      tpu.yield
    }) : () -> ()
    %iota3A = tpu.iota {dimensions = array<i32: 0>} : vector<16xi32>
    %parallel_loop3A = arith.constant 0 : i32
    %parallel_loop3A_3 = arith.constant 256 : i32
    %parallel_loop3A_4 = arith.constant 1 : i32
    scf.for %parallel_loop3A_72 = %parallel_loop3A to %parallel_loop3A_3 step %parallel_loop3A_4  : i32 {
      %parallel_loop3A_73 = arith.constant 0 : i32
      %parallel_loop3A_74 = arith.addi %parallel_loop3A_73, %parallel_loop3A_72 : i32
      %parallel_loop3A_75 = vector.broadcast %parallel_loop3A_74 : i32 to vector<16xi32>
      %parallel_loop3A_76 = tpu.vector_load_idx %arg6[%parallel_loop3A_75] : memref<25600xi32, #tpu.memory_space<vmem>>[vector<16xi32>], vector<16xi32>,
      %parallel_loop3A_77 = arith.constant 128 : i32
      %parallel_loop3A_78 = vector.broadcast %parallel_loop3A_77 : i32 to vector<16xi32>
      %parallel_loop3A_79 = arith.muli %parallel_loop3A_76, %parallel_loop3A_78 : vector<16xi32>
      %parallel_loop3A_80 = arith.addi %parallel_loop3A_79, %iota3A : vector<16xi32>
      %parallel_loop3A_81 = arith.constant 0 : i32
      %parallel_loop3A_82 = vector.broadcast %parallel_loop3A_81 : i32 to vector<16xi32>
      %parallel_loop3A_83 = arith.addi %parallel_loop3A_80, %parallel_loop3A_82 : vector<16xi32>
      %parallel_loop3A_84 = tpu.vector_load_idx %arg5[%parallel_loop3A_83] : memref<2560xf32, #tpu.memory_space<vmem>>[vector<16xi32>], vector<16xf32>,
      %parallel_loop3A_85 = arith.constant 0 : i32
      %parallel_loop3A_86 = arith.index_cast %parallel_loop3A_85 : i32 to index
      %parallel_loop3A_87 = arith.index_cast %parallel_loop3A_72 : i32 to index
      %parallel_loop3A_88 = arith.constant 0 : index
      %parallel_loop3A_89 = tpu.vector_load %arg7[%parallel_loop3A_86, %parallel_loop3A_87, %parallel_loop3A_88] {strides = array<i32>} : memref<2x256x128xf32, #tpu.memory_space<vmem>>, vector<16xf32>,
      tpu.vector_store %arg7[%parallel_loop3A_86, %parallel_loop3A_87, %parallel_loop3A_88], %parallel_loop3A_84 {strides = array<i32>} : memref<2x256x128xf32, #tpu.memory_space<vmem>>, vector<16xf32>,
      %parallel_loop3A_90 = arith.constant 16 : i32
      %parallel_loop3A_91 = vector.broadcast %parallel_loop3A_90 : i32 to vector<16xi32>
      %parallel_loop3A_92 = arith.addi %parallel_loop3A_80, %parallel_loop3A_91 : vector<16xi32>
      %parallel_loop3A_93 = tpu.vector_load_idx %arg5[%parallel_loop3A_92] : memref<2560xf32, #tpu.memory_space<vmem>>[vector<16xi32>], vector<16xf32>,
      %parallel_loop3A_94 = arith.constant 0 : i32
      %parallel_loop3A_95 = arith.index_cast %parallel_loop3A_94 : i32 to index
      %parallel_loop3A_96 = arith.index_cast %parallel_loop3A_72 : i32 to index
      %parallel_loop3A_97 = arith.constant 16 : index
      %parallel_loop3A_98 = tpu.vector_load %arg7[%parallel_loop3A_95, %parallel_loop3A_96, %parallel_loop3A_97] {strides = array<i32>} : memref<2x256x128xf32, #tpu.memory_space<vmem>>, vector<16xf32>,
      tpu.vector_store %arg7[%parallel_loop3A_95, %parallel_loop3A_96, %parallel_loop3A_97], %parallel_loop3A_93 {strides = array<i32>} : memref<2x256x128xf32, #tpu.memory_space<vmem>>, vector<16xf32>,
      %parallel_loop3A_99 = arith.constant 32 : i32
      %parallel_loop3A_100 = vector.broadcast %parallel_loop3A_99 : i32 to vector<16xi32>
      %parallel_loop3A_101 = arith.addi %parallel_loop3A_80, %parallel_loop3A_100 : vector<16xi32>
      %parallel_loop3A_102 = tpu.vector_load_idx %arg5[%parallel_loop3A_101] : memref<2560xf32, #tpu.memory_space<vmem>>[vector<16xi32>], vector<16xf32>,
      %parallel_loop3A_103 = arith.constant 0 : i32
      %parallel_loop3A_104 = arith.index_cast %parallel_loop3A_103 : i32 to index
      %parallel_loop3A_105 = arith.index_cast %parallel_loop3A_72 : i32 to index
      %parallel_loop3A_106 = arith.constant 32 : index
      %parallel_loop3A_107 = tpu.vector_load %arg7[%parallel_loop3A_104, %parallel_loop3A_105, %parallel_loop3A_106] {strides = array<i32>} : memref<2x256x128xf32, #tpu.memory_space<vmem>>, vector<16xf32>,
      tpu.vector_store %arg7[%parallel_loop3A_104, %parallel_loop3A_105, %parallel_loop3A_106], %parallel_loop3A_102 {strides = array<i32>} : memref<2x256x128xf32, #tpu.memory_space<vmem>>, vector<16xf32>,
      %parallel_loop3A_108 = arith.constant 48 : i32
      %parallel_loop3A_109 = vector.broadcast %parallel_loop3A_108 : i32 to vector<16xi32>
      %parallel_loop3A_110 = arith.addi %parallel_loop3A_80, %parallel_loop3A_109 : vector<16xi32>
      %parallel_loop3A_111 = tpu.vector_load_idx %arg5[%parallel_loop3A_110] : memref<2560xf32, #tpu.memory_space<vmem>>[vector<16xi32>], vector<16xf32>,
      %parallel_loop3A_112 = arith.constant 0 : i32
      %parallel_loop3A_113 = arith.index_cast %parallel_loop3A_112 : i32 to index
      %parallel_loop3A_114 = arith.index_cast %parallel_loop3A_72 : i32 to index
      %parallel_loop3A_115 = arith.constant 48 : index
      %parallel_loop3A_116 = tpu.vector_load %arg7[%parallel_loop3A_113, %parallel_loop3A_114, %parallel_loop3A_115] {strides = array<i32>} : memref<2x256x128xf32, #tpu.memory_space<vmem>>, vector<16xf32>,
      tpu.vector_store %arg7[%parallel_loop3A_113, %parallel_loop3A_114, %parallel_loop3A_115], %parallel_loop3A_111 {strides = array<i32>} : memref<2x256x128xf32, #tpu.memory_space<vmem>>, vector<16xf32>,
      %parallel_loop3A_117 = arith.constant 64 : i32
      %parallel_loop3A_118 = vector.broadcast %parallel_loop3A_117 : i32 to vector<16xi32>
      %parallel_loop3A_119 = arith.addi %parallel_loop3A_80, %parallel_loop3A_118 : vector<16xi32>
      %parallel_loop3A_120 = tpu.vector_load_idx %arg5[%parallel_loop3A_119] : memref<2560xf32, #tpu.memory_space<vmem>>[vector<16xi32>], vector<16xf32>,
      %parallel_loop3A_121 = arith.constant 0 : i32
      %parallel_loop3A_122 = arith.index_cast %parallel_loop3A_121 : i32 to index
      %parallel_loop3A_123 = arith.index_cast %parallel_loop3A_72 : i32 to index
      %parallel_loop3A_124 = arith.constant 64 : index
      %parallel_loop3A_125 = tpu.vector_load %arg7[%parallel_loop3A_122, %parallel_loop3A_123, %parallel_loop3A_124] {strides = array<i32>} : memref<2x256x128xf32, #tpu.memory_space<vmem>>, vector<16xf32>,
      tpu.vector_store %arg7[%parallel_loop3A_122, %parallel_loop3A_123, %parallel_loop3A_124], %parallel_loop3A_120 {strides = array<i32>} : memref<2x256x128xf32, #tpu.memory_space<vmem>>, vector<16xf32>,
      %parallel_loop3A_126 = arith.constant 80 : i32
      %parallel_loop3A_127 = vector.broadcast %parallel_loop3A_126 : i32 to vector<16xi32>
      %parallel_loop3A_128 = arith.addi %parallel_loop3A_80, %parallel_loop3A_127 : vector<16xi32>
      %parallel_loop3A_129 = tpu.vector_load_idx %arg5[%parallel_loop3A_128] : memref<2560xf32, #tpu.memory_space<vmem>>[vector<16xi32>], vector<16xf32>,
      %parallel_loop3A_130 = arith.constant 0 : i32
      %parallel_loop3A_131 = arith.index_cast %parallel_loop3A_130 : i32 to index
      %parallel_loop3A_132 = arith.index_cast %parallel_loop3A_72 : i32 to index
      %parallel_loop3A_133 = arith.constant 80 : index
      %parallel_loop3A_134 = tpu.vector_load %arg7[%parallel_loop3A_131, %parallel_loop3A_132, %parallel_loop3A_133] {strides = array<i32>} : memref<2x256x128xf32, #tpu.memory_space<vmem>>, vector<16xf32>,
      tpu.vector_store %arg7[%parallel_loop3A_131, %parallel_loop3A_132, %parallel_loop3A_133], %parallel_loop3A_129 {strides = array<i32>} : memref<2x256x128xf32, #tpu.memory_space<vmem>>, vector<16xf32>,
      %parallel_loop3A_135 = arith.constant 96 : i32
      %parallel_loop3A_136 = vector.broadcast %parallel_loop3A_135 : i32 to vector<16xi32>
      %parallel_loop3A_137 = arith.addi %parallel_loop3A_80, %parallel_loop3A_136 : vector<16xi32>
      %parallel_loop3A_138 = tpu.vector_load_idx %arg5[%parallel_loop3A_137] : memref<2560xf32, #tpu.memory_space<vmem>>[vector<16xi32>], vector<16xf32>,
      %parallel_loop3A_139 = arith.constant 0 : i32
      %parallel_loop3A_140 = arith.index_cast %parallel_loop3A_139 : i32 to index
      %parallel_loop3A_141 = arith.index_cast %parallel_loop3A_72 : i32 to index
      %parallel_loop3A_142 = arith.constant 96 : index
      %parallel_loop3A_143 = tpu.vector_load %arg7[%parallel_loop3A_140, %parallel_loop3A_141, %parallel_loop3A_142] {strides = array<i32>} : memref<2x256x128xf32, #tpu.memory_space<vmem>>, vector<16xf32>,
      tpu.vector_store %arg7[%parallel_loop3A_140, %parallel_loop3A_141, %parallel_loop3A_142], %parallel_loop3A_138 {strides = array<i32>} : memref<2x256x128xf32, #tpu.memory_space<vmem>>, vector<16xf32>,
      %parallel_loop3A_144 = arith.constant 112 : i32
      %parallel_loop3A_145 = vector.broadcast %parallel_loop3A_144 : i32 to vector<16xi32>
      %parallel_loop3A_146 = arith.addi %parallel_loop3A_80, %parallel_loop3A_145 : vector<16xi32>
      %parallel_loop3A_147 = tpu.vector_load_idx %arg5[%parallel_loop3A_146] : memref<2560xf32, #tpu.memory_space<vmem>>[vector<16xi32>], vector<16xf32>,
      %parallel_loop3A_148 = arith.constant 0 : i32
      %parallel_loop3A_149 = arith.index_cast %parallel_loop3A_148 : i32 to index
      %parallel_loop3A_150 = arith.index_cast %parallel_loop3A_72 : i32 to index
      %parallel_loop3A_151 = arith.constant 112 : index
      %parallel_loop3A_152 = tpu.vector_load %arg7[%parallel_loop3A_149, %parallel_loop3A_150, %parallel_loop3A_151] {strides = array<i32>} : memref<2x256x128xf32, #tpu.memory_space<vmem>>, vector<16xf32>,
      tpu.vector_store %arg7[%parallel_loop3A_149, %parallel_loop3A_150, %parallel_loop3A_151], %parallel_loop3A_147 {strides = array<i32>} : memref<2x256x128xf32, #tpu.memory_space<vmem>>, vector<16xf32>,
    } {sc.loop_unroll_factor = 8 : i64, sc.parallel_access}
    %add3A_5 = arith.constant 0 : i32
    %add3A_6 = arith.addi %mul3A_2, %add3A_5 : i32
    %dma_start3A = arith.constant 0 : i32
    %dma_start3A_7 = arith.constant 0 : i32
    %dma_start3A_8 = arith.constant 0 : i32
    %dma_start3A_9 = tpu.memref_slice %arg7[%dma_start3A, %dma_start3A_7, %dma_start3A_8] : memref<2x256x128xf32, #tpu.memory_space<vmem>> -> memref<1x256x128xf32, #tpu.memory_space<vmem>>
    %dma_start3A_10 = tpu.memref_squeeze %dma_start3A_9 : memref<1x256x128xf32, #tpu.memory_space<vmem>> -> memref<256x128xf32, #tpu.memory_space<vmem>>
    %dma_start3A_11 = arith.constant 0 : i32
    %dma_start3A_12 = tpu.memref_slice %arg4[%add3A_6, %dma_start3A_11] : memref<819200x128xf32, #tpu.memory_space<hbm>> -> memref<256x128xf32, #tpu.memory_space<hbm>>
    %dma_start3A_13 = arith.constant 0 : i32
    %dma_start3A_14 = tpu.memref_slice %arg4[%add3A_6, %dma_start3A_13] : memref<819200x128xf32, #tpu.memory_space<hbm>> -> memref<256x128xf32, #tpu.memory_space<hbm>>
    %dma_start3A_15 = arith.constant 0 : i32
    %dma_start3A_16 = arith.constant 0 : i32
    %dma_start3A_17 = tpu.memref_slice %arg7[%dma_start3A, %dma_start3A_15, %dma_start3A_16] : memref<2x256x128xf32, #tpu.memory_space<vmem>> -> memref<1x256x128xf32, #tpu.memory_space<vmem>>
    %dma_start3A_18 = tpu.memref_squeeze %dma_start3A_17 : memref<1x256x128xf32, #tpu.memory_space<vmem>> -> memref<256x128xf32, #tpu.memory_space<vmem>>
    tpu.enqueue_dma source(%dma_start3A_18 : memref<256x128xf32, #tpu.memory_space<vmem>>) target(%dma_start3A_14 : memref<256x128xf32, #tpu.memory_space<hbm>>) target_semaphore(%arg8 : memref<!tpu.dma_semaphore, #tpu.memory_space<semaphore_mem>>)
    %parallel_loop3A_19 = arith.constant 0 : i32
    %parallel_loop3A_20 = arith.constant 256 : i32
    %parallel_loop3A_21 = arith.constant 1 : i32
    scf.for %parallel_loop3A_72 = %parallel_loop3A_19 to %parallel_loop3A_20 step %parallel_loop3A_21  : i32 {
      %parallel_loop3A_73 = arith.constant 256 : i32
      %parallel_loop3A_74 = arith.addi %parallel_loop3A_73, %parallel_loop3A_72 : i32
      %parallel_loop3A_75 = vector.broadcast %parallel_loop3A_74 : i32 to vector<16xi32>
      %parallel_loop3A_76 = tpu.vector_load_idx %arg6[%parallel_loop3A_75] : memref<25600xi32, #tpu.memory_space<vmem>>[vector<16xi32>], vector<16xi32>,
      %parallel_loop3A_77 = arith.constant 128 : i32
      %parallel_loop3A_78 = vector.broadcast %parallel_loop3A_77 : i32 to vector<16xi32>
      %parallel_loop3A_79 = arith.muli %parallel_loop3A_76, %parallel_loop3A_78 : vector<16xi32>
      %parallel_loop3A_80 = arith.addi %parallel_loop3A_79, %iota3A : vector<16xi32>
      %parallel_loop3A_81 = arith.constant 0 : i32
      %parallel_loop3A_82 = vector.broadcast %parallel_loop3A_81 : i32 to vector<16xi32>
      %parallel_loop3A_83 = arith.addi %parallel_loop3A_80, %parallel_loop3A_82 : vector<16xi32>
      %parallel_loop3A_84 = tpu.vector_load_idx %arg5[%parallel_loop3A_83] : memref<2560xf32, #tpu.memory_space<vmem>>[vector<16xi32>], vector<16xf32>,
      %parallel_loop3A_85 = arith.constant 1 : i32
      %parallel_loop3A_86 = arith.index_cast %parallel_loop3A_85 : i32 to index
      %parallel_loop3A_87 = arith.index_cast %parallel_loop3A_72 : i32 to index
      %parallel_loop3A_88 = arith.constant 0 : index
      %parallel_loop3A_89 = tpu.vector_load %arg7[%parallel_loop3A_86, %parallel_loop3A_87, %parallel_loop3A_88] {strides = array<i32>} : memref<2x256x128xf32, #tpu.memory_space<vmem>>, vector<16xf32>,
      tpu.vector_store %arg7[%parallel_loop3A_86, %parallel_loop3A_87, %parallel_loop3A_88], %parallel_loop3A_84 {strides = array<i32>} : memref<2x256x128xf32, #tpu.memory_space<vmem>>, vector<16xf32>,
      %parallel_loop3A_90 = arith.constant 16 : i32
      %parallel_loop3A_91 = vector.broadcast %parallel_loop3A_90 : i32 to vector<16xi32>
      %parallel_loop3A_92 = arith.addi %parallel_loop3A_80, %parallel_loop3A_91 : vector<16xi32>
      %parallel_loop3A_93 = tpu.vector_load_idx %arg5[%parallel_loop3A_92] : memref<2560xf32, #tpu.memory_space<vmem>>[vector<16xi32>], vector<16xf32>,
      %parallel_loop3A_94 = arith.constant 1 : i32
      %parallel_loop3A_95 = arith.index_cast %parallel_loop3A_94 : i32 to index
      %parallel_loop3A_96 = arith.index_cast %parallel_loop3A_72 : i32 to index
      %parallel_loop3A_97 = arith.constant 16 : index
      %parallel_loop3A_98 = tpu.vector_load %arg7[%parallel_loop3A_95, %parallel_loop3A_96, %parallel_loop3A_97] {strides = array<i32>} : memref<2x256x128xf32, #tpu.memory_space<vmem>>, vector<16xf32>,
      tpu.vector_store %arg7[%parallel_loop3A_95, %parallel_loop3A_96, %parallel_loop3A_97], %parallel_loop3A_93 {strides = array<i32>} : memref<2x256x128xf32, #tpu.memory_space<vmem>>, vector<16xf32>,
      %parallel_loop3A_99 = arith.constant 32 : i32
      %parallel_loop3A_100 = vector.broadcast %parallel_loop3A_99 : i32 to vector<16xi32>
      %parallel_loop3A_101 = arith.addi %parallel_loop3A_80, %parallel_loop3A_100 : vector<16xi32>
      %parallel_loop3A_102 = tpu.vector_load_idx %arg5[%parallel_loop3A_101] : memref<2560xf32, #tpu.memory_space<vmem>>[vector<16xi32>], vector<16xf32>,
      %parallel_loop3A_103 = arith.constant 1 : i32
      %parallel_loop3A_104 = arith.index_cast %parallel_loop3A_103 : i32 to index
      %parallel_loop3A_105 = arith.index_cast %parallel_loop3A_72 : i32 to index
      %parallel_loop3A_106 = arith.constant 32 : index
      %parallel_loop3A_107 = tpu.vector_load %arg7[%parallel_loop3A_104, %parallel_loop3A_105, %parallel_loop3A_106] {strides = array<i32>} : memref<2x256x128xf32, #tpu.memory_space<vmem>>, vector<16xf32>,
      tpu.vector_store %arg7[%parallel_loop3A_104, %parallel_loop3A_105, %parallel_loop3A_106], %parallel_loop3A_102 {strides = array<i32>} : memref<2x256x128xf32, #tpu.memory_space<vmem>>, vector<16xf32>,
      %parallel_loop3A_108 = arith.constant 48 : i32
      %parallel_loop3A_109 = vector.broadcast %parallel_loop3A_108 : i32 to vector<16xi32>
      %parallel_loop3A_110 = arith.addi %parallel_loop3A_80, %parallel_loop3A_109 : vector<16xi32>
      %parallel_loop3A_111 = tpu.vector_load_idx %arg5[%parallel_loop3A_110] : memref<2560xf32, #tpu.memory_space<vmem>>[vector<16xi32>], vector<16xf32>,
      %parallel_loop3A_112 = arith.constant 1 : i32
      %parallel_loop3A_113 = arith.index_cast %parallel_loop3A_112 : i32 to index
      %parallel_loop3A_114 = arith.index_cast %parallel_loop3A_72 : i32 to index
      %parallel_loop3A_115 = arith.constant 48 : index
      %parallel_loop3A_116 = tpu.vector_load %arg7[%parallel_loop3A_113, %parallel_loop3A_114, %parallel_loop3A_115] {strides = array<i32>} : memref<2x256x128xf32, #tpu.memory_space<vmem>>, vector<16xf32>,
      tpu.vector_store %arg7[%parallel_loop3A_113, %parallel_loop3A_114, %parallel_loop3A_115], %parallel_loop3A_111 {strides = array<i32>} : memref<2x256x128xf32, #tpu.memory_space<vmem>>, vector<16xf32>,
      %parallel_loop3A_117 = arith.constant 64 : i32
      %parallel_loop3A_118 = vector.broadcast %parallel_loop3A_117 : i32 to vector<16xi32>
      %parallel_loop3A_119 = arith.addi %parallel_loop3A_80, %parallel_loop3A_118 : vector<16xi32>
      %parallel_loop3A_120 = tpu.vector_load_idx %arg5[%parallel_loop3A_119] : memref<2560xf32, #tpu.memory_space<vmem>>[vector<16xi32>], vector<16xf32>,
      %parallel_loop3A_121 = arith.constant 1 : i32
      %parallel_loop3A_122 = arith.index_cast %parallel_loop3A_121 : i32 to index
      %parallel_loop3A_123 = arith.index_cast %parallel_loop3A_72 : i32 to index
      %parallel_loop3A_124 = arith.constant 64 : index
      %parallel_loop3A_125 = tpu.vector_load %arg7[%parallel_loop3A_122, %parallel_loop3A_123, %parallel_loop3A_124] {strides = array<i32>} : memref<2x256x128xf32, #tpu.memory_space<vmem>>, vector<16xf32>,
      tpu.vector_store %arg7[%parallel_loop3A_122, %parallel_loop3A_123, %parallel_loop3A_124], %parallel_loop3A_120 {strides = array<i32>} : memref<2x256x128xf32, #tpu.memory_space<vmem>>, vector<16xf32>,
      %parallel_loop3A_126 = arith.constant 80 : i32
      %parallel_loop3A_127 = vector.broadcast %parallel_loop3A_126 : i32 to vector<16xi32>
      %parallel_loop3A_128 = arith.addi %parallel_loop3A_80, %parallel_loop3A_127 : vector<16xi32>
      %parallel_loop3A_129 = tpu.vector_load_idx %arg5[%parallel_loop3A_128] : memref<2560xf32, #tpu.memory_space<vmem>>[vector<16xi32>], vector<16xf32>,
      %parallel_loop3A_130 = arith.constant 1 : i32
      %parallel_loop3A_131 = arith.index_cast %parallel_loop3A_130 : i32 to index
      %parallel_loop3A_132 = arith.index_cast %parallel_loop3A_72 : i32 to index
      %parallel_loop3A_133 = arith.constant 80 : index
      %parallel_loop3A_134 = tpu.vector_load %arg7[%parallel_loop3A_131, %parallel_loop3A_132, %parallel_loop3A_133] {strides = array<i32>} : memref<2x256x128xf32, #tpu.memory_space<vmem>>, vector<16xf32>,
      tpu.vector_store %arg7[%parallel_loop3A_131, %parallel_loop3A_132, %parallel_loop3A_133], %parallel_loop3A_129 {strides = array<i32>} : memref<2x256x128xf32, #tpu.memory_space<vmem>>, vector<16xf32>,
      %parallel_loop3A_135 = arith.constant 96 : i32
      %parallel_loop3A_136 = vector.broadcast %parallel_loop3A_135 : i32 to vector<16xi32>
      %parallel_loop3A_137 = arith.addi %parallel_loop3A_80, %parallel_loop3A_136 : vector<16xi32>
      %parallel_loop3A_138 = tpu.vector_load_idx %arg5[%parallel_loop3A_137] : memref<2560xf32, #tpu.memory_space<vmem>>[vector<16xi32>], vector<16xf32>,
      %parallel_loop3A_139 = arith.constant 1 : i32
      %parallel_loop3A_140 = arith.index_cast %parallel_loop3A_139 : i32 to index
      %parallel_loop3A_141 = arith.index_cast %parallel_loop3A_72 : i32 to index
      %parallel_loop3A_142 = arith.constant 96 : index
      %parallel_loop3A_143 = tpu.vector_load %arg7[%parallel_loop3A_140, %parallel_loop3A_141, %parallel_loop3A_142] {strides = array<i32>} : memref<2x256x128xf32, #tpu.memory_space<vmem>>, vector<16xf32>,
      tpu.vector_store %arg7[%parallel_loop3A_140, %parallel_loop3A_141, %parallel_loop3A_142], %parallel_loop3A_138 {strides = array<i32>} : memref<2x256x128xf32, #tpu.memory_space<vmem>>, vector<16xf32>,
      %parallel_loop3A_144 = arith.constant 112 : i32
      %parallel_loop3A_145 = vector.broadcast %parallel_loop3A_144 : i32 to vector<16xi32>
      %parallel_loop3A_146 = arith.addi %parallel_loop3A_80, %parallel_loop3A_145 : vector<16xi32>
      %parallel_loop3A_147 = tpu.vector_load_idx %arg5[%parallel_loop3A_146] : memref<2560xf32, #tpu.memory_space<vmem>>[vector<16xi32>], vector<16xf32>,
      %parallel_loop3A_148 = arith.constant 1 : i32
      %parallel_loop3A_149 = arith.index_cast %parallel_loop3A_148 : i32 to index
      %parallel_loop3A_150 = arith.index_cast %parallel_loop3A_72 : i32 to index
      %parallel_loop3A_151 = arith.constant 112 : index
      %parallel_loop3A_152 = tpu.vector_load %arg7[%parallel_loop3A_149, %parallel_loop3A_150, %parallel_loop3A_151] {strides = array<i32>} : memref<2x256x128xf32, #tpu.memory_space<vmem>>, vector<16xf32>,
      tpu.vector_store %arg7[%parallel_loop3A_149, %parallel_loop3A_150, %parallel_loop3A_151], %parallel_loop3A_147 {strides = array<i32>} : memref<2x256x128xf32, #tpu.memory_space<vmem>>, vector<16xf32>,
    } {sc.loop_unroll_factor = 8 : i64, sc.parallel_access}
    %add3A_22 = arith.constant 256 : i32
    %add3A_23 = arith.addi %mul3A_2, %add3A_22 : i32
    %dma_start3A_24 = arith.constant 1 : i32
    %dma_start3A_25 = arith.constant 0 : i32
    %dma_start3A_26 = arith.constant 0 : i32
    %dma_start3A_27 = tpu.memref_slice %arg7[%dma_start3A_24, %dma_start3A_25, %dma_start3A_26] : memref<2x256x128xf32, #tpu.memory_space<vmem>> -> memref<1x256x128xf32, #tpu.memory_space<vmem>>
    %dma_start3A_28 = tpu.memref_squeeze %dma_start3A_27 : memref<1x256x128xf32, #tpu.memory_space<vmem>> -> memref<256x128xf32, #tpu.memory_space<vmem>>
    %dma_start3A_29 = arith.constant 0 : i32
    %dma_start3A_30 = tpu.memref_slice %arg4[%add3A_23, %dma_start3A_29] : memref<819200x128xf32, #tpu.memory_space<hbm>> -> memref<256x128xf32, #tpu.memory_space<hbm>>
    %dma_start3A_31 = arith.constant 0 : i32
    %dma_start3A_32 = tpu.memref_slice %arg4[%add3A_23, %dma_start3A_31] : memref<819200x128xf32, #tpu.memory_space<hbm>> -> memref<256x128xf32, #tpu.memory_space<hbm>>
    %dma_start3A_33 = arith.constant 0 : i32
    %dma_start3A_34 = arith.constant 0 : i32
    %dma_start3A_35 = tpu.memref_slice %arg7[%dma_start3A_24, %dma_start3A_33, %dma_start3A_34] : memref<2x256x128xf32, #tpu.memory_space<vmem>> -> memref<1x256x128xf32, #tpu.memory_space<vmem>>
    %dma_start3A_36 = tpu.memref_squeeze %dma_start3A_35 : memref<1x256x128xf32, #tpu.memory_space<vmem>> -> memref<256x128xf32, #tpu.memory_space<vmem>>
    tpu.enqueue_dma source(%dma_start3A_36 : memref<256x128xf32, #tpu.memory_space<vmem>>) target(%dma_start3A_32 : memref<256x128xf32, #tpu.memory_space<hbm>>) target_semaphore(%arg8 : memref<!tpu.dma_semaphore, #tpu.memory_space<semaphore_mem>>)
    %scan3A = arith.constant 0 : i32
    %scan3A_37 = arith.constant 1 : i32
    %scan3A_38 = arith.constant 49 : i32
    %scan3A_39 = arith.addi %scan3A_37, %scan3A_38 : i32
    %scan3A_40 = arith.constant 1 : i32
    %scan3A_41 = scf.for %scan3A_72 = %scan3A_37 to %scan3A_39 step %scan3A_40 iter_args(%scan3A_73 = %scan3A) -> (i32)  : i32 {
      %mul3A_74 = arith.constant 2 : i32
      %mul3A_75 = arith.muli %scan3A_72, %mul3A_74 : i32
      %add3A_76 = arith.constant 0 : i32
      %add3A_77 = arith.addi %mul3A_75, %add3A_76 : i32
      %dma_wait3A_78 = arith.constant 0 : i32
      %dma_wait3A_79 = arith.constant 0 : i32
      %dma_wait3A_80 = arith.constant 0 : i32
      %dma_wait3A_81 = tpu.memref_slice %arg7[%dma_wait3A_78, %dma_wait3A_79, %dma_wait3A_80] : memref<2x256x128xf32, #tpu.memory_space<vmem>> -> memref<1x256x128xf32, #tpu.memory_space<vmem>>
      %dma_wait3A_82 = tpu.memref_squeeze %dma_wait3A_81 : memref<1x256x128xf32, #tpu.memory_space<vmem>> -> memref<256x128xf32, #tpu.memory_space<vmem>>
      %dma_wait3A_83 = arith.constant 0 : i32
      %dma_wait3A_84 = arith.constant 0 : i32
      %dma_wait3A_85 = tpu.memref_slice %arg4[%dma_wait3A_83, %dma_wait3A_84] : memref<819200x128xf32, #tpu.memory_space<hbm>> -> memref<256x128xf32, #tpu.memory_space<hbm>>
      %dma_wait3A_86 = arith.constant 0 : i32
      %dma_wait3A_87 = arith.constant 0 : i32
      %dma_wait3A_88 = tpu.memref_slice %arg4[%dma_wait3A_86, %dma_wait3A_87] : memref<819200x128xf32, #tpu.memory_space<hbm>> -> memref<256x128xf32, #tpu.memory_space<hbm>>
      %dma_wait3A_89 = arith.constant 0 : i32
      %dma_wait3A_90 = arith.constant 0 : i32
      %dma_wait3A_91 = tpu.memref_slice %arg7[%dma_wait3A_78, %dma_wait3A_89, %dma_wait3A_90] : memref<2x256x128xf32, #tpu.memory_space<vmem>> -> memref<1x256x128xf32, #tpu.memory_space<vmem>>
      %dma_wait3A_92 = tpu.memref_squeeze %dma_wait3A_91 : memref<1x256x128xf32, #tpu.memory_space<vmem>> -> memref<256x128xf32, #tpu.memory_space<vmem>>
      tpu.wait_dma2 semaphore(%arg8 : memref<!tpu.dma_semaphore, #tpu.memory_space<semaphore_mem>>) src(%dma_wait3A_92 : memref<256x128xf32, #tpu.memory_space<vmem>>) dst(%dma_wait3A_88 : memref<256x128xf32, #tpu.memory_space<hbm>>)
      %parallel_loop3A_93 = arith.constant 0 : i32
      %parallel_loop3A_94 = arith.constant 256 : i32
      %parallel_loop3A_95 = arith.constant 1 : i32
      scf.for %parallel_loop3A_151 = %parallel_loop3A_93 to %parallel_loop3A_94 step %parallel_loop3A_95  : i32 {
        %parallel_loop3A_152 = arith.constant 256 : i32
        %parallel_loop3A_153 = arith.muli %add3A_77, %parallel_loop3A_152 : i32
        %parallel_loop3A_154 = arith.addi %parallel_loop3A_153, %parallel_loop3A_151 : i32
        %parallel_loop3A_155 = vector.broadcast %parallel_loop3A_154 : i32 to vector<16xi32>
        %parallel_loop3A_156 = tpu.vector_load_idx %arg6[%parallel_loop3A_155] : memref<25600xi32, #tpu.memory_space<vmem>>[vector<16xi32>], vector<16xi32>,
        %parallel_loop3A_157 = arith.constant 128 : i32
        %parallel_loop3A_158 = vector.broadcast %parallel_loop3A_157 : i32 to vector<16xi32>
        %parallel_loop3A_159 = arith.muli %parallel_loop3A_156, %parallel_loop3A_158 : vector<16xi32>
        %parallel_loop3A_160 = arith.addi %parallel_loop3A_159, %iota3A : vector<16xi32>
        %parallel_loop3A_161 = arith.constant 0 : i32
        %parallel_loop3A_162 = vector.broadcast %parallel_loop3A_161 : i32 to vector<16xi32>
        %parallel_loop3A_163 = arith.addi %parallel_loop3A_160, %parallel_loop3A_162 : vector<16xi32>
        %parallel_loop3A_164 = tpu.vector_load_idx %arg5[%parallel_loop3A_163] : memref<2560xf32, #tpu.memory_space<vmem>>[vector<16xi32>], vector<16xf32>,
        %parallel_loop3A_165 = arith.constant 0 : i32
        %parallel_loop3A_166 = arith.index_cast %parallel_loop3A_165 : i32 to index
        %parallel_loop3A_167 = arith.index_cast %parallel_loop3A_151 : i32 to index
        %parallel_loop3A_168 = arith.constant 0 : index
        %parallel_loop3A_169 = tpu.vector_load %arg7[%parallel_loop3A_166, %parallel_loop3A_167, %parallel_loop3A_168] {strides = array<i32>} : memref<2x256x128xf32, #tpu.memory_space<vmem>>, vector<16xf32>,
        tpu.vector_store %arg7[%parallel_loop3A_166, %parallel_loop3A_167, %parallel_loop3A_168], %parallel_loop3A_164 {strides = array<i32>} : memref<2x256x128xf32, #tpu.memory_space<vmem>>, vector<16xf32>,
        %parallel_loop3A_170 = arith.constant 16 : i32
        %parallel_loop3A_171 = vector.broadcast %parallel_loop3A_170 : i32 to vector<16xi32>
        %parallel_loop3A_172 = arith.addi %parallel_loop3A_160, %parallel_loop3A_171 : vector<16xi32>
        %parallel_loop3A_173 = tpu.vector_load_idx %arg5[%parallel_loop3A_172] : memref<2560xf32, #tpu.memory_space<vmem>>[vector<16xi32>], vector<16xf32>,
        %parallel_loop3A_174 = arith.constant 0 : i32
        %parallel_loop3A_175 = arith.index_cast %parallel_loop3A_174 : i32 to index
        %parallel_loop3A_176 = arith.index_cast %parallel_loop3A_151 : i32 to index
        %parallel_loop3A_177 = arith.constant 16 : index
        %parallel_loop3A_178 = tpu.vector_load %arg7[%parallel_loop3A_175, %parallel_loop3A_176, %parallel_loop3A_177] {strides = array<i32>} : memref<2x256x128xf32, #tpu.memory_space<vmem>>, vector<16xf32>,
        tpu.vector_store %arg7[%parallel_loop3A_175, %parallel_loop3A_176, %parallel_loop3A_177], %parallel_loop3A_173 {strides = array<i32>} : memref<2x256x128xf32, #tpu.memory_space<vmem>>, vector<16xf32>,
        %parallel_loop3A_179 = arith.constant 32 : i32
        %parallel_loop3A_180 = vector.broadcast %parallel_loop3A_179 : i32 to vector<16xi32>
        %parallel_loop3A_181 = arith.addi %parallel_loop3A_160, %parallel_loop3A_180 : vector<16xi32>
        %parallel_loop3A_182 = tpu.vector_load_idx %arg5[%parallel_loop3A_181] : memref<2560xf32, #tpu.memory_space<vmem>>[vector<16xi32>], vector<16xf32>,
        %parallel_loop3A_183 = arith.constant 0 : i32
        %parallel_loop3A_184 = arith.index_cast %parallel_loop3A_183 : i32 to index
        %parallel_loop3A_185 = arith.index_cast %parallel_loop3A_151 : i32 to index
        %parallel_loop3A_186 = arith.constant 32 : index
        %parallel_loop3A_187 = tpu.vector_load %arg7[%parallel_loop3A_184, %parallel_loop3A_185, %parallel_loop3A_186] {strides = array<i32>} : memref<2x256x128xf32, #tpu.memory_space<vmem>>, vector<16xf32>,
        tpu.vector_store %arg7[%parallel_loop3A_184, %parallel_loop3A_185, %parallel_loop3A_186], %parallel_loop3A_182 {strides = array<i32>} : memref<2x256x128xf32, #tpu.memory_space<vmem>>, vector<16xf32>,
        %parallel_loop3A_188 = arith.constant 48 : i32
        %parallel_loop3A_189 = vector.broadcast %parallel_loop3A_188 : i32 to vector<16xi32>
        %parallel_loop3A_190 = arith.addi %parallel_loop3A_160, %parallel_loop3A_189 : vector<16xi32>
        %parallel_loop3A_191 = tpu.vector_load_idx %arg5[%parallel_loop3A_190] : memref<2560xf32, #tpu.memory_space<vmem>>[vector<16xi32>], vector<16xf32>,
        %parallel_loop3A_192 = arith.constant 0 : i32
        %parallel_loop3A_193 = arith.index_cast %parallel_loop3A_192 : i32 to index
        %parallel_loop3A_194 = arith.index_cast %parallel_loop3A_151 : i32 to index
        %parallel_loop3A_195 = arith.constant 48 : index
        %parallel_loop3A_196 = tpu.vector_load %arg7[%parallel_loop3A_193, %parallel_loop3A_194, %parallel_loop3A_195] {strides = array<i32>} : memref<2x256x128xf32, #tpu.memory_space<vmem>>, vector<16xf32>,
        tpu.vector_store %arg7[%parallel_loop3A_193, %parallel_loop3A_194, %parallel_loop3A_195], %parallel_loop3A_191 {strides = array<i32>} : memref<2x256x128xf32, #tpu.memory_space<vmem>>, vector<16xf32>,
        %parallel_loop3A_197 = arith.constant 64 : i32
        %parallel_loop3A_198 = vector.broadcast %parallel_loop3A_197 : i32 to vector<16xi32>
        %parallel_loop3A_199 = arith.addi %parallel_loop3A_160, %parallel_loop3A_198 : vector<16xi32>
        %parallel_loop3A_200 = tpu.vector_load_idx %arg5[%parallel_loop3A_199] : memref<2560xf32, #tpu.memory_space<vmem>>[vector<16xi32>], vector<16xf32>,
        %parallel_loop3A_201 = arith.constant 0 : i32
        %parallel_loop3A_202 = arith.index_cast %parallel_loop3A_201 : i32 to index
        %parallel_loop3A_203 = arith.index_cast %parallel_loop3A_151 : i32 to index
        %parallel_loop3A_204 = arith.constant 64 : index
        %parallel_loop3A_205 = tpu.vector_load %arg7[%parallel_loop3A_202, %parallel_loop3A_203, %parallel_loop3A_204] {strides = array<i32>} : memref<2x256x128xf32, #tpu.memory_space<vmem>>, vector<16xf32>,
        tpu.vector_store %arg7[%parallel_loop3A_202, %parallel_loop3A_203, %parallel_loop3A_204], %parallel_loop3A_200 {strides = array<i32>} : memref<2x256x128xf32, #tpu.memory_space<vmem>>, vector<16xf32>,
        %parallel_loop3A_206 = arith.constant 80 : i32
        %parallel_loop3A_207 = vector.broadcast %parallel_loop3A_206 : i32 to vector<16xi32>
        %parallel_loop3A_208 = arith.addi %parallel_loop3A_160, %parallel_loop3A_207 : vector<16xi32>
        %parallel_loop3A_209 = tpu.vector_load_idx %arg5[%parallel_loop3A_208] : memref<2560xf32, #tpu.memory_space<vmem>>[vector<16xi32>], vector<16xf32>,
        %parallel_loop3A_210 = arith.constant 0 : i32
        %parallel_loop3A_211 = arith.index_cast %parallel_loop3A_210 : i32 to index
        %parallel_loop3A_212 = arith.index_cast %parallel_loop3A_151 : i32 to index
        %parallel_loop3A_213 = arith.constant 80 : index
        %parallel_loop3A_214 = tpu.vector_load %arg7[%parallel_loop3A_211, %parallel_loop3A_212, %parallel_loop3A_213] {strides = array<i32>} : memref<2x256x128xf32, #tpu.memory_space<vmem>>, vector<16xf32>,
        tpu.vector_store %arg7[%parallel_loop3A_211, %parallel_loop3A_212, %parallel_loop3A_213], %parallel_loop3A_209 {strides = array<i32>} : memref<2x256x128xf32, #tpu.memory_space<vmem>>, vector<16xf32>,
        %parallel_loop3A_215 = arith.constant 96 : i32
        %parallel_loop3A_216 = vector.broadcast %parallel_loop3A_215 : i32 to vector<16xi32>
        %parallel_loop3A_217 = arith.addi %parallel_loop3A_160, %parallel_loop3A_216 : vector<16xi32>
        %parallel_loop3A_218 = tpu.vector_load_idx %arg5[%parallel_loop3A_217] : memref<2560xf32, #tpu.memory_space<vmem>>[vector<16xi32>], vector<16xf32>,
        %parallel_loop3A_219 = arith.constant 0 : i32
        %parallel_loop3A_220 = arith.index_cast %parallel_loop3A_219 : i32 to index
        %parallel_loop3A_221 = arith.index_cast %parallel_loop3A_151 : i32 to index
        %parallel_loop3A_222 = arith.constant 96 : index
        %parallel_loop3A_223 = tpu.vector_load %arg7[%parallel_loop3A_220, %parallel_loop3A_221, %parallel_loop3A_222] {strides = array<i32>} : memref<2x256x128xf32, #tpu.memory_space<vmem>>, vector<16xf32>,
        tpu.vector_store %arg7[%parallel_loop3A_220, %parallel_loop3A_221, %parallel_loop3A_222], %parallel_loop3A_218 {strides = array<i32>} : memref<2x256x128xf32, #tpu.memory_space<vmem>>, vector<16xf32>,
        %parallel_loop3A_224 = arith.constant 112 : i32
        %parallel_loop3A_225 = vector.broadcast %parallel_loop3A_224 : i32 to vector<16xi32>
        %parallel_loop3A_226 = arith.addi %parallel_loop3A_160, %parallel_loop3A_225 : vector<16xi32>
        %parallel_loop3A_227 = tpu.vector_load_idx %arg5[%parallel_loop3A_226] : memref<2560xf32, #tpu.memory_space<vmem>>[vector<16xi32>], vector<16xf32>,
        %parallel_loop3A_228 = arith.constant 0 : i32
        %parallel_loop3A_229 = arith.index_cast %parallel_loop3A_228 : i32 to index
        %parallel_loop3A_230 = arith.index_cast %parallel_loop3A_151 : i32 to index
        %parallel_loop3A_231 = arith.constant 112 : index
        %parallel_loop3A_232 = tpu.vector_load %arg7[%parallel_loop3A_229, %parallel_loop3A_230, %parallel_loop3A_231] {strides = array<i32>} : memref<2x256x128xf32, #tpu.memory_space<vmem>>, vector<16xf32>,
        tpu.vector_store %arg7[%parallel_loop3A_229, %parallel_loop3A_230, %parallel_loop3A_231], %parallel_loop3A_227 {strides = array<i32>} : memref<2x256x128xf32, #tpu.memory_space<vmem>>, vector<16xf32>,
      } {sc.loop_unroll_factor = 8 : i64, sc.parallel_access}
      %mul3A_96 = arith.constant 256 : i32
      %mul3A_97 = arith.muli %add3A_77, %mul3A_96 : i32
      %add3A_98 = arith.addi %mul3A_2, %mul3A_97 : i32
      %dma_start3A_99 = arith.constant 0 : i32
      %dma_start3A_100 = arith.constant 0 : i32
      %dma_start3A_101 = arith.constant 0 : i32
      %dma_start3A_102 = tpu.memref_slice %arg7[%dma_start3A_99, %dma_start3A_100, %dma_start3A_101] : memref<2x256x128xf32, #tpu.memory_space<vmem>> -> memref<1x256x128xf32, #tpu.memory_space<vmem>>
      %dma_start3A_103 = tpu.memref_squeeze %dma_start3A_102 : memref<1x256x128xf32, #tpu.memory_space<vmem>> -> memref<256x128xf32, #tpu.memory_space<vmem>>
      %dma_start3A_104 = arith.constant 0 : i32
      %dma_start3A_105 = tpu.memref_slice %arg4[%add3A_98, %dma_start3A_104] : memref<819200x128xf32, #tpu.memory_space<hbm>> -> memref<256x128xf32, #tpu.memory_space<hbm>>
      %dma_start3A_106 = arith.constant 0 : i32
      %dma_start3A_107 = tpu.memref_slice %arg4[%add3A_98, %dma_start3A_106] : memref<819200x128xf32, #tpu.memory_space<hbm>> -> memref<256x128xf32, #tpu.memory_space<hbm>>
      %dma_start3A_108 = arith.constant 0 : i32
      %dma_start3A_109 = arith.constant 0 : i32
      %dma_start3A_110 = tpu.memref_slice %arg7[%dma_start3A_99, %dma_start3A_108, %dma_start3A_109] : memref<2x256x128xf32, #tpu.memory_space<vmem>> -> memref<1x256x128xf32, #tpu.memory_space<vmem>>
      %dma_start3A_111 = tpu.memref_squeeze %dma_start3A_110 : memref<1x256x128xf32, #tpu.memory_space<vmem>> -> memref<256x128xf32, #tpu.memory_space<vmem>>
      tpu.enqueue_dma source(%dma_start3A_111 : memref<256x128xf32, #tpu.memory_space<vmem>>) target(%dma_start3A_107 : memref<256x128xf32, #tpu.memory_space<hbm>>) target_semaphore(%arg8 : memref<!tpu.dma_semaphore, #tpu.memory_space<semaphore_mem>>)
      %mul3A_112 = arith.constant 2 : i32
      %mul3A_113 = arith.muli %scan3A_72, %mul3A_112 : i32
      %add3A_114 = arith.constant 1 : i32
      %add3A_115 = arith.addi %mul3A_113, %add3A_114 : i32
      %dma_wait3A_116 = arith.constant 1 : i32
      %dma_wait3A_117 = arith.constant 0 : i32
      %dma_wait3A_118 = arith.constant 0 : i32
      %dma_wait3A_119 = tpu.memref_slice %arg7[%dma_wait3A_116, %dma_wait3A_117, %dma_wait3A_118] : memref<2x256x128xf32, #tpu.memory_space<vmem>> -> memref<1x256x128xf32, #tpu.memory_space<vmem>>
      %dma_wait3A_120 = tpu.memref_squeeze %dma_wait3A_119 : memref<1x256x128xf32, #tpu.memory_space<vmem>> -> memref<256x128xf32, #tpu.memory_space<vmem>>
      %dma_wait3A_121 = arith.constant 0 : i32
      %dma_wait3A_122 = arith.constant 0 : i32
      %dma_wait3A_123 = tpu.memref_slice %arg4[%dma_wait3A_121, %dma_wait3A_122] : memref<819200x128xf32, #tpu.memory_space<hbm>> -> memref<256x128xf32, #tpu.memory_space<hbm>>
      %dma_wait3A_124 = arith.constant 0 : i32
      %dma_wait3A_125 = arith.constant 0 : i32
      %dma_wait3A_126 = tpu.memref_slice %arg4[%dma_wait3A_124, %dma_wait3A_125] : memref<819200x128xf32, #tpu.memory_space<hbm>> -> memref<256x128xf32, #tpu.memory_space<hbm>>
      %dma_wait3A_127 = arith.constant 0 : i32
      %dma_wait3A_128 = arith.constant 0 : i32
      %dma_wait3A_129 = tpu.memref_slice %arg7[%dma_wait3A_116, %dma_wait3A_127, %dma_wait3A_128] : memref<2x256x128xf32, #tpu.memory_space<vmem>> -> memref<1x256x128xf32, #tpu.memory_space<vmem>>
      %dma_wait3A_130 = tpu.memref_squeeze %dma_wait3A_129 : memref<1x256x128xf32, #tpu.memory_space<vmem>> -> memref<256x128xf32, #tpu.memory_space<vmem>>
      tpu.wait_dma2 semaphore(%arg8 : memref<!tpu.dma_semaphore, #tpu.memory_space<semaphore_mem>>) src(%dma_wait3A_130 : memref<256x128xf32, #tpu.memory_space<vmem>>) dst(%dma_wait3A_126 : memref<256x128xf32, #tpu.memory_space<hbm>>)
      %parallel_loop3A_131 = arith.constant 0 : i32
      %parallel_loop3A_132 = arith.constant 256 : i32
      %parallel_loop3A_133 = arith.constant 1 : i32
      scf.for %parallel_loop3A_151 = %parallel_loop3A_131 to %parallel_loop3A_132 step %parallel_loop3A_133  : i32 {
        %parallel_loop3A_152 = arith.constant 256 : i32
        %parallel_loop3A_153 = arith.muli %add3A_115, %parallel_loop3A_152 : i32
        %parallel_loop3A_154 = arith.addi %parallel_loop3A_153, %parallel_loop3A_151 : i32
        %parallel_loop3A_155 = vector.broadcast %parallel_loop3A_154 : i32 to vector<16xi32>
        %parallel_loop3A_156 = tpu.vector_load_idx %arg6[%parallel_loop3A_155] : memref<25600xi32, #tpu.memory_space<vmem>>[vector<16xi32>], vector<16xi32>,
        %parallel_loop3A_157 = arith.constant 128 : i32
        %parallel_loop3A_158 = vector.broadcast %parallel_loop3A_157 : i32 to vector<16xi32>
        %parallel_loop3A_159 = arith.muli %parallel_loop3A_156, %parallel_loop3A_158 : vector<16xi32>
        %parallel_loop3A_160 = arith.addi %parallel_loop3A_159, %iota3A : vector<16xi32>
        %parallel_loop3A_161 = arith.constant 0 : i32
        %parallel_loop3A_162 = vector.broadcast %parallel_loop3A_161 : i32 to vector<16xi32>
        %parallel_loop3A_163 = arith.addi %parallel_loop3A_160, %parallel_loop3A_162 : vector<16xi32>
        %parallel_loop3A_164 = tpu.vector_load_idx %arg5[%parallel_loop3A_163] : memref<2560xf32, #tpu.memory_space<vmem>>[vector<16xi32>], vector<16xf32>,
        %parallel_loop3A_165 = arith.constant 1 : i32
        %parallel_loop3A_166 = arith.index_cast %parallel_loop3A_165 : i32 to index
        %parallel_loop3A_167 = arith.index_cast %parallel_loop3A_151 : i32 to index
        %parallel_loop3A_168 = arith.constant 0 : index
        %parallel_loop3A_169 = tpu.vector_load %arg7[%parallel_loop3A_166, %parallel_loop3A_167, %parallel_loop3A_168] {strides = array<i32>} : memref<2x256x128xf32, #tpu.memory_space<vmem>>, vector<16xf32>,
        tpu.vector_store %arg7[%parallel_loop3A_166, %parallel_loop3A_167, %parallel_loop3A_168], %parallel_loop3A_164 {strides = array<i32>} : memref<2x256x128xf32, #tpu.memory_space<vmem>>, vector<16xf32>,
        %parallel_loop3A_170 = arith.constant 16 : i32
        %parallel_loop3A_171 = vector.broadcast %parallel_loop3A_170 : i32 to vector<16xi32>
        %parallel_loop3A_172 = arith.addi %parallel_loop3A_160, %parallel_loop3A_171 : vector<16xi32>
        %parallel_loop3A_173 = tpu.vector_load_idx %arg5[%parallel_loop3A_172] : memref<2560xf32, #tpu.memory_space<vmem>>[vector<16xi32>], vector<16xf32>,
        %parallel_loop3A_174 = arith.constant 1 : i32
        %parallel_loop3A_175 = arith.index_cast %parallel_loop3A_174 : i32 to index
        %parallel_loop3A_176 = arith.index_cast %parallel_loop3A_151 : i32 to index
        %parallel_loop3A_177 = arith.constant 16 : index
        %parallel_loop3A_178 = tpu.vector_load %arg7[%parallel_loop3A_175, %parallel_loop3A_176, %parallel_loop3A_177] {strides = array<i32>} : memref<2x256x128xf32, #tpu.memory_space<vmem>>, vector<16xf32>,
        tpu.vector_store %arg7[%parallel_loop3A_175, %parallel_loop3A_176, %parallel_loop3A_177], %parallel_loop3A_173 {strides = array<i32>} : memref<2x256x128xf32, #tpu.memory_space<vmem>>, vector<16xf32>,
        %parallel_loop3A_179 = arith.constant 32 : i32
        %parallel_loop3A_180 = vector.broadcast %parallel_loop3A_179 : i32 to vector<16xi32>
        %parallel_loop3A_181 = arith.addi %parallel_loop3A_160, %parallel_loop3A_180 : vector<16xi32>
        %parallel_loop3A_182 = tpu.vector_load_idx %arg5[%parallel_loop3A_181] : memref<2560xf32, #tpu.memory_space<vmem>>[vector<16xi32>], vector<16xf32>,
        %parallel_loop3A_183 = arith.constant 1 : i32
        %parallel_loop3A_184 = arith.index_cast %parallel_loop3A_183 : i32 to index
        %parallel_loop3A_185 = arith.index_cast %parallel_loop3A_151 : i32 to index
        %parallel_loop3A_186 = arith.constant 32 : index
        %parallel_loop3A_187 = tpu.vector_load %arg7[%parallel_loop3A_184, %parallel_loop3A_185, %parallel_loop3A_186] {strides = array<i32>} : memref<2x256x128xf32, #tpu.memory_space<vmem>>, vector<16xf32>,
        tpu.vector_store %arg7[%parallel_loop3A_184, %parallel_loop3A_185, %parallel_loop3A_186], %parallel_loop3A_182 {strides = array<i32>} : memref<2x256x128xf32, #tpu.memory_space<vmem>>, vector<16xf32>,
        %parallel_loop3A_188 = arith.constant 48 : i32
        %parallel_loop3A_189 = vector.broadcast %parallel_loop3A_188 : i32 to vector<16xi32>
        %parallel_loop3A_190 = arith.addi %parallel_loop3A_160, %parallel_loop3A_189 : vector<16xi32>
        %parallel_loop3A_191 = tpu.vector_load_idx %arg5[%parallel_loop3A_190] : memref<2560xf32, #tpu.memory_space<vmem>>[vector<16xi32>], vector<16xf32>,
        %parallel_loop3A_192 = arith.constant 1 : i32
        %parallel_loop3A_193 = arith.index_cast %parallel_loop3A_192 : i32 to index
        %parallel_loop3A_194 = arith.index_cast %parallel_loop3A_151 : i32 to index
        %parallel_loop3A_195 = arith.constant 48 : index
        %parallel_loop3A_196 = tpu.vector_load %arg7[%parallel_loop3A_193, %parallel_loop3A_194, %parallel_loop3A_195] {strides = array<i32>} : memref<2x256x128xf32, #tpu.memory_space<vmem>>, vector<16xf32>,
        tpu.vector_store %arg7[%parallel_loop3A_193, %parallel_loop3A_194, %parallel_loop3A_195], %parallel_loop3A_191 {strides = array<i32>} : memref<2x256x128xf32, #tpu.memory_space<vmem>>, vector<16xf32>,
        %parallel_loop3A_197 = arith.constant 64 : i32
        %parallel_loop3A_198 = vector.broadcast %parallel_loop3A_197 : i32 to vector<16xi32>
        %parallel_loop3A_199 = arith.addi %parallel_loop3A_160, %parallel_loop3A_198 : vector<16xi32>
        %parallel_loop3A_200 = tpu.vector_load_idx %arg5[%parallel_loop3A_199] : memref<2560xf32, #tpu.memory_space<vmem>>[vector<16xi32>], vector<16xf32>,
        %parallel_loop3A_201 = arith.constant 1 : i32
        %parallel_loop3A_202 = arith.index_cast %parallel_loop3A_201 : i32 to index
        %parallel_loop3A_203 = arith.index_cast %parallel_loop3A_151 : i32 to index
        %parallel_loop3A_204 = arith.constant 64 : index
        %parallel_loop3A_205 = tpu.vector_load %arg7[%parallel_loop3A_202, %parallel_loop3A_203, %parallel_loop3A_204] {strides = array<i32>} : memref<2x256x128xf32, #tpu.memory_space<vmem>>, vector<16xf32>,
        tpu.vector_store %arg7[%parallel_loop3A_202, %parallel_loop3A_203, %parallel_loop3A_204], %parallel_loop3A_200 {strides = array<i32>} : memref<2x256x128xf32, #tpu.memory_space<vmem>>, vector<16xf32>,
        %parallel_loop3A_206 = arith.constant 80 : i32
        %parallel_loop3A_207 = vector.broadcast %parallel_loop3A_206 : i32 to vector<16xi32>
        %parallel_loop3A_208 = arith.addi %parallel_loop3A_160, %parallel_loop3A_207 : vector<16xi32>
        %parallel_loop3A_209 = tpu.vector_load_idx %arg5[%parallel_loop3A_208] : memref<2560xf32, #tpu.memory_space<vmem>>[vector<16xi32>], vector<16xf32>,
        %parallel_loop3A_210 = arith.constant 1 : i32
        %parallel_loop3A_211 = arith.index_cast %parallel_loop3A_210 : i32 to index
        %parallel_loop3A_212 = arith.index_cast %parallel_loop3A_151 : i32 to index
        %parallel_loop3A_213 = arith.constant 80 : index
        %parallel_loop3A_214 = tpu.vector_load %arg7[%parallel_loop3A_211, %parallel_loop3A_212, %parallel_loop3A_213] {strides = array<i32>} : memref<2x256x128xf32, #tpu.memory_space<vmem>>, vector<16xf32>,
        tpu.vector_store %arg7[%parallel_loop3A_211, %parallel_loop3A_212, %parallel_loop3A_213], %parallel_loop3A_209 {strides = array<i32>} : memref<2x256x128xf32, #tpu.memory_space<vmem>>, vector<16xf32>,
        %parallel_loop3A_215 = arith.constant 96 : i32
        %parallel_loop3A_216 = vector.broadcast %parallel_loop3A_215 : i32 to vector<16xi32>
        %parallel_loop3A_217 = arith.addi %parallel_loop3A_160, %parallel_loop3A_216 : vector<16xi32>
        %parallel_loop3A_218 = tpu.vector_load_idx %arg5[%parallel_loop3A_217] : memref<2560xf32, #tpu.memory_space<vmem>>[vector<16xi32>], vector<16xf32>,
        %parallel_loop3A_219 = arith.constant 1 : i32
        %parallel_loop3A_220 = arith.index_cast %parallel_loop3A_219 : i32 to index
        %parallel_loop3A_221 = arith.index_cast %parallel_loop3A_151 : i32 to index
        %parallel_loop3A_222 = arith.constant 96 : index
        %parallel_loop3A_223 = tpu.vector_load %arg7[%parallel_loop3A_220, %parallel_loop3A_221, %parallel_loop3A_222] {strides = array<i32>} : memref<2x256x128xf32, #tpu.memory_space<vmem>>, vector<16xf32>,
        tpu.vector_store %arg7[%parallel_loop3A_220, %parallel_loop3A_221, %parallel_loop3A_222], %parallel_loop3A_218 {strides = array<i32>} : memref<2x256x128xf32, #tpu.memory_space<vmem>>, vector<16xf32>,
        %parallel_loop3A_224 = arith.constant 112 : i32
        %parallel_loop3A_225 = vector.broadcast %parallel_loop3A_224 : i32 to vector<16xi32>
        %parallel_loop3A_226 = arith.addi %parallel_loop3A_160, %parallel_loop3A_225 : vector<16xi32>
        %parallel_loop3A_227 = tpu.vector_load_idx %arg5[%parallel_loop3A_226] : memref<2560xf32, #tpu.memory_space<vmem>>[vector<16xi32>], vector<16xf32>,
        %parallel_loop3A_228 = arith.constant 1 : i32
        %parallel_loop3A_229 = arith.index_cast %parallel_loop3A_228 : i32 to index
        %parallel_loop3A_230 = arith.index_cast %parallel_loop3A_151 : i32 to index
        %parallel_loop3A_231 = arith.constant 112 : index
        %parallel_loop3A_232 = tpu.vector_load %arg7[%parallel_loop3A_229, %parallel_loop3A_230, %parallel_loop3A_231] {strides = array<i32>} : memref<2x256x128xf32, #tpu.memory_space<vmem>>, vector<16xf32>,
        tpu.vector_store %arg7[%parallel_loop3A_229, %parallel_loop3A_230, %parallel_loop3A_231], %parallel_loop3A_227 {strides = array<i32>} : memref<2x256x128xf32, #tpu.memory_space<vmem>>, vector<16xf32>,
      } {sc.loop_unroll_factor = 8 : i64, sc.parallel_access}
      %mul3A_134 = arith.constant 256 : i32
      %mul3A_135 = arith.muli %add3A_115, %mul3A_134 : i32
      %add3A_136 = arith.addi %mul3A_2, %mul3A_135 : i32
      %dma_start3A_137 = arith.constant 1 : i32
      %dma_start3A_138 = arith.constant 0 : i32
      %dma_start3A_139 = arith.constant 0 : i32
      %dma_start3A_140 = tpu.memref_slice %arg7[%dma_start3A_137, %dma_start3A_138, %dma_start3A_139] : memref<2x256x128xf32, #tpu.memory_space<vmem>> -> memref<1x256x128xf32, #tpu.memory_space<vmem>>
      %dma_start3A_141 = tpu.memref_squeeze %dma_start3A_140 : memref<1x256x128xf32, #tpu.memory_space<vmem>> -> memref<256x128xf32, #tpu.memory_space<vmem>>
      %dma_start3A_142 = arith.constant 0 : i32
      %dma_start3A_143 = tpu.memref_slice %arg4[%add3A_136, %dma_start3A_142] : memref<819200x128xf32, #tpu.memory_space<hbm>> -> memref<256x128xf32, #tpu.memory_space<hbm>>
      %dma_start3A_144 = arith.constant 0 : i32
      %dma_start3A_145 = tpu.memref_slice %arg4[%add3A_136, %dma_start3A_144] : memref<819200x128xf32, #tpu.memory_space<hbm>> -> memref<256x128xf32, #tpu.memory_space<hbm>>
      %dma_start3A_146 = arith.constant 0 : i32
      %dma_start3A_147 = arith.constant 0 : i32
      %dma_start3A_148 = tpu.memref_slice %arg7[%dma_start3A_137, %dma_start3A_146, %dma_start3A_147] : memref<2x256x128xf32, #tpu.memory_space<vmem>> -> memref<1x256x128xf32, #tpu.memory_space<vmem>>
      %dma_start3A_149 = tpu.memref_squeeze %dma_start3A_148 : memref<1x256x128xf32, #tpu.memory_space<vmem>> -> memref<256x128xf32, #tpu.memory_space<vmem>>
      tpu.enqueue_dma source(%dma_start3A_149 : memref<256x128xf32, #tpu.memory_space<vmem>>) target(%dma_start3A_145 : memref<256x128xf32, #tpu.memory_space<hbm>>) target_semaphore(%arg8 : memref<!tpu.dma_semaphore, #tpu.memory_space<semaphore_mem>>)
      %scan3A_150 = arith.constant 0 : i32
      scf.yield %scan3A_150 : i32
    }
    %scan3A_42 = arith.constant 49 : i32
    %dma_wait3A = arith.constant 0 : i32
    %dma_wait3A_43 = arith.constant 0 : i32
    %dma_wait3A_44 = arith.constant 0 : i32
    %dma_wait3A_45 = tpu.memref_slice %arg7[%dma_wait3A, %dma_wait3A_43, %dma_wait3A_44] : memref<2x256x128xf32, #tpu.memory_space<vmem>> -> memref<1x256x128xf32, #tpu.memory_space<vmem>>
    %dma_wait3A_46 = tpu.memref_squeeze %dma_wait3A_45 : memref<1x256x128xf32, #tpu.memory_space<vmem>> -> memref<256x128xf32, #tpu.memory_space<vmem>>
    %dma_wait3A_47 = arith.constant 0 : i32
    %dma_wait3A_48 = arith.constant 0 : i32
    %dma_wait3A_49 = tpu.memref_slice %arg4[%dma_wait3A_47, %dma_wait3A_48] : memref<819200x128xf32, #tpu.memory_space<hbm>> -> memref<256x128xf32, #tpu.memory_space<hbm>>
    %dma_wait3A_50 = arith.constant 0 : i32
    %dma_wait3A_51 = arith.constant 0 : i32
    %dma_wait3A_52 = tpu.memref_slice %arg4[%dma_wait3A_50, %dma_wait3A_51] : memref<819200x128xf32, #tpu.memory_space<hbm>> -> memref<256x128xf32, #tpu.memory_space<hbm>>
    %dma_wait3A_53 = arith.constant 0 : i32
    %dma_wait3A_54 = arith.constant 0 : i32
    %dma_wait3A_55 = tpu.memref_slice %arg7[%dma_wait3A, %dma_wait3A_53, %dma_wait3A_54] : memref<2x256x128xf32, #tpu.memory_space<vmem>> -> memref<1x256x128xf32, #tpu.memory_space<vmem>>
    %dma_wait3A_56 = tpu.memref_squeeze %dma_wait3A_55 : memref<1x256x128xf32, #tpu.memory_space<vmem>> -> memref<256x128xf32, #tpu.memory_space<vmem>>
    tpu.wait_dma2 semaphore(%arg8 : memref<!tpu.dma_semaphore, #tpu.memory_space<semaphore_mem>>) src(%dma_wait3A_56 : memref<256x128xf32, #tpu.memory_space<vmem>>) dst(%dma_wait3A_52 : memref<256x128xf32, #tpu.memory_space<hbm>>)
    %dma_wait3A_57 = arith.constant 1 : i32
    %dma_wait3A_58 = arith.constant 0 : i32
    %dma_wait3A_59 = arith.constant 0 : i32
    %dma_wait3A_60 = tpu.memref_slice %arg7[%dma_wait3A_57, %dma_wait3A_58, %dma_wait3A_59] : memref<2x256x128xf32, #tpu.memory_space<vmem>> -> memref<1x256x128xf32, #tpu.memory_space<vmem>>
    %dma_wait3A_61 = tpu.memref_squeeze %dma_wait3A_60 : memref<1x256x128xf32, #tpu.memory_space<vmem>> -> memref<256x128xf32, #tpu.memory_space<vmem>>
    %dma_wait3A_62 = arith.constant 0 : i32
    %dma_wait3A_63 = arith.constant 0 : i32
    %dma_wait3A_64 = tpu.memref_slice %arg4[%dma_wait3A_62, %dma_wait3A_63] : memref<819200x128xf32, #tpu.memory_space<hbm>> -> memref<256x128xf32, #tpu.memory_space<hbm>>
    %dma_wait3A_65 = arith.constant 0 : i32
    %dma_wait3A_66 = arith.constant 0 : i32
    %dma_wait3A_67 = tpu.memref_slice %arg4[%dma_wait3A_65, %dma_wait3A_66] : memref<819200x128xf32, #tpu.memory_space<hbm>> -> memref<256x128xf32, #tpu.memory_space<hbm>>
    %dma_wait3A_68 = arith.constant 0 : i32
    %dma_wait3A_69 = arith.constant 0 : i32
    %dma_wait3A_70 = tpu.memref_slice %arg7[%dma_wait3A_57, %dma_wait3A_68, %dma_wait3A_69] : memref<2x256x128xf32, #tpu.memory_space<vmem>> -> memref<1x256x128xf32, #tpu.memory_space<vmem>>
    %dma_wait3A_71 = tpu.memref_squeeze %dma_wait3A_70 : memref<1x256x128xf32, #tpu.memory_space<vmem>> -> memref<256x128xf32, #tpu.memory_space<vmem>>
    tpu.wait_dma2 semaphore(%arg8 : memref<!tpu.dma_semaphore, #tpu.memory_space<semaphore_mem>>) src(%dma_wait3A_71 : memref<256x128xf32, #tpu.memory_space<vmem>>) dst(%dma_wait3A_67 : memref<256x128xf32, #tpu.memory_space<hbm>>)
    return
  }
}

</mosaic_0001>

<sc_bundles>
// kernel: kernel.3.cloned.1.call-start
scs
__scs_entry_jumppad:
0x0: {  	(pc) =	sbr.rel $0x88, $3  }
0x1: {  	(tag) =	ssettag $0x0;
	lr =	simm.s32 $0x1  }
0x2: {  	[smem:$0x3F9F] =	sst lr;
	_ =	strace $0xD0000000  }
0x3: {  	_ = 	snop  }
0x4: {  	_ = 	snop  }
0x5: {  	_ = 	snop  }
0x6: {  	_ = 	snop  }
0x7: {  	_ = 	snop  }
__scs_overlays_trampoline_lowered:
0x8: {  	[smem:$0x3FAE] =	sst s0  }
0x9: {  	[smem:$0x3FAF] =	sst s1  }
0xa: {  	[smem:$0x3FB0] =	sst s2  }
0xb: {  	[smem:$0x3FB1] =	sst s3  }
0xc: {  	[smem:$0x3FB2] =	sst s4  }
0xd: {  	[smem:$0x3FB3] =	sst s5  }
0xe: {  	[smem:$0x3FB4] =	sst s6  }
0xf: {  	[smem:$0x3FB5] =	sst s7  }
0x10: {  	[smem:$0x3FB6] =	sst s8  }
0x11: {  	[smem:$0x3FB7] =	sst s9;
	s0 =	simm.s32 @!p0 $0x0  }
0x12: {  	s1 =	sld [smem:$0x3F9D];
	s0 =	simm.s32 @p0 $0x1  }
0x13: {  	[smem:$0x3FB8] =	sst s0;
	s0 =	simm.s32 @!p1 $0x0  }
0x14: {  	s2 =	sld [smem:$0x3F9C];
	s0 =	simm.s32 @p1 $0x1  }
0x15: {  	[smem:$0x3FB9] =	sst s0;
	s0 =	simm.s32 @!p2 $0x0  }
0x16: {  	s3 =	sld [smem:$0x3FDB];
	s0 =	simm.s32 @p2 $0x1  }
0x17: {  	s4 =	simm.s32 $0x1BF5;
	[smem:$0x3FBB] =	sst s0  }
0x18: {  	s0 =	sld [smem:$0x3F9E];
	_ =	swait.ge [sflag:s4], $0x0  }
0x19: {  	s7 =	sld [smem:$0x3F9F]  }
0x1a: {  	s8 =	sadd.s32 $0xFFFFE003, lr  }
0x1b: {  	s9 =	sadd.s32 $0xFFFFFEF7, lr;
	s5 =	simm.s32 $0xFFFFFFFF;
	p2 =	slt.u32 s8, $0xFFFFF086  }
0x1c: {  	p1 =	slt.u32 s9, $0xF7A;
	s5 =	simm.s32 @!p2 $0x0  }
0x1d: {  	s5 =	simm.s32 @p1 $0x1;
	p0 =	seq.s32 s7, s2  }
0x1e: {  	s7 =	smul.u32 @!p0 $0xF7A, s2;
	p2 =	seq.s32 @!p0 s5, $0x0  }
0x1f: {  	s9 =	smul.u32 $0xF7A, s1;
	s8 =	simm.s32 @!p0 $0x1BF5;
	p2 =	por !p2, p0  }
0x20: {  	[sflag:s8] =	ssyncset.s32 @!p0 $0xFFFFF086;
	s6 =	sadd.s32 @!p0 s3, s7;
	s7 =	simm.s32 @!p0 $0x108  }
0x21: {  	s3 =	sadd.s32 s3, s9;
	s6 =	sadd.s32 @!p0 $0x88, s6;
	s7 =	simm.s32 @p2 $0x1082  }
0x22: {  	[simem:s7], [sflag:s8] =	dma.local @!p0 [hbm:s6], $0xF7A  }
0x23: {  	s9 =	sor.u32 $0xD0000000, s2;
	s6 =	simm.s32 $0x108;
	_ =	swait.ge @!p0 [sflag:s8], $0x0  }
0x24: {  	s3 =	sadd.s32 $0x88, s3;
	s6 =	simm.s32 @!p1 $0x1082;
	[sflag:s4] =	ssyncset.s32 $0xFFFFF086  }
0x25: {  	[simem:s6], [sflag:s4] =	dma.local [hbm:s3], $0xF7A  }
0x26: {  	[smem:$0x3F9F] =	sst s1;
	(tag) =	ssettag s2;
	_ =	strace s9  }
0x27: {  	s1 =	sld [smem:$0x3FAF]  }
0x28: {  	s2 =	sld [smem:$0x3FB0]  }
0x29: {  	s4 =	sld [smem:$0x3FB2]  }
0x2a: {  	p0 =	seq.s32 s5, $0x0;
	s5 =	sld [smem:$0x3FB3]  }
0x2b: {  	s6 =	sld [smem:$0x3FB4]  }
0x2c: {  	s7 =	sld [smem:$0x3FB5]  }
0x2d: {  	s3 =	simm.s32 $0x108;
	s8 =	sld [smem:$0x3FB6]  }
0x2e: {  	s3 =	simm.s32 @!p0 $0x1082;
	s9 =	sld [smem:$0x3FB7]  }
0x2f: {  	lr =	sadd.s32 s0, s3;
	s0 =	sld [smem:$0x3FAE]  }
0x30: {  	s3 =	sld [smem:$0x3FB1]  }
0x31: {  	[smem:$0x3FBA] =	sst s10  }
0x32: {  	s10 =	sld [smem:$0x3FB8];
	_ =	sdelay $0x3  }
0x33: {  	p0 =	seq.s32 s10, $0x1;
	s10 =	sld [smem:$0x3FBA];
	_ =	sdelay $0x3  }
0x34: {  	[smem:$0x3FBA] =	sst s10  }
0x35: {  	s10 =	sld [smem:$0x3FB9];
	_ =	sdelay $0x3  }
0x36: {  	p1 =	seq.s32 s10, $0x1;
	s10 =	sld [smem:$0x3FBA];
	_ =	sdelay $0x3  }
0x37: {  	[smem:$0x3FBA] =	sst s10  }
0x38: {  	s10 =	sld [smem:$0x3FBB]  }
0x39: {  	_ = 	snop;
	(pc) =	sbr.ind lr, $3  }
0x3a: {  	_ = 	snop  }
0x3b: {  	_ = 	snop  }
0x3c: {  	p2 =	seq.s32 s10, $0x1;
	s10 =	sld [smem:$0x3FBA]  }
0x3d: {  	_ =	shalt  }
0x3e: {  	_ =	shalt  }
0x3f: {  	_ =	shalt  }
0x40: {  	_ =	shalt  }
0x41: {  	_ =	shalt  }
0x42: {  	_ =	shalt  }
0x43: {  	_ =	shalt  }
0x44: {  	_ =	shalt  }
0x45: {  	_ =	shalt  }
0x46: {  	_ =	shalt  }
0x47: {  	_ =	shalt  }
0x48: {  	_ =	shalt  }
0x49: {  	_ =	shalt  }
0x4a: {  	_ =	shalt  }
0x4b: {  	_ =	shalt  }
0x4c: {  	_ =	shalt  }
0x4d: {  	_ =	shalt  }
0x4e: {  	_ =	shalt  }
0x4f: {  	_ =	shalt  }
0x50: {  	_ =	shalt  }
0x51: {  	_ =	shalt  }
0x52: {  	_ =	shalt  }
0x53: {  	_ =	shalt  }
0x54: {  	_ =	shalt  }
0x55: {  	_ =	shalt  }
0x56: {  	_ =	shalt  }
0x57: {  	_ =	shalt  }
0x58: {  	_ =	shalt  }
0x59: {  	_ =	shalt  }
0x5a: {  	_ =	shalt  }
0x5b: {  	_ =	shalt  }
0x5c: {  	_ =	shalt  }
0x5d: {  	_ =	shalt  }
0x5e: {  	_ =	shalt  }
0x5f: {  	_ =	shalt  }
0x60: {  	_ =	shalt  }
0x61: {  	_ =	shalt  }
0x62: {  	_ =	shalt  }
0x63: {  	_ =	shalt  }
0x64: {  	_ =	shalt  }
0x65: {  	_ =	shalt  }
0x66: {  	_ =	shalt  }
0x67: {  	_ =	shalt  }
0x68: {  	_ =	shalt  }
0x69: {  	_ =	shalt  }
0x6a: {  	_ =	shalt  }
0x6b: {  	_ =	shalt  }
0x6c: {  	_ =	shalt  }
0x6d: {  	_ =	shalt  }
0x6e: {  	_ =	shalt  }
0x6f: {  	_ =	shalt  }
0x70: {  	_ =	shalt  }
0x71: {  	_ =	shalt  }
0x72: {  	_ =	shalt  }
0x73: {  	_ =	shalt  }
0x74: {  	_ =	shalt  }
0x75: {  	_ =	shalt  }
0x76: {  	_ =	shalt  }
0x77: {  	_ =	shalt  }
0x78: {  	_ =	shalt  }
0x79: {  	_ =	shalt  }
0x7a: {  	_ =	shalt  }
0x7b: {  	_ =	shalt  }
0x7c: {  	_ =	shalt  }
0x7d: {  	_ =	shalt  }
0x7e: {  	_ =	shalt  }
0x7f: {  	_ =	shalt  }
0x80: {  	_ =	shalt  }
0x81: {  	_ =	shalt  }
0x82: {  	_ =	shalt  }
0x83: {  	_ =	shalt  }
0x84: {  	_ =	shalt  }
0x85: {  	_ =	shalt  }
0x86: {  	_ =	shalt  }
0x87: {  	_ =	shalt  }
.Lfunc_end0:
.L_simem_size_0:
called_computation_lowered:
.L_overlay_start_0:
0x88: {  	s2 =	sld [smem:$0x3FD9]  }
0x89: {  	s3 =	sld [smem:$0x3FFE];
	_ =	sdelay $0x1  }
0x8a: {  	s1 =	srdreg.scid  }
0x8b: {  	s0 =	sand.u32 $0x1, s1  }
0x8c: {  	s17 =	sshll.u32 s0, $0xA;
	s2 =	sadd.s32 s3, s2  }
0x8d: {  	s2 =	sadd.s32 s2, s17  }
0x8e: {  	[smem:$0x3FC6] =	sst s2  }
0x8f: {  	_ = 	snop  }
0x90: {  	s2 =	sld [smem:$0x3FC8]  }
0x91: {  	s18 =	sld [smem:$0x3FD0];
	(tm) =	ssettm $0x1  }
0x92: {  	s4 =	sld [smem:$0x3FFB];
	_ =	sdelay $0x3  }
0x93: {  	_ =	strace s4  }
0x94: {  	s4 =	sld [smem:$0x3FFC];
	_ =	sdelay $0x3  }
0x95: {  	_ =	strace s4  }
0x96: {  	s4 =	sld [smem:$0x3FFD];
	_ =	sdelay $0x3  }
0x97: {  	_ =	strace s4  }
0x98: {  	_ =	strace $0x8FFFFFFF  }
0x99: {  	s19 =	sld [smem:$0x3FDB];
	_ =	sdelay $0x1  }
0x9a: {  	s5 =	simm.s32 $_scs_section_size  }
0x9b: {  	s6 =	simm.s32 $_size__tile_overlayer_lowered;
	s7 =	simm.s32 $_tile_overlayer_lowered  }
0x9c: {  	s22 =	simm.s32 $0x1BFF;
	s21 =	sshll.u32 s7, $0x1;
	s4 =	sadd.s32 s5, s19  }
0x9d: {  	s8 =	simm.s32 $0x0;
	s20 =	sshll.u32 s6, $0x1;
	s6 =	sadd.s32 s21, s4  }
0x9e: {  	[timem:s8], [sflag:s22] =	dma.local [hbm:s6], s20  }
0x9f: {  	_ =	swait.ge [sflag:s22], s20  }
0xa0: {  	s5 =	ssub.s32 $0x0, s20;
	[sflag:s22] =	ssyncset.done $0x0  }
0xa1: {  	[sflag:s22] =	ssyncadd.s32 s5;
	_ =	sdelay $0x1  }
0xa2: {  	s23 =	simm.s32 $0x1B8B  }
0xa3: {  	_ =	swait.ge [sflag:s23], $0x1  }
0xa4: {  	[sflag:s23] =	ssyncset.done $0x0  }
0xa5: {  	s25 =	simm.s32 $0x1B8E;
	s24 =	sld [smem:$0x3FFE];
	[sflag:s23] =	ssyncadd.s32 $0xFFFFFFFF  }
0xa6: {  	s26 =	simm.s32 $execute0_lowered;
	[smem:$0x3FD2] =	sst s25  }
0xa7: {  	s6 =	sshll.u32 s26, $0x1;
	_ =	strace $0x80000046;
	[dreg:$0x1] =	wrdreg $0xFFFFFFFF  }
0xa8: {  	s28 =	simm.s32 $_size_execute0_lowered;
	s4 =	sadd.s32 s4, s6;
	[dreg:$0x0] =	wrdreg $0x0  }
0xa9: {  	s6 =	sshll.u32 s28, $0x1;
	[dreg:$0x2] =	wrdreg s4  }
0xaa: {  	[dreg:$0x3] =	wrdreg s6  }
0xab: {  	[dreg:$0x4] =	wrdreg $0xC0  }
0xac: {  	_ =	task [dreg:s8], $0x5FFFF  }
0xad: {  	[dreg:$0x1] =	wrdreg $0xFFFFFFFF  }
0xae: {  	[dreg:$0x0] =	wrdreg $0x60  }
0xaf: {  	[dreg:$0x2] =	wrdreg s24  }
0xb0: {  	[dreg:$0x3] =	wrdreg s2  }
0xb1: {  	[dreg:$0x4] =	wrdreg s18  }
0xb2: {  	[dreg:$0x5] =	wrdreg $0x9  }
0xb3: {  	_ =	task.clear_ibuf [dreg:s8], $0x6FFFF;
	_ =	strace $0x90000046  }
0xb4: {  	s29 =	simm.s32 $0x9;
	_ =	strace $0x80000048  }
0xb5: {  	_ =	swait.ge [sflag:s29], $0x1  }
0xb6: {  	[sflag:s29] =	ssyncadd.s32 $0xFFFFFFFF  }
0xb7: {  	_ =	strace $0x90000048  }
0xb8: {  	_ =	sfence  }
0xb9: {  	s30 =	sld [smem:$0x0];
	_ =	sdelay $0x2  }
0xba: {  	s31 =	sshll.u32 s1, $0xD;
	s1 =	sshrl.u32 s1, $0x2  }
0xbb: {  	s3 =	sand.u32 $0x4000, s31;
	s1 =	sadd.s32 s1, s30  }
0xbc: {  	s0 =	sor.u32 s3, s0;
	s1 =	sshll.u32 s1, $0x11  }
0xbd: {  	s0 =	sor.u32 s1, s0  }
0xbe: {  	s0 =	sadd.s32 $0x8F2B, s0  }
0xbf: {  	[sflag:s0] =	ssyncadd.remote.s32 $0x1  }
0xc0: {  	_ =	sfence.sel $0xFFFF  }
0xc1: {  	[dreg:$0x0] =	wrdreg $0xFFFFFFFF;
	(pc) =	sbr.abs _section_cstart, $3  }
0xc2: {  	[dreg:$0x1] =	wrdreg $0xFFFFFFFF  }
0xc3: {  	_ =	task.clear_ibuf [dreg:s8], $0x2FFFF;
	_ =	strace $0x9FFFFFFF  }
0xc4: {  	(tm) =	ssettm $0x7FFFFFFF  }
0xc5: {  	_ =	shalt  }
tec
execute0_lowered:
.L_overlay_start_1:
0x0: {  	(tag) =	ssettag $0x1  }
0x1: {  	s5 =	rddreg [dreg:$0x0]  }
0x2: {  	s1 =	srdreg.scid;
	s2 =	rddreg [dreg:$0x1]  }
0x3: {  	s0 =	stileid.u32;
	s3 =	rddreg [dreg:$0x2]  }
0x4: {  	s4 =	simm.s32 $0x0;
	s11 =	simm.s32 $0xA00;
	s12 =	simm.s32 $0x6E00  }
0x5: {  	s13 =	simm.s32 $0xEE00;
	s6 =	sand.u32 $0x1, s1;
	s30 =	sshll.u32 s0, $0x1  }
0x6: {  	s14 =	simm.s32 $0x1;
	s15 =	simm.s32 $0x0;
	s8 =	sor.u32 s6, s30  }
0x7: {  	s1 =	rddreg [dreg:$0x3];
	s6 =	ssub.s32 $0x2, s6;
	s7 =	smul.u32 $0xC80, s8  }
0x8: {  	v0 =	vlaneseq.u32;
	[smem:$0x7FF] =	sst s4;
	s9 =	smul.u32 $0x64000, s8;
	s31 =	sshrl.u32 s6, $0x1  }
0x9: {  	v1 =	vor.u32 $0x10, v0;
	_ =	strace $0x80000047;
	s8 =	smul.u32 $0x320000, s8;
	s10 =	ssub.s32 s6, s31  }
0xa: {  	v2 =	vor.u32 $0x20, v0;
	v3 =	vor.u32 $0x30, v0;
	v4 =	vor.u32 $0x40, v0;
	s5 =	sadd.s32 s7, s5;
	s6 =	sadd.s32 s3, s9;
	s9 =	smax.u32 s10, $0x1  }
0xb: {  	v5 =	vor.u32 $0x50, v0;
	v6 =	vor.u32 $0x60, v0;
	v7 =	vor.u32 $0x70, v0;
	s10 =	simm.s32 $0x2;
	s5 =	sadd.s32 $0x400, s5;
	s7 =	sadd.s32 $0x1000, s6  }
.LBB2_1:
0xc: {  	[tilespmem:s4], [sflag:$0x2] =	stream.linear.gather [hbm4b:s2+s4], $0xA00, $0x38;
	[tilespmem:$0x16E00] =	vst v63  }
0xd: {  	s16 =	simm.s32 $0x1  }
0xe: {  	s17 =	simm.s32 $0x6;
	s18 =	simm.s32 $0x7;
	_ =	swait.ge [sflag:s10], $0xA00;
	v8 =	vmov s16  }
0xf: {  	s23 =	simm.s32 $0x3;
	v10 =	vmov s17;
	v11 =	vmov s18;
	[sflag:s10] =	ssyncset.done $0x0;
	v8 =	vand.u32 $0xFFFFFFF9, v8  }
0x10: {  	s22 =	simm.s32 $0x2;
	v12 =	vmov s23;
	v10 =	vand.u32 $0xFFFFFFFE, v10;
	[sflag:s10] =	ssyncadd.s32 $0xFFFFF600;
	v8 =	vbroadcast v8, $0x0  }
0x11: {  	v15 =	vmov s4;
	v12 =	vand.u32 $0xFFFFFFFB, v12;
	v10 =	vbroadcast v10, $0x0;
	[tilespmem:s11], [sflag:$0x2] =	stream.linear.gather [hbm4b:s5+s4], $0x6400, $0x38;
	[tilespmem:$0x16E00] =	vst v63  }
0x12: {  	s25 =	simm.s32 $0x5;
	v9 =	vmov s22;
	v15 =	vand.u32 $0xFFFFFFF8, v15;
	v12 =	vbroadcast v12, $0x0;
	_ =	swait.ge [sflag:s10], $0x6400  }
0x13: {  	s24 =	simm.s32 $0x4;
	v14 =	vmov s25;
	v9 =	vand.u32 $0xFFFFFFFA, v9;
	v15 =	vbroadcast v15, $0x0;
	[sflag:s10] =	ssyncset.done $0x0  }
0x14: {  	v13 =	vmov s24;
	v14 =	vand.u32 $0xFFFFFFFD, v14;
	v9 =	vbroadcast v9, $0x0;
	[sflag:s10] =	ssyncadd.s32 $0xFFFF9C00  }
0x15: {  	s26 =	simm.s32 $0x9;
	v13 =	vand.u32 $0xFFFFFFFC, v13;
	v14 =	vbroadcast v14, $0x0;
	v11 =	vld.idx.msk [tilespmem:v11+s11+$0x0], $0xffff  }
0x16: {  	s28 =	simm.s32 $0xA;
	s29 =	simm.s32 $0xF;
	v13 =	vbroadcast v13, $0x0;
	v16 =	vld.idx.msk [tilespmem:v8+s11+$0x0], $0xffff;
	v8 =	vmov s26  }
0x17: {  	s30 =	simm.s32 $0xB;
	v17 =	vmov s28;
	v18 =	vmov s29;
	v10 =	vld.idx.msk [tilespmem:v10+s11+$0x0], $0xffff;
	v8 =	vand.u32 $0xFFFFFFF9, v8  }
0x18: {  	v21 =	vld.idx.msk [tilespmem:v12+s11+$0x0], $0xffff;
	v20 =	vbroadcast v8, $0x0;
	v8 =	vand.u32 $0xFFFFFFFA, v17;
	v17 =	vmov s30  }
0x19: {  	v24 =	vld.idx.msk [tilespmem:v15+s11+$0x0], $0xffff;
	v22 =	vbroadcast v8, $0x0;
	v8 =	vand.u32 $0xFFFFFFFB, v17  }
0x1a: {  	v9 =	vld.idx.msk [tilespmem:v9+s11+$0x0], $0xffff;
	v23 =	vbroadcast v8, $0x0  }
0x1b: {  	v14 =	vld.idx.msk [tilespmem:v14+s11+$0x0], $0xffff;
	v12 =	vshll.u32 v11, $0x7  }
0x1c: {  	v13 =	vld.idx.msk [tilespmem:v13+s11+$0x0], $0xffff;
	v19 =	vshll.u32 v10, $0x7;
	v25 =	vor.u32 v0, v12  }
0x1d: {  	v8 =	vld.idx.msk [tilespmem:v18+s11+$0x0], $0xffff;
	v17 =	vshll.u32 v16, $0x7;
	v16 =	vshll.u32 v21, $0x7;
	v26 =	vor.u32 v0, v19  }
0x1e: {  	v21 =	vor.u32 v0, v16;
	v11 =	vld.idx.msk [tilespmem:v20+s11+$0x0], $0xffff  }
0x1f: {  	v18 =	vshll.u32 v9, $0x7;
	v20 =	vor.u32 v0, v17;
	v10 =	vld.idx.msk [tilespmem:v22+s11+$0x0], $0xffff  }
0x20: {  	v14 =	vshll.u32 v14, $0x7;
	v22 =	vor.u32 v0, v18;
	v9 =	vld.idx.msk [tilespmem:v23+s11+$0x0], $0xffff  }
0x21: {  	v15 =	vshll.u32 v13, $0x7;
	v13 =	vshll.u32 v24, $0x7;
	v24 =	vor.u32 v0, v14;
	v25 =	vld.idx.msk [tilespmem:v25+s4+$0x0], $0xffff  }
0x22: {  	v23 =	vor.u32 v0, v15;
	v26 =	vld.idx.msk [tilespmem:v26+s4+$0x0], $0xffff  }
0x23: {  	v27 =	vor.u32 v0, v13;
	v21 =	vld.idx.msk [tilespmem:v21+s4+$0x0], $0xffff  }
0x24: {  	v28 =	vor.u32 v1, v19;
	v20 =	vld.idx.msk [tilespmem:v20+s4+$0x0], $0xffff  }
0x25: {  	v29 =	vor.u32 v1, v17;
	v22 =	vld.idx.msk [tilespmem:v22+s4+$0x0], $0xffff  }
0x26: {  	v30 =	vor.u32 v1, v18;
	v24 =	vld.idx.msk [tilespmem:v24+s4+$0x0], $0xffff  }
0x27: {  	s16 =	simm.s32 $0x7000;
	v31 =	vor.u32 v1, v16;
	v23 =	vld.idx.msk [tilespmem:v23+s4+$0x0], $0xffff  }
0x28: {  	v32 =	vor.u32 v1, v15;
	v27 =	vld.idx.msk [tilespmem:v27+s4+$0x0], $0xffff;
	[tilespmem:s16+$0x100] =	vst v26  }
0x29: {  	v26 =	vld.idx.msk [tilespmem:v28+s4+$0x0], $0xffff;
	v28 =	vor.u32 v1, v13;
	[tilespmem:s16+$0xFFFFFE80] =	vst v20  }
0x2a: {  	v20 =	vor.u32 v1, v14;
	v29 =	vld.idx.msk [tilespmem:v29+s4+$0x0], $0xffff;
	[tilespmem:s16+$0xFFFFFF00] =	vst v22  }
0x2b: {  	[tilespmem:s16+$0xFFFFFF80] =	vst v21;
	v21 =	vor.u32 v2, v19;
	v22 =	vld.idx.msk [tilespmem:v30+s4+$0x0], $0xffff  }
0x2c: {  	v30 =	vld.idx.msk [tilespmem:v31+s4+$0x0], $0xffff;
	[tilespmem:s16+$0x0] =	vst v23;
	v23 =	vor.u32 v1, v12  }
0x2d: {  	[tilespmem:s16+$0xFFFFFE00] =	vst v27;
	v31 =	vor.u32 v2, v17;
	v32 =	vld.idx.msk [tilespmem:v32+s4+$0x0], $0xffff  }
0x2e: {  	[tilespmem:s16+$0x80] =	vst v24;
	v24 =	vor.u32 v2, v18;
	v27 =	vld.idx.msk [tilespmem:v28+s4+$0x0], $0xffff  }
0x2f: {  	v28 =	vor.u32 v2, v16;
	[tilespmem:s16+$0x110] =	vst v26;
	v20 =	vld.idx.msk [tilespmem:v20+s4+$0x0], $0xffff  }
0x30: {  	[tilespmem:s16+$0x180] =	vst v25;
	v26 =	vor.u32 v2, v15;
	v21 =	vld.idx.msk [tilespmem:v21+s4+$0x0], $0xffff  }
0x31: {  	v25 =	vor.u32 v2, v14;
	[tilespmem:s16+$0xFFFFFE90] =	vst v29;
	v23 =	vld.idx.msk [tilespmem:v23+s4+$0x0], $0xffff  }
0x32: {  	v29 =	vld.idx.msk [tilespmem:v31+s4+$0x0], $0xffff;
	[tilespmem:s16+$0xFFFFFF10] =	vst v22;
	v22 =	vor.u32 v3, v19  }
0x33: {  	v31 =	vor.u32 v2, v13;
	[tilespmem:s16+$0xFFFFFF90] =	vst v30;
	v24 =	vld.idx.msk [tilespmem:v24+s4+$0x0], $0xffff  }
0x34: {  	v30 =	vor.u32 v2, v12;
	[tilespmem:s16+$0x10] =	vst v32;
	v28 =	vld.idx.msk [tilespmem:v28+s4+$0x0], $0xffff  }
0x35: {  	v60 =	vor.u32 v3, v17;
	v26 =	vld.idx.msk [tilespmem:v26+s4+$0x0], $0xffff;
	[tilespmem:s16+$0x90] =	vst v20  }
0x36: {  	v20 =	vor.u32 v3, v18;
	[tilespmem:s16+$0x120] =	vst v21;
	v25 =	vld.idx.msk [tilespmem:v25+s4+$0x0], $0xffff  }
0x37: {  	[tilespmem:s16+$0xFFFFFE10] =	vst v27;
	v21 =	vor.u32 v3, v16;
	v22 =	vld.idx.msk [tilespmem:v22+s4+$0x0], $0xffff  }
0x38: {  	v27 =	vld.idx.msk [tilespmem:v31+s4+$0x0], $0xffff;
	v31 =	vor.u32 v3, v15;
	[tilespmem:s16+$0x190] =	vst v23  }
0x39: {  	[tilespmem:s16+$0xFFFFFEA0] =	vst v29;
	v23 =	vor.u32 v4, v19;
	v29 =	vld.idx.msk [tilespmem:v30+s4+$0x0], $0xffff  }
0x3a: {  	v30 =	vld.idx.msk [tilespmem:v60+s4+$0x0], $0xffff;
	[tilespmem:s16+$0xFFFFFF20] =	vst v24;
	v24 =	vor.u32 v3, v14  }
0x3b: {  	v61 =	vor.u32 v3, v13;
	[tilespmem:s16+$0xFFFFFFA0] =	vst v28;
	v20 =	vld.idx.msk [tilespmem:v20+s4+$0x0], $0xffff  }
0x3c: {  	[tilespmem:s16+$0x20] =	vst v26;
	v26 =	vor.u32 v3, v12;
	v21 =	vld.idx.msk [tilespmem:v21+s4+$0x0], $0xffff  }
0x3d: {  	v28 =	vor.u32 v4, v17;
	v31 =	vld.idx.msk [tilespmem:v31+s4+$0x0], $0xffff;
	[tilespmem:s16+$0x130] =	vst v22  }
0x3e: {  	[tilespmem:s16+$0xA0] =	vst v25;
	v25 =	vor.u32 v4, v16;
	v23 =	vld.idx.msk [tilespmem:v23+s4+$0x0], $0xffff  }
0x3f: {  	v22 =	vor.u32 v4, v18;
	[tilespmem:s16+$0xFFFFFE20] =	vst v27;
	v24 =	vld.idx.msk [tilespmem:v24+s4+$0x0], $0xffff  }
0x40: {  	v27 =	vld.idx.msk [tilespmem:v61+s4+$0x0], $0xffff;
	[tilespmem:s16+$0x1A0] =	vst v29;
	v29 =	vor.u32 v4, v15  }
0x41: {  	v62 =	vor.u32 v5, v19;
	[tilespmem:s16+$0xFFFFFEB0] =	vst v30;
	v26 =	vld.idx.msk [tilespmem:v26+s4+$0x0], $0xffff  }
0x42: {  	v30 =	vor.u32 v4, v13;
	v28 =	vld.idx.msk [tilespmem:v28+s4+$0x0], $0xffff;
	[tilespmem:s16+$0xFFFFFFB0] =	vst v21  }
0x43: {  	[tilespmem:s16+$0xFFFFFF30] =	vst v20;
	v20 =	vor.u32 v4, v14;
	v21 =	vld.idx.msk [tilespmem:v25+s4+$0x0], $0xffff  }
0x44: {  	v25 =	vor.u32 v5, v17;
	v22 =	vld.idx.msk [tilespmem:v22+s4+$0x0], $0xffff;
	[tilespmem:s16+$0x30] =	vst v31  }
0x45: {  	[tilespmem:s16+$0x140] =	vst v23;
	v23 =	vor.u32 v4, v12;
	v29 =	vld.idx.msk [tilespmem:v29+s4+$0x0], $0xffff  }
0x46: {  	v63 =	vor.u32 v5, v18;
	[tilespmem:s16+$0xFFFFFE30] =	vst v27;
	v31 =	vld.idx.msk [tilespmem:v62+s4+$0x0], $0xffff  }
0x47: {  	[tilespmem:s16+$0xB0] =	vst v24;
	v27 =	vld.idx.msk [tilespmem:v30+s4+$0x0], $0xffff;
	v30 =	vor.u32 v5, v16  }
0x48: {  	v24 =	vor.u32 v6, v19;
	[tilespmem:s16+$0xFFFFFEC0] =	vst v28;
	v20 =	vld.idx.msk [tilespmem:v20+s4+$0x0], $0xffff  }
0x49: {  	[tilespmem:s16+$0x1B0] =	vst v26;
	v26 =	vor.u32 v5, v15;
	v33 =	vld.idx.msk [tilespmem:v25+s4+$0x0], $0xffff  }
0x4a: {  	[tilespmem:s16+$0xFFFFFF40] =	vst v22;
	v22 =	vor.u32 v5, v14;
	v28 =	vld.idx.msk [tilespmem:v23+s4+$0x0], $0xffff  }
0x4b: {  	[tilespmem:s16+$0xFFFFFFC0] =	vst v21;
	v23 =	vor.u32 v5, v13;
	v32 =	vld.idx.msk [tilespmem:v63+s4+$0x0], $0xffff  }
0x4c: {  	[tilespmem:s16+$0x150] =	vst v31;
	v31 =	vor.u32 v6, v17;
	v34 =	vld.idx.msk [tilespmem:v30+s4+$0x0], $0xffff  }
0x4d: {  	[tilespmem:s16+$0x40] =	vst v29;
	v21 =	vld.idx.msk [tilespmem:v24+s4+$0x0], $0xffff;
	v24 =	vor.u32 v5, v12  }
0x4e: {  	v35 =	vld.idx.msk [tilespmem:v26+s4+$0x0], $0xffff;
	[tilespmem:s16+$0xC0] =	vst v20;
	v20 =	vor.u32 v7, v19  }
0x4f: {  	[tilespmem:s16+$0xFFFFFE40] =	vst v27;
	v26 =	vor.u32 v6, v18;
	v25 =	vld.idx.msk [tilespmem:v22+s4+$0x0], $0xffff  }
0x50: {  	v36 =	vor.u32 v6, v16;
	[tilespmem:s16+$0xFFFFFED0] =	vst v33;
	v23 =	vld.idx.msk [tilespmem:v23+s4+$0x0], $0xffff  }
0x51: {  	s31 =	simm.s32 $0xC;
	v30 =	vor.u32 v6, v15;
	[tilespmem:s16+$0x1C0] =	vst v28;
	v19 =	vld.idx.msk [tilespmem:v31+s4+$0x0], $0xffff  }
0x52: {  	v27 =	vor.u32 v6, v14;
	v22 =	vld.idx.msk [tilespmem:v24+s4+$0x0], $0xffff;
	[tilespmem:s16+$0x160] =	vst v21;
	v21 =	vmov s31  }
0x53: {  	v29 =	vor.u32 v6, v13;
	[tilespmem:s16+$0xFFFFFF50] =	vst v32;
	v20 =	vld.idx.msk [tilespmem:v20+s4+$0x0], $0xffff;
	v24 =	vand.u32 $0xFFFFFFFC, v21  }
0x54: {  	v28 =	vor.u32 v6, v12;
	[tilespmem:s16+$0xFFFFFFD0] =	vst v34;
	v21 =	vld.idx.msk [tilespmem:v26+s4+$0x0], $0xffff;
	v26 =	vbroadcast v24, $0x0  }
0x55: {  	s19 =	simm.s32 $0xE;
	s17 =	simm.s32 $0x8;
	s18 =	simm.s32 $0x10;
	[tilespmem:s16+$0x50] =	vst v35;
	v24 =	vld.idx.msk [tilespmem:v36+s4+$0x0], $0xffff  }
.LBB2_2:
0x56: {  	p0 =	slt.u32 s18, $0xF8;
	v31 =	vmov s19;
	v17 =	vor.u32 v7, v17;
	v30 =	vld.idx.msk [tilespmem:v30+s4+$0x0], $0xffff;
	[tilespmem:s16+$0xD0] =	vst v25  }
0x57: {  	v18 =	vor.u32 v7, v18;
	v25 =	vand.u32 $0xFFFFFFFE, v31;
	[tilespmem:s16+$0xFFFFFE50] =	vst v23;
	v23 =	vld.idx.msk [tilespmem:v27+s4+$0x0], $0xffff  }
0x58: {  	v16 =	vor.u32 v7, v16;
	v25 =	vbroadcast v25, $0x0;
	v27 =	vld.idx.msk [tilespmem:v29+s4+$0x0], $0xffff;
	[tilespmem:s16+$0x1D0] =	vst v22  }
0x59: {  	[tilespmem:s16+$0x170] =	vst v20;
	v20 =	vld.idx.msk [tilespmem:v28+s4+$0x0], $0xffff  }
0x5a: {  	s19 =	sadd.s32 $0x5, s17;
	v15 =	vor.u32 v7, v15;
	v22 =	vld.idx.msk [tilespmem:v26+s11+$0x0], $0xffff;
	[tilespmem:s16+$0xFFFFFEE0] =	vst v19  }
0x5b: {  	v14 =	vor.u32 v7, v14;
	v19 =	vmov s19;
	v17 =	vld.idx.msk [tilespmem:v17+s4+$0x0], $0xffff;
	[tilespmem:s16+$0xFFFFFF60] =	vst v21  }
0x5c: {  	v13 =	vor.u32 v7, v13;
	v21 =	vmov s17;
	v19 =	vand.u32 $0xFFFFFFFD, v19;
	s17 =	smov.u32 s18;
	v18 =	vld.idx.msk [tilespmem:v18+s4+$0x0], $0xffff;
	[tilespmem:s16+$0xFFFFFFE0] =	vst v24  }
0x5d: {  	v12 =	vor.u32 v7, v12;
	s19 =	sadd.s32 $0x1, s18;
	v21 =	vand.u32 $0xFFFFFFF8, v21;
	v19 =	vbroadcast v19, $0x0;
	v16 =	vld.idx.msk [tilespmem:v16+s4+$0x0], $0xffff;
	[tilespmem:s16+$0x60] =	vst v30  }
0x5e: {  	s20 =	sadd.s32 $0x7, s18;
	v24 =	vmov s19;
	s19 =	sadd.s32 $0x2, s18;
	v21 =	vbroadcast v21, $0x0;
	v25 =	vld.idx.msk [tilespmem:v25+s11+$0x0], $0xffff;
	[tilespmem:s16+$0xE0] =	vst v23  }
0x5f: {  	v26 =	vmov s20;
	v23 =	vand.u32 $0xFFFFFFF9, v24;
	v24 =	vmov s19;
	s19 =	sadd.s32 $0x3, s18;
	[tilespmem:s16+$0xFFFFFE60] =	vst v27;
	v15 =	vld.idx.msk [tilespmem:v15+s4+$0x0], $0xffff  }
0x60: {  	v23 =	vbroadcast v23, $0x0;
	v24 =	vand.u32 $0xFFFFFFFA, v24;
	v27 =	vmov s19;
	v14 =	vld.idx.msk [tilespmem:v14+s4+$0x0], $0xffff;
	[tilespmem:s16+$0x1E0] =	vst v20  }
0x61: {  	v20 =	vbroadcast v24, $0x0;
	v24 =	vand.u32 $0xFFFFFFFB, v27;
	v13 =	vld.idx.msk [tilespmem:v13+s4+$0x0], $0xffff;
	[tilespmem:s16+$0xFFFFFEF0] =	vst v17  }
0x62: {  	v24 =	vbroadcast v24, $0x0;
	[tilespmem:s16+$0xFFFFFF70] =	vst v18;
	v27 =	vld.idx.msk [tilespmem:v12+s4+$0x0], $0xffff  }
0x63: {  	v12 =	vshll.u32 v8, $0x7;
	v28 =	vld.idx.msk [tilespmem:v19+s11+$0x0], $0xffff;
	[tilespmem:s16+$0xFFFFFFF0] =	vst v16  }
0x64: {  	v19 =	vshll.u32 v25, $0x7;
	v25 =	vor.u32 v0, v12;
	v21 =	vld.idx.msk [tilespmem:v21+s11+$0x0], $0xffff  }
0x65: {  	v17 =	vshll.u32 v11, $0x7;
	v8 =	vld.idx.msk [tilespmem:v26+s11+$0x0], $0xffff;
	v26 =	vor.u32 v0, v19;
	[tilespmem:s16+$0x70] =	vst v15  }
0x66: {  	v18 =	vshll.u32 v10, $0x7;
	v11 =	vld.idx.msk [tilespmem:v23+s11+$0x0], $0xffff;
	v23 =	vor.u32 v0, v17;
	[tilespmem:s16+$0xF0] =	vst v14  }
0x67: {  	v16 =	vshll.u32 v9, $0x7;
	v10 =	vld.idx.msk [tilespmem:v20+s11+$0x0], $0xffff;
	v20 =	vor.u32 v0, v18;
	[tilespmem:s16+$0xFFFFFE70] =	vst v13  }
0x68: {  	v15 =	vshll.u32 v22, $0x7;
	v9 =	vld.idx.msk [tilespmem:v24+s11+$0x0], $0xffff;
	v24 =	vor.u32 v0, v16;
	[tilespmem:s16+$0x1F0] =	vst v27  }
0x69: {  	v22 =	vor.u32 v0, v15;
	v14 =	vshll.u32 v28, $0x7;
	v25 =	vld.idx.msk [tilespmem:v25+s4+$0x0], $0xffff  }
0x6a: {  	v13 =	vshll.u32 v21, $0x7;
	v21 =	vor.u32 v0, v14;
	v26 =	vld.idx.msk [tilespmem:v26+s4+$0x0], $0xffff  }
0x6b: {  	v27 =	vor.u32 v0, v13;
	v23 =	vld.idx.msk [tilespmem:v23+s4+$0x0], $0xffff  }
0x6c: {  	v28 =	vor.u32 v1, v19;
	v20 =	vld.idx.msk [tilespmem:v20+s4+$0x0], $0xffff  }
0x6d: {  	v29 =	vor.u32 v1, v17;
	v24 =	vld.idx.msk [tilespmem:v24+s4+$0x0], $0xffff  }
0x6e: {  	v30 =	vor.u32 v1, v18;
	v22 =	vld.idx.msk [tilespmem:v22+s4+$0x0], $0xffff  }
0x6f: {  	v31 =	vor.u32 v1, v16;
	s16 =	sadd.s32 $0x400, s16;
	v21 =	vld.idx.msk [tilespmem:v21+s4+$0x0], $0xffff  }
0x70: {  	v32 =	vor.u32 v1, v15;
	v27 =	vld.idx.msk [tilespmem:v27+s4+$0x0], $0xffff;
	[tilespmem:s16+$0x100] =	vst v26  }
0x71: {  	[tilespmem:s16+$0xFFFFFE80] =	vst v23;
	v23 =	vor.u32 v1, v14;
	v26 =	vld.idx.msk [tilespmem:v28+s4+$0x0], $0xffff  }
0x72: {  	v28 =	vor.u32 v1, v13;
	v29 =	vld.idx.msk [tilespmem:v29+s4+$0x0], $0xffff;
	[tilespmem:s16+$0xFFFFFF00] =	vst v20  }
0x73: {  	v20 =	vld.idx.msk [tilespmem:v30+s4+$0x0], $0xffff;
	[tilespmem:s16+$0xFFFFFF80] =	vst v24;
	v24 =	vor.u32 v2, v19  }
0x74: {  	v30 =	vld.idx.msk [tilespmem:v31+s4+$0x0], $0xffff;
	[tilespmem:s16+$0x0] =	vst v22;
	v22 =	vor.u32 v1, v12  }
0x75: {  	v31 =	vor.u32 v2, v17;
	v32 =	vld.idx.msk [tilespmem:v32+s4+$0x0], $0xffff;
	[tilespmem:s16+$0x80] =	vst v21  }
0x76: {  	v21 =	vor.u32 v2, v18;
	[tilespmem:s16+$0xFFFFFE00] =	vst v27;
	v23 =	vld.idx.msk [tilespmem:v23+s4+$0x0], $0xffff  }
0x77: {  	v27 =	vld.idx.msk [tilespmem:v28+s4+$0x0], $0xffff;
	v28 =	vor.u32 v2, v16;
	[tilespmem:s16+$0x110] =	vst v26  }
0x78: {  	v26 =	vor.u32 v2, v15;
	v24 =	vld.idx.msk [tilespmem:v24+s4+$0x0], $0xffff;
	[tilespmem:s16+$0x180] =	vst v25  }
0x79: {  	v25 =	vor.u32 v2, v14;
	[tilespmem:s16+$0xFFFFFE90] =	vst v29;
	v22 =	vld.idx.msk [tilespmem:v22+s4+$0x0], $0xffff  }
0x7a: {  	v29 =	vld.idx.msk [tilespmem:v31+s4+$0x0], $0xffff;
	[tilespmem:s16+$0xFFFFFF10] =	vst v20;
	v20 =	vor.u32 v3, v19  }
0x7b: {  	v31 =	vor.u32 v2, v13;
	v21 =	vld.idx.msk [tilespmem:v21+s4+$0x0], $0xffff;
	[tilespmem:s16+$0xFFFFFF90] =	vst v30  }
0x7c: {  	v30 =	vor.u32 v2, v12;
	v28 =	vld.idx.msk [tilespmem:v28+s4+$0x0], $0xffff;
	[tilespmem:s16+$0x10] =	vst v32  }
0x7d: {  	v32 =	vor.u32 v3, v17;
	v26 =	vld.idx.msk [tilespmem:v26+s4+$0x0], $0xffff;
	[tilespmem:s16+$0x90] =	vst v23  }
0x7e: {  	v23 =	vor.u32 v3, v18;
	v25 =	vld.idx.msk [tilespmem:v25+s4+$0x0], $0xffff;
	[tilespmem:s16+$0x120] =	vst v24  }
0x7f: {  	v24 =	vor.u32 v3, v16;
	[tilespmem:s16+$0xFFFFFE10] =	vst v27;
	v20 =	vld.idx.msk [tilespmem:v20+s4+$0x0], $0xffff  }
0x80: {  	v27 =	vld.idx.msk [tilespmem:v31+s4+$0x0], $0xffff;
	v31 =	vor.u32 v3, v15;
	[tilespmem:s16+$0x190] =	vst v22  }
0x81: {  	v22 =	vor.u32 v4, v19;
	[tilespmem:s16+$0xFFFFFEA0] =	vst v29;
	v29 =	vld.idx.msk [tilespmem:v30+s4+$0x0], $0xffff  }
0x82: {  	v30 =	vld.idx.msk [tilespmem:v32+s4+$0x0], $0xffff;
	[tilespmem:s16+$0xFFFFFF20] =	vst v21;
	v21 =	vor.u32 v3, v14  }
0x83: {  	v32 =	vor.u32 v3, v13;
	v23 =	vld.idx.msk [tilespmem:v23+s4+$0x0], $0xffff;
	[tilespmem:s16+$0xFFFFFFA0] =	vst v28  }
0x84: {  	v24 =	vld.idx.msk [tilespmem:v24+s4+$0x0], $0xffff;
	[tilespmem:s16+$0x20] =	vst v26;
	v26 =	vor.u32 v3, v12  }
0x85: {  	v28 =	vor.u32 v4, v17;
	v31 =	vld.idx.msk [tilespmem:v31+s4+$0x0], $0xffff;
	[tilespmem:s16+$0x130] =	vst v20  }
0x86: {  	v20 =	vor.u32 v4, v18;
	[tilespmem:s16+$0xA0] =	vst v25;
	v22 =	vld.idx.msk [tilespmem:v22+s4+$0x0], $0xffff  }
0x87: {  	v25 =	vor.u32 v4, v16;
	[tilespmem:s16+$0xFFFFFE20] =	vst v27;
	v21 =	vld.idx.msk [tilespmem:v21+s4+$0x0], $0xffff  }
0x88: {  	v27 =	vld.idx.msk [tilespmem:v32+s4+$0x0], $0xffff;
	v32 =	vor.u32 v5, v19;
	[tilespmem:s16+$0x1A0] =	vst v29  }
0x89: {  	v29 =	vor.u32 v4, v15;
	[tilespmem:s16+$0xFFFFFEB0] =	vst v30;
	v26 =	vld.idx.msk [tilespmem:v26+s4+$0x0], $0xffff  }
0x8a: {  	v28 =	vld.idx.msk [tilespmem:v28+s4+$0x0], $0xffff;
	[tilespmem:s16+$0xFFFFFF30] =	vst v23;
	v23 =	vor.u32 v4, v14  }
0x8b: {  	v30 =	vor.u32 v4, v13;
	v20 =	vld.idx.msk [tilespmem:v20+s4+$0x0], $0xffff;
	[tilespmem:s16+$0xFFFFFFB0] =	vst v24  }
0x8c: {  	v24 =	vld.idx.msk [tilespmem:v25+s4+$0x0], $0xffff;
	[tilespmem:s16+$0x140] =	vst v22;
	v22 =	vor.u32 v4, v12  }
0x8d: {  	v25 =	vor.u32 v5, v17;
	[tilespmem:s16+$0x30] =	vst v31;
	v31 =	vld.idx.msk [tilespmem:v32+s4+$0x0], $0xffff  }
0x8e: {  	v32 =	vor.u32 v5, v18;
	v29 =	vld.idx.msk [tilespmem:v29+s4+$0x0], $0xffff;
	[tilespmem:s16+$0xB0] =	vst v21  }
0x8f: {  	[tilespmem:s16+$0xFFFFFE30] =	vst v27;
	v21 =	vld.idx.msk [tilespmem:v23+s4+$0x0], $0xffff;
	v23 =	vor.u32 v6, v19  }
0x90: {  	v27 =	vld.idx.msk [tilespmem:v30+s4+$0x0], $0xffff;
	v30 =	vor.u32 v5, v16;
	[tilespmem:s16+$0x1B0] =	vst v26  }
0x91: {  	v26 =	vor.u32 v5, v15;
	[tilespmem:s16+$0xFFFFFEC0] =	vst v28;
	v22 =	vld.idx.msk [tilespmem:v22+s4+$0x0], $0xffff  }
0x92: {  	v28 =	vld.idx.msk [tilespmem:v25+s4+$0x0], $0xffff;
	[tilespmem:s16+$0xFFFFFF40] =	vst v20;
	v20 =	vor.u32 v5, v14  }
0x93: {  	v33 =	vor.u32 v5, v13;
	v32 =	vld.idx.msk [tilespmem:v32+s4+$0x0], $0xffff;
	[tilespmem:s16+$0x150] =	vst v31  }
0x94: {  	v31 =	vor.u32 v5, v12;
	[tilespmem:s16+$0xFFFFFFC0] =	vst v24;
	v24 =	vld.idx.msk [tilespmem:v23+s4+$0x0], $0xffff  }
0x95: {  	v34 =	vor.u32 v6, v17;
	v35 =	vld.idx.msk [tilespmem:v30+s4+$0x0], $0xffff;
	[tilespmem:s16+$0x40] =	vst v29  }
0x96: {  	v36 =	vld.idx.msk [tilespmem:v26+s4+$0x0], $0xffff;
	[tilespmem:s16+$0xC0] =	vst v21;
	v21 =	vor.u32 v7, v19  }
0x97: {  	v37 =	vor.u32 v6, v18;
	[tilespmem:s16+$0xFFFFFE40] =	vst v27;
	v25 =	vld.idx.msk [tilespmem:v20+s4+$0x0], $0xffff  }
0x98: {  	v23 =	vld.idx.msk [tilespmem:v33+s4+$0x0], $0xffff;
	v33 =	vor.u32 v6, v16;
	[tilespmem:s16+$0x1C0] =	vst v22  }
.Ltmp0:
0x99: {  	s19 =	sadd.s32 $0x4, s18;
	v30 =	vor.u32 v6, v15;
	[tilespmem:s16+$0xFFFFFED0] =	vst v28;
	v22 =	vld.idx.msk [tilespmem:v31+s4+$0x0], $0xffff;
	(pc) =	sbr.rel @p0 .LBB2_2-.Ltmp0, $4  }
0x9a: {  	v20 =	vmov s19;
	v27 =	vor.u32 v6, v14;
	v19 =	vld.idx.msk [tilespmem:v34+s4+$0x0], $0xffff;
	[tilespmem:s16+$0x160] =	vst v24  }
0x9b: {  	v29 =	vor.u32 v6, v13;
	v24 =	vand.u32 $0xFFFFFFFC, v20;
	[tilespmem:s16+$0xFFFFFF50] =	vst v32;
	v20 =	vld.idx.msk [tilespmem:v21+s4+$0x0], $0xffff  }
0x9c: {  	v28 =	vor.u32 v6, v12;
	v26 =	vbroadcast v24, $0x0;
	v21 =	vld.idx.msk [tilespmem:v37+s4+$0x0], $0xffff;
	[tilespmem:s16+$0xFFFFFFD0] =	vst v35  }
0x9d: {  	s18 =	sadd.s32 $0x8, s18;
	s19 =	sadd.s32 $0x6, s17;
	v24 =	vld.idx.msk [tilespmem:v33+s4+$0x0], $0xffff;
	[tilespmem:s16+$0x50] =	vst v36  }
0x9e: {  	_ =	sdelay $0x3  }
0x9f: {  	v31 =	vmov s19;
	v30 =	vld.idx.msk [tilespmem:v30+s4+$0x0], $0xffff;
	[tilespmem:s16+$0xD0] =	vst v25;
	v17 =	vor.u32 v7, v17  }
0xa0: {  	v18 =	vor.u32 v7, v18;
	[tilespmem:s16+$0x1D0] =	vst v22;
	v22 =	vmov s17;
	v26 =	vld.idx.msk [tilespmem:v26+s11+$0x0], $0xffff;
	v31 =	vand.u32 $0xFFFFFFFE, v31  }
0xa1: {  	s18 =	sadd.s32 $0x5, s17;
	[tilespmem:s16+$0xFFFFFE50] =	vst v23;
	v16 =	vor.u32 v7, v16;
	v23 =	vld.idx.msk [tilespmem:v27+s4+$0x0], $0xffff;
	v22 =	vand.u32 $0xFFFFFFF8, v22;
	v31 =	vbroadcast v31, $0x0  }
0xa2: {  	v25 =	vmov s18;
	v27 =	vld.idx.msk [tilespmem:v29+s4+$0x0], $0xffff;
	v22 =	vbroadcast v22, $0x0  }
0xa3: {  	v28 =	vld.idx.msk [tilespmem:v28+s4+$0x0], $0xffff;
	[tilespmem:s16+$0xFFFFFEE0] =	vst v19;
	v25 =	vand.u32 $0xFFFFFFFD, v25  }
0xa4: {  	v19 =	vor.u32 v7, v15;
	v25 =	vbroadcast v25, $0x0;
	[tilespmem:s16+$0xFFFFFF60] =	vst v21;
	v17 =	vld.idx.msk [tilespmem:v17+s4+$0x0], $0xffff  }
0xa5: {  	[tilespmem:s16+$0xFFFFFFE0] =	vst v24;
	v18 =	vld.idx.msk [tilespmem:v18+s4+$0x0], $0xffff  }
0xa6: {  	v14 =	vor.u32 v7, v14;
	v16 =	vld.idx.msk [tilespmem:v16+s4+$0x0], $0xffff  }
0xa7: {  	v11 =	vshll.u32 v11, $0x7;
	[tilespmem:s16+$0x170] =	vst v20;
	v20 =	vor.u32 v7, v12;
	v35 =	vld.idx.msk [tilespmem:v31+s11+$0x0], $0xffff  }
0xa8: {  	v24 =	vor.u32 v0, v11;
	[tilespmem:s16+$0x60] =	vst v30;
	v22 =	vld.idx.msk [tilespmem:v22+s11+$0x0], $0xffff  }
0xa9: {  	[tilespmem:s16+$0xE0] =	vst v23;
	v19 =	vld.idx.msk [tilespmem:v19+s4+$0x0], $0xffff  }
0xaa: {  	v13 =	vor.u32 v7, v13;
	v9 =	vshll.u32 v9, $0x7;
	[tilespmem:s16+$0x1E0] =	vst v28;
	v21 =	vld.idx.msk [tilespmem:v25+s11+$0x0], $0xffff  }
0xab: {  	v12 =	vshll.u32 v26, $0x7;
	v25 =	vld.idx.msk [tilespmem:v14+s4+$0x0], $0xffff;
	[tilespmem:s16+$0xFFFFFEF0] =	vst v17;
	v17 =	vor.u32 v0, v9  }
0xac: {  	[tilespmem:s16+$0xFFFFFF70] =	vst v18;
	v18 =	vld.idx.msk [tilespmem:v20+s4+$0x0], $0xffff;
	v20 =	vor.u32 v0, v12;
	v15 =	vshll.u32 v35, $0x7  }
0xad: {  	v10 =	vshll.u32 v10, $0x7;
	v14 =	vshll.u32 v22, $0x7;
	v22 =	vld.idx.msk [tilespmem:v24+s4+$0x0], $0xffff;
	v23 =	vor.u32 v0, v15  }
0xae: {  	[tilespmem:s16+$0xFFFFFE60] =	vst v27;
	v27 =	vor.u32 v0, v10  }
0xaf: {  	v36 =	vld.idx.msk [tilespmem:v13+s4+$0x0], $0xffff;
	[tilespmem:s16+$0x70] =	vst v19;
	v13 =	vshll.u32 v21, $0x7;
	v19 =	vor.u32 v0, v14  }
0xb0: {  	[tilespmem:s16+$0xFFFFFFF0] =	vst v16;
	v16 =	vor.u32 v0, v13;
	v17 =	vld.idx.msk [tilespmem:v17+s4+$0x0], $0xffff  }
0xb1: {  	s26 =	sadd.s32 $0x400, s16;
	[tilespmem:s16+$0x1F0] =	vst v18;
	v18 =	vor.u32 v1, v11;
	v20 =	vld.idx.msk [tilespmem:v20+s4+$0x0], $0xffff  }
0xb2: {  	v8 =	vshll.u32 v8, $0x7;
	[tilespmem:s26+$0xFFFFFE80] =	vst v22;
	v22 =	vor.u32 v1, v12;
	v21 =	vld.idx.msk [tilespmem:v23+s4+$0x0], $0xffff  }
0xb3: {  	[tilespmem:s16+$0xF0] =	vst v25;
	v25 =	vor.u32 v0, v8;
	v23 =	vld.idx.msk [tilespmem:v27+s4+$0x0], $0xffff  }
0xb4: {  	v24 =	vor.u32 v1, v15;
	v19 =	vld.idx.msk [tilespmem:v19+s4+$0x0], $0xffff  }
0xb5: {  	v26 =	vor.u32 v1, v10;
	v16 =	vld.idx.msk [tilespmem:v16+s4+$0x0], $0xffff;
	[tilespmem:s26+$0xFFFFFF80] =	vst v17  }
0xb6: {  	v17 =	vld.idx.msk [tilespmem:v18+s4+$0x0], $0xffff;
	[tilespmem:s26+$0x0] =	vst v20;
	v20 =	vor.u32 v1, v14  }
0xb7: {  	v22 =	vld.idx.msk [tilespmem:v22+s4+$0x0], $0xffff;
	[tilespmem:s26+$0x100] =	vst v21  }
0xb8: {  	v21 =	vor.u32 v1, v9;
	[tilespmem:s26+$0xFFFFFF00] =	vst v23;
	v23 =	vld.idx.msk [tilespmem:v25+s4+$0x0], $0xffff  }
0xb9: {  	v25 =	vor.u32 v1, v13;
	v24 =	vld.idx.msk [tilespmem:v24+s4+$0x0], $0xffff  }
0xba: {  	[tilespmem:s26+$0xFFFFFE00] =	vst v19;
	v19 =	vor.u32 v2, v11;
	v26 =	vld.idx.msk [tilespmem:v26+s4+$0x0], $0xffff  }
0xbb: {  	[tilespmem:s26+$0xFFFFFE90] =	vst v17;
	v17 =	vld.idx.msk [tilespmem:v20+s4+$0x0], $0xffff;
	v20 =	vor.u32 v2, v12  }
0xbc: {  	v18 =	vor.u32 v2, v15;
	[tilespmem:s26+$0x80] =	vst v16  }
0xbd: {  	[tilespmem:s26+$0x10] =	vst v22;
	v16 =	vld.idx.msk [tilespmem:v21+s4+$0x0], $0xffff  }
0xbe: {  	v21 =	vor.u32 v1, v8;
	v25 =	vld.idx.msk [tilespmem:v25+s4+$0x0], $0xffff;
	[tilespmem:s26+$0x180] =	vst v23  }
0xbf: {  	v22 =	vor.u32 v2, v14;
	v19 =	vld.idx.msk [tilespmem:v19+s4+$0x0], $0xffff;
	[tilespmem:s26+$0x110] =	vst v24  }
0xc0: {  	v24 =	vor.u32 v2, v10;
	[tilespmem:s26+$0xFFFFFF10] =	vst v26;
	v20 =	vld.idx.msk [tilespmem:v20+s4+$0x0], $0xffff  }
0xc1: {  	v23 =	vor.u32 v2, v9;
	[tilespmem:s26+$0xFFFFFE10] =	vst v17;
	v18 =	vld.idx.msk [tilespmem:v18+s4+$0x0], $0xffff  }
0xc2: {  	v26 =	vor.u32 v3, v15;
	[tilespmem:s26+$0xFFFFFF90] =	vst v16  }
0xc3: {  	v21 =	vld.idx.msk [tilespmem:v21+s4+$0x0], $0xffff;
	v16 =	vor.u32 v2, v13;
	[tilespmem:s26+$0x90] =	vst v25  }
0xc4: {  	v25 =	vor.u32 v2, v8;
	[tilespmem:s26+$0xFFFFFEA0] =	vst v19;
	v19 =	vld.idx.msk [tilespmem:v22+s4+$0x0], $0xffff  }
0xc5: {  	v24 =	vld.idx.msk [tilespmem:v24+s4+$0x0], $0xffff;
	[tilespmem:s26+$0x20] =	vst v20;
	v20 =	vor.u32 v3, v14  }
0xc6: {  	v23 =	vld.idx.msk [tilespmem:v23+s4+$0x0], $0xffff;
	[tilespmem:s26+$0x120] =	vst v18;
	v18 =	vor.u32 v3, v11  }
0xc7: {  	v17 =	vor.u32 v3, v10;
	v26 =	vld.idx.msk [tilespmem:v26+s4+$0x0], $0xffff  }
0xc8: {  	v22 =	vor.u32 v4, v15;
	[tilespmem:s26+$0x190] =	vst v21;
	v16 =	vld.idx.msk [tilespmem:v16+s4+$0x0], $0xffff  }
0xc9: {  	v21 =	vor.u32 v3, v9;
	[tilespmem:s26+$0xFFFFFE20] =	vst v19;
	v25 =	vld.idx.msk [tilespmem:v25+s4+$0x0], $0xffff  }
0xca: {  	[tilespmem:s26+$0xFFFFFF20] =	vst v24;
	v24 =	vor.u32 v3, v12;
	v20 =	vld.idx.msk [tilespmem:v20+s4+$0x0], $0xffff  }
0xcb: {  	[tilespmem:s26+$0xFFFFFFA0] =	vst v23;
	v18 =	vld.idx.msk [tilespmem:v18+s4+$0x0], $0xffff  }
0xcc: {  	v23 =	vor.u32 v3, v13;
	v17 =	vld.idx.msk [tilespmem:v17+s4+$0x0], $0xffff;
	[tilespmem:s26+$0x130] =	vst v26  }
0xcd: {  	[tilespmem:s16+$0xFFFFFE70] =	vst v36;
	v26 =	vor.u32 v3, v8;
	v22 =	vld.idx.msk [tilespmem:v22+s4+$0x0], $0xffff  }
0xce: {  	v21 =	vld.idx.msk [tilespmem:v21+s4+$0x0], $0xffff;
	[tilespmem:s26+$0xA0] =	vst v16;
	v16 =	vor.u32 v4, v11  }
0xcf: {  	v19 =	vld.idx.msk [tilespmem:v24+s4+$0x0], $0xffff;
	v24 =	vor.u32 v4, v10;
	[tilespmem:s26+$0x1A0] =	vst v25  }
0xd0: {  	v25 =	vor.u32 v5, v15;
	[tilespmem:s26+$0xFFFFFE30] =	vst v20  }
0xd1: {  	v23 =	vld.idx.msk [tilespmem:v23+s4+$0x0], $0xffff;
	[tilespmem:s26+$0xFFFFFEB0] =	vst v18;
	v18 =	vor.u32 v4, v9  }
0xd2: {  	[tilespmem:s26+$0xFFFFFF30] =	vst v17;
	v17 =	vor.u32 v4, v12;
	v26 =	vld.idx.msk [tilespmem:v26+s4+$0x0], $0xffff  }
0xd3: {  	[tilespmem:s26+$0xFFFFFFB0] =	vst v21;
	v16 =	vld.idx.msk [tilespmem:v16+s4+$0x0], $0xffff;
	v21 =	vor.u32 v4, v13  }
0xd4: {  	[tilespmem:s26+$0x140] =	vst v22;
	v22 =	vor.u32 v4, v14;
	v24 =	vld.idx.msk [tilespmem:v24+s4+$0x0], $0xffff  }
0xd5: {  	[tilespmem:s26+$0x30] =	vst v19;
	v19 =	vor.u32 v4, v8;
	v25 =	vld.idx.msk [tilespmem:v25+s4+$0x0], $0xffff  }
0xd6: {  	[tilespmem:s26+$0xB0] =	vst v23;
	v23 =	vor.u32 v5, v11;
	v18 =	vld.idx.msk [tilespmem:v18+s4+$0x0], $0xffff  }
0xd7: {  	v20 =	vor.u32 v6, v15;
	v17 =	vld.idx.msk [tilespmem:v17+s4+$0x0], $0xffff;
	[tilespmem:s26+$0x1B0] =	vst v26  }
0xd8: {  	v26 =	vor.u32 v5, v10;
	v21 =	vld.idx.msk [tilespmem:v21+s4+$0x0], $0xffff;
	[tilespmem:s26+$0xFFFFFEC0] =	vst v16  }
0xd9: {  	v16 =	vld.idx.msk [tilespmem:v22+s4+$0x0], $0xffff;
	v22 =	vor.u32 v5, v9;
	[tilespmem:s26+$0xFFFFFF40] =	vst v24  }
0xda: {  	v24 =	vor.u32 v5, v12;
	v19 =	vld.idx.msk [tilespmem:v19+s4+$0x0], $0xffff;
	[tilespmem:s26+$0x150] =	vst v25  }
0xdb: {  	v23 =	vld.idx.msk [tilespmem:v23+s4+$0x0], $0xffff;
	v25 =	vor.u32 v5, v13;
	[tilespmem:s26+$0xFFFFFFC0] =	vst v18  }
0xdc: {  	v18 =	vor.u32 v5, v14;
	v20 =	vld.idx.msk [tilespmem:v20+s4+$0x0], $0xffff;
	[tilespmem:s26+$0x40] =	vst v17  }
0xdd: {  	v17 =	vld.idx.msk [tilespmem:v26+s4+$0x0], $0xffff;
	v26 =	vor.u32 v5, v8;
	[tilespmem:s26+$0xC0] =	vst v21  }
0xde: {  	v15 =	vor.u32 v7, v15;
	v21 =	vld.idx.msk [tilespmem:v22+s4+$0x0], $0xffff;
	[tilespmem:s26+$0xFFFFFE40] =	vst v16  }
0xdf: {  	v16 =	vor.u32 v6, v11;
	v22 =	vld.idx.msk [tilespmem:v24+s4+$0x0], $0xffff;
	[tilespmem:s26+$0x1C0] =	vst v19  }
0xe0: {  	v19 =	vor.u32 v6, v10;
	v24 =	vld.idx.msk [tilespmem:v25+s4+$0x0], $0xffff;
	[tilespmem:s26+$0xFFFFFED0] =	vst v23  }
0xe1: {  	v23 =	vor.u32 v6, v9;
	v18 =	vld.idx.msk [tilespmem:v18+s4+$0x0], $0xffff;
	[tilespmem:s26+$0x160] =	vst v20  }
0xe2: {  	v20 =	vor.u32 v6, v12;
	v25 =	vld.idx.msk [tilespmem:v26+s4+$0x0], $0xffff;
	[tilespmem:s26+$0xFFFFFF50] =	vst v17  }
0xe3: {  	v17 =	vor.u32 v6, v13;
	v15 =	vld.idx.msk [tilespmem:v15+s4+$0x0], $0xffff;
	[tilespmem:s26+$0xFFFFFFD0] =	vst v21  }
0xe4: {  	v16 =	vld.idx.msk [tilespmem:v16+s4+$0x0], $0xffff;
	v21 =	vor.u32 v6, v14;
	[tilespmem:s26+$0x50] =	vst v22  }
0xe5: {  	v19 =	vld.idx.msk [tilespmem:v19+s4+$0x0], $0xffff;
	v22 =	vor.u32 v6, v8;
	[tilespmem:s26+$0xD0] =	vst v24  }
0xe6: {  	v11 =	vor.u32 v7, v11;
	v23 =	vld.idx.msk [tilespmem:v23+s4+$0x0], $0xffff;
	[tilespmem:s26+$0xFFFFFE50] =	vst v18  }
0xe7: {  	v10 =	vor.u32 v7, v10;
	v18 =	vld.idx.msk [tilespmem:v20+s4+$0x0], $0xffff;
	[tilespmem:s26+$0x1D0] =	vst v25  }
0xe8: {  	v9 =	vor.u32 v7, v9;
	v17 =	vld.idx.msk [tilespmem:v17+s4+$0x0], $0xffff;
	[tilespmem:s26+$0x170] =	vst v15  }
0xe9: {  	v12 =	vor.u32 v7, v12;
	v15 =	vld.idx.msk [tilespmem:v21+s4+$0x0], $0xffff;
	[tilespmem:s26+$0xFFFFFEE0] =	vst v16  }
0xea: {  	v13 =	vor.u32 v7, v13;
	v16 =	vld.idx.msk [tilespmem:v22+s4+$0x0], $0xffff;
	[tilespmem:s26+$0xFFFFFF60] =	vst v19  }
0xeb: {  	v14 =	vor.u32 v7, v14;
	v11 =	vld.idx.msk [tilespmem:v11+s4+$0x0], $0xffff;
	[tilespmem:s26+$0xFFFFFFE0] =	vst v23  }
0xec: {  	v8 =	vor.u32 v7, v8;
	v10 =	vld.idx.msk [tilespmem:v10+s4+$0x0], $0xffff;
	[tilespmem:s26+$0x60] =	vst v18  }
0xed: {  	v9 =	vld.idx.msk [tilespmem:v9+s4+$0x0], $0xffff;
	[tilespmem:s26+$0xE0] =	vst v17  }
0xee: {  	v12 =	vld.idx.msk [tilespmem:v12+s4+$0x0], $0xffff;
	[tilespmem:s26+$0xFFFFFE60] =	vst v15  }
0xef: {  	v13 =	vld.idx.msk [tilespmem:v13+s4+$0x0], $0xffff;
	[tilespmem:s26+$0x1E0] =	vst v16  }
0xf0: {  	s30 =	simm.s32 $0x106;
	v14 =	vld.idx.msk [tilespmem:v14+s4+$0x0], $0xffff;
	[tilespmem:s26+$0xFFFFFEF0] =	vst v11  }
0xf1: {  	s28 =	simm.s32 $0x100;
	s29 =	simm.s32 $0x101;
	v11 =	vmov s30;
	[tilespmem:s26+$0xFFFFFF70] =	vst v10;
	v8 =	vld.idx.msk [tilespmem:v8+s4+$0x0], $0xffff  }
0xf2: {  	s31 =	simm.s32 $0x107;
	v10 =	vmov s28;
	[tilespmem:s26+$0xFFFFFFF0] =	vst v9;
	v9 =	vmov s29;
	v11 =	vand.u32 $0xFFFFFFFE, v11  }
0xf3: {  	s19 =	simm.s32 $0x102;
	v10 =	vand.u32 $0xFFFFFFF8, v10;
	[tilespmem:s26+$0x70] =	vst v12;
	v12 =	vmov s31;
	v11 =	vbroadcast v11, $0x0  }
0xf4: {  	s22 =	simm.s32 $0x105;
	v9 =	vand.u32 $0xFFFFFFF9, v9;
	v10 =	vbroadcast v10, $0x0;
	[tilespmem:s26+$0xF0] =	vst v13;
	v13 =	vmov s19  }
0xf5: {  	s20 =	simm.s32 $0x103;
	v15 =	vmov s22;
	v9 =	vbroadcast v9, $0x0;
	v13 =	vand.u32 $0xFFFFFFFA, v13;
	[tilespmem:s26+$0xFFFFFE70] =	vst v14  }
0xf6: {  	s21 =	simm.s32 $0x104;
	v15 =	vand.u32 $0xFFFFFFFD, v15;
	v14 =	vmov s20;
	[tilespmem:s26+$0x1F0] =	vst v8;
	v8 =	vbroadcast v13, $0x0  }
0xf7: {  	v15 =	vbroadcast v15, $0x0;
	v13 =	vand.u32 $0xFFFFFFFB, v14;
	v14 =	vmov s21;
	[hbm4b:s6+s4] =	stream.linear.scatter [tilespmem:s12], [sflag:$0x1], $0x8000, $0x38;
	[tilespmem:$0x16E00] =	vst v63  }
0xf8: {  	s23 =	simm.s32 $0x108;
	v13 =	vbroadcast v13, $0x0;
	v14 =	vand.u32 $0xFFFFFFFC, v14;
	v12 =	vld.idx.msk [tilespmem:v12+s11+$0x0], $0xffff  }
0xf9: {  	s24 =	simm.s32 $0x109;
	s25 =	simm.s32 $0x10F;
	v16 =	vmov s23;
	v14 =	vbroadcast v14, $0x0;
	v11 =	vld.idx.msk [tilespmem:v11+s11+$0x0], $0xffff  }
0xfa: {  	v18 =	vmov s25;
	v17 =	vmov s24;
	v16 =	vand.u32 $0xFFFFFFF8, v16;
	s26 =	simm.s32 $0x10A;
	v10 =	vld.idx.msk [tilespmem:v10+s11+$0x0], $0xffff  }
0xfb: {  	v17 =	vand.u32 $0xFFFFFFF9, v17;
	v16 =	vbroadcast v16, $0x0;
	v19 =	vmov s26;
	v9 =	vld.idx.msk [tilespmem:v9+s11+$0x0], $0xffff  }
0xfc: {  	v21 =	vbroadcast v17, $0x0;
	v20 =	vld.idx.msk [tilespmem:v8+s11+$0x0], $0xffff;
	v8 =	vand.u32 $0xFFFFFFFA, v19  }
0xfd: {  	v23 =	vld.idx.msk [tilespmem:v15+s11+$0x0], $0xffff;
	v22 =	vbroadcast v8, $0x0  }
0xfe: {  	v13 =	vld.idx.msk [tilespmem:v13+s11+$0x0], $0xffff;
	v12 =	vshll.u32 v12, $0x7  }
0xff: {  	v19 =	vshll.u32 v11, $0x7;
	v14 =	vld.idx.msk [tilespmem:v14+s11+$0x0], $0xffff;
	v24 =	vor.u32 v0, v12  }
0x100: {  	v8 =	vld.idx.msk [tilespmem:v18+s11+$0x0], $0xffff;
	v17 =	vshll.u32 v10, $0x7;
	v25 =	vor.u32 v0, v19  }
0x101: {  	v11 =	vld.idx.msk [tilespmem:v16+s11+$0x0], $0xffff;
	v18 =	vshll.u32 v9, $0x7;
	v26 =	vor.u32 v0, v17  }
0x102: {  	v10 =	vld.idx.msk [tilespmem:v21+s11+$0x0], $0xffff;
	v21 =	vor.u32 v0, v18;
	v16 =	vshll.u32 v20, $0x7  }
0x103: {  	v20 =	vor.u32 v0, v16;
	v15 =	vshll.u32 v13, $0x7;
	v9 =	vld.idx.msk [tilespmem:v22+s11+$0x0], $0xffff  }
0x104: {  	v22 =	vor.u32 v0, v15;
	v14 =	vshll.u32 v14, $0x7;
	v24 =	vld.idx.msk [tilespmem:v24+s4+$0x0], $0xffff  }
0x105: {  	v13 =	vshll.u32 v23, $0x7;
	v23 =	vld.idx.msk [tilespmem:v25+s4+$0x0], $0xffff;
	v27 =	vor.u32 v0, v14  }
0x106: {  	v25 =	vld.idx.msk [tilespmem:v26+s4+$0x0], $0xffff;
	v26 =	vor.u32 v0, v13  }
0x107: {  	v37 =	vor.u32 v1, v19;
	v21 =	vld.idx.msk [tilespmem:v21+s4+$0x0], $0xffff  }
0x108: {  	v38 =	vor.u32 v1, v17;
	v20 =	vld.idx.msk [tilespmem:v20+s4+$0x0], $0xffff  }
0x109: {  	s16 =	simm.s32 $0xEE00;
	v39 =	vor.u32 v1, v18;
	v22 =	vld.idx.msk [tilespmem:v22+s4+$0x0], $0xffff  }
0x10a: {  	v40 =	vor.u32 v1, v16;
	[tilespmem:s16+$0x300] =	vst v23;
	v27 =	vld.idx.msk [tilespmem:v27+s4+$0x0], $0xffff  }
0x10b: {  	v32 =	vor.u32 v1, v15;
	[tilespmem:s16+$0x380] =	vst v24;
	v26 =	vld.idx.msk [tilespmem:v26+s4+$0x0], $0xffff  }
0x10c: {  	v23 =	vor.u32 v1, v14;
	[tilespmem:s16+$0x0] =	vst v25;
	v25 =	vld.idx.msk [tilespmem:v37+s4+$0x0], $0xffff  }
0x10d: {  	[tilespmem:s16+$0x80] =	vst v21;
	v21 =	vor.u32 v1, v13;
	v41 =	vld.idx.msk [tilespmem:v38+s4+$0x0], $0xffff  }
0x10e: {  	v44 =	vor.u32 v2, v17;
	v42 =	vld.idx.msk [tilespmem:v39+s4+$0x0], $0xffff;
	[tilespmem:s16+$0x100] =	vst v20  }
0x10f: {  	v20 =	vor.u32 v2, v19;
	v43 =	vld.idx.msk [tilespmem:v40+s4+$0x0], $0xffff;
	[tilespmem:s16+$0x180] =	vst v22  }
0x110: {  	v22 =	vor.u32 v1, v12;
	v32 =	vld.idx.msk [tilespmem:v32+s4+$0x0], $0xffff;
	[tilespmem:s16+$0x200] =	vst v27  }
0x111: {  	v27 =	vor.u32 v2, v18;
	[tilespmem:s16+$0x280] =	vst v26;
	v23 =	vld.idx.msk [tilespmem:v23+s4+$0x0], $0xffff  }
0x112: {  	v26 =	vor.u32 v2, v16;
	v21 =	vld.idx.msk [tilespmem:v21+s4+$0x0], $0xffff;
	[tilespmem:s16+$0x10] =	vst v41  }
0x113: {  	[tilespmem:s16+$0x310] =	vst v25;
	v25 =	vor.u32 v2, v15;
	v28 =	vld.idx.msk [tilespmem:v44+s4+$0x0], $0xffff  }
0x114: {  	v24 =	vor.u32 v2, v14;
	[tilespmem:s16+$0x90] =	vst v42;
	v20 =	vld.idx.msk [tilespmem:v20+s4+$0x0], $0xffff  }
0x115: {  	v46 =	vor.u32 v2, v13;
	v22 =	vld.idx.msk [tilespmem:v22+s4+$0x0], $0xffff;
	[tilespmem:s16+$0x110] =	vst v43  }
0x116: {  	v48 =	vor.u32 v3, v17;
	v27 =	vld.idx.msk [tilespmem:v27+s4+$0x0], $0xffff;
	[tilespmem:s16+$0x190] =	vst v32  }
0x117: {  	v45 =	vor.u32 v3, v19;
	v26 =	vld.idx.msk [tilespmem:v26+s4+$0x0], $0xffff;
	[tilespmem:s16+$0x210] =	vst v23  }
0x118: {  	v47 =	vor.u32 v2, v12;
	v25 =	vld.idx.msk [tilespmem:v25+s4+$0x0], $0xffff;
	[tilespmem:s16+$0x290] =	vst v21  }
0x119: {  	v23 =	vor.u32 v3, v18;
	v24 =	vld.idx.msk [tilespmem:v24+s4+$0x0], $0xffff;
	[tilespmem:s16+$0x20] =	vst v28  }
0x11a: {  	v49 =	vor.u32 v3, v15;
	v30 =	vld.idx.msk [tilespmem:v46+s4+$0x0], $0xffff;
	[tilespmem:s16+$0x320] =	vst v20  }
0x11b: {  	v20 =	vor.u32 v3, v16;
	v51 =	vld.idx.msk [tilespmem:v48+s4+$0x0], $0xffff;
	[tilespmem:s16+$0x390] =	vst v22  }
0x11c: {  	v52 =	vor.u32 v4, v17;
	v21 =	vld.idx.msk [tilespmem:v45+s4+$0x0], $0xffff;
	[tilespmem:s16+$0xA0] =	vst v27  }
0x11d: {  	v22 =	vor.u32 v4, v19;
	v50 =	vld.idx.msk [tilespmem:v47+s4+$0x0], $0xffff;
	[tilespmem:s16+$0x120] =	vst v26  }
0x11e: {  	v27 =	vor.u32 v3, v14;
	v23 =	vld.idx.msk [tilespmem:v23+s4+$0x0], $0xffff;
	[tilespmem:s16+$0x1A0] =	vst v25  }
0x11f: {  	v26 =	vor.u32 v3, v13;
	v29 =	vld.idx.msk [tilespmem:v49+s4+$0x0], $0xffff;
	[tilespmem:s16+$0x220] =	vst v24  }
0x120: {  	v25 =	vor.u32 v3, v12;
	v20 =	vld.idx.msk [tilespmem:v20+s4+$0x0], $0xffff;
	[tilespmem:s16+$0x30] =	vst v51  }
0x121: {  	v54 =	vor.u32 v4, v15;
	[tilespmem:s16+$0x330] =	vst v21;
	v31 =	vld.idx.msk [tilespmem:v52+s4+$0x0], $0xffff  }
0x122: {  	[tilespmem:s16+$0x2A0] =	vst v30;
	v21 =	vor.u32 v4, v18;
	v22 =	vld.idx.msk [tilespmem:v22+s4+$0x0], $0xffff  }
0x123: {  	v24 =	vor.u32 v4, v16;
	v27 =	vld.idx.msk [tilespmem:v27+s4+$0x0], $0xffff;
	[tilespmem:s16+$0x3A0] =	vst v50  }
0x124: {  	v55 =	vor.u32 v5, v17;
	v26 =	vld.idx.msk [tilespmem:v26+s4+$0x0], $0xffff;
	[tilespmem:s16+$0xB0] =	vst v23  }
0x125: {  	v53 =	vor.u32 v5, v19;
	v25 =	vld.idx.msk [tilespmem:v25+s4+$0x0], $0xffff;
	[tilespmem:s16+$0x1B0] =	vst v29  }
0x126: {  	v23 =	vor.u32 v4, v14;
	[tilespmem:s16+$0x130] =	vst v20;
	v28 =	vld.idx.msk [tilespmem:v54+s4+$0x0], $0xffff  }
0x127: {  	v20 =	vor.u32 v4, v13;
	v21 =	vld.idx.msk [tilespmem:v21+s4+$0x0], $0xffff;
	[tilespmem:s16+$0x40] =	vst v31  }
0x128: {  	v24 =	vld.idx.msk [tilespmem:v24+s4+$0x0], $0xffff;
	[tilespmem:s16+$0x340] =	vst v22;
	v22 =	vor.u32 v4, v12  }
0x129: {  	v57 =	vor.u32 v5, v18;
	[tilespmem:s16+$0x230] =	vst v27;
	v31 =	vld.idx.msk [tilespmem:v55+s4+$0x0], $0xffff  }
0x12a: {  	v56 =	vld.idx.msk [tilespmem:v53+s4+$0x0], $0xffff;
	[tilespmem:s16+$0x3B0] =	vst v25;
	v25 =	vor.u32 v5, v15  }
0x12b: {  	[tilespmem:s16+$0x2B0] =	vst v26;
	v26 =	vor.u32 v6, v19;
	v23 =	vld.idx.msk [tilespmem:v23+s4+$0x0], $0xffff  }
0x12c: {  	v59 =	vor.u32 v6, v17;
	v20 =	vld.idx.msk [tilespmem:v20+s4+$0x0], $0xffff;
	[tilespmem:s16+$0x1C0] =	vst v28  }
0x12d: {  	v27 =	vor.u32 v5, v16;
	[tilespmem:s16+$0xC0] =	vst v21;
	v22 =	vld.idx.msk [tilespmem:v22+s4+$0x0], $0xffff  }
0x12e: {  	v21 =	vor.u32 v5, v14;
	[tilespmem:s16+$0x140] =	vst v24;
	v30 =	vld.idx.msk [tilespmem:v57+s4+$0x0], $0xffff  }
0x12f: {  	v58 =	vor.u32 v5, v13;
	[tilespmem:s16+$0x350] =	vst v56;
	v25 =	vld.idx.msk [tilespmem:v25+s4+$0x0], $0xffff  }
0x130: {  	[tilespmem:s16+$0x50] =	vst v31;
	v24 =	vld.idx.msk [tilespmem:v26+s4+$0x0], $0xffff;
	v26 =	vor.u32 v5, v12  }
0x131: {  	[tilespmem:s16+$0x240] =	vst v23;
	v23 =	vor.u32 v6, v18;
	v29 =	vld.idx.msk [tilespmem:v59+s4+$0x0], $0xffff  }
0x132: {  	v34 =	vor.u32 v7, v17;
	v27 =	vld.idx.msk [tilespmem:v27+s4+$0x0], $0xffff;
	[tilespmem:s16+$0x2C0] =	vst v20  }
0x133: {  	v19 =	vor.u32 v7, v19;
	v60 =	vld.idx.msk [tilespmem:v21+s4+$0x0], $0xffff;
	[tilespmem:s16+$0x3C0] =	vst v22  }
0x134: {  	v20 =	vor.u32 v6, v16;
	v32 =	vld.idx.msk [tilespmem:v58+s4+$0x0], $0xffff;
	[tilespmem:s16+$0xD0] =	vst v30  }
0x135: {  	s28 =	simm.s32 $0x10B;
	v21 =	vor.u32 v6, v15;
	[tilespmem:s16+$0x1D0] =	vst v25;
	v22 =	vld.idx.msk [tilespmem:v26+s4+$0x0], $0xffff  }
0x136: {  	v33 =	vld.idx.msk [tilespmem:v23+s4+$0x0], $0xffff;
	v23 =	vor.u32 v6, v12;
	[tilespmem:s16+$0x60] =	vst v29;
	v26 =	vmov s28  }
0x137: {  	v61 =	vor.u32 v6, v14;
	v25 =	vor.u32 v7, v16;
	[tilespmem:s16+$0x360] =	vst v24;
	v16 =	vld.idx.msk [tilespmem:v34+s4+$0x0], $0xffff;
	v24 =	vand.u32 $0xFFFFFFFB, v26  }
0x138: {  	s29 =	simm.s32 $0x10E;
	[tilespmem:s16+$0x150] =	vst v27;
	v26 =	vor.u32 v6, v13;
	v62 =	vld.idx.msk [tilespmem:v19+s4+$0x0], $0xffff;
	v24 =	vbroadcast v24, $0x0  }
0x139: {  	v17 =	vmov s29;
	v27 =	vld.idx.msk [tilespmem:v20+s4+$0x0], $0xffff  }
0x13a: {  	v63 =	vor.u32 v7, v18;
	v20 =	vand.u32 $0xFFFFFFFE, v17;
	v21 =	vld.idx.msk [tilespmem:v21+s4+$0x0], $0xffff;
	[tilespmem:s16+$0x3D0] =	vst v22  }
0x13b: {  	[tilespmem:s16+$0x250] =	vst v60;
	v17 =	vld.idx.msk [tilespmem:v23+s4+$0x0], $0xffff;
	v23 =	vbroadcast v20, $0x0  }
0x13c: {  	[tilespmem:s16+$0x2D0] =	vst v32;
	v19 =	vld.idx.msk [tilespmem:v61+s4+$0x0], $0xffff  }
0x13d: {  	s30 =	simm.s32 $0x10C;
	[tilespmem:s16+$0xE0] =	vst v33;
	v22 =	vor.u32 v7, v15;
	v18 =	vld.idx.msk [tilespmem:v26+s4+$0x0], $0xffff  }
0x13e: {  	s31 =	simm.s32 $0x10D;
	v15 =	vmov s30;
	[tilespmem:s16+$0x370] =	vst v62;
	v20 =	vld.idx.msk [tilespmem:v24+s11+$0x0], $0xffff;
	v24 =	vor.u32 v7, v14  }
0x13f: {  	s17 =	simm.s32 $0x8;
	v13 =	vor.u32 v7, v13;
	v15 =	vand.u32 $0xFFFFFFFC, v15;
	v26 =	vmov s31;
	[tilespmem:s16+$0x160] =	vst v27;
	v14 =	vld.idx.msk [tilespmem:v63+s4+$0x0], $0xffff  }
.LBB2_4:
0x140: {  	s19 =	sadd.s32 $0x108, s17;
	v15 =	vbroadcast v15, $0x0;
	v26 =	vand.u32 $0xFFFFFFFD, v26;
	v25 =	vld.idx.msk [tilespmem:v25+s4+$0x0], $0xffff;
	[tilespmem:s16+$0x1E0] =	vst v21;
	v12 =	vor.u32 v7, v12;
	s18 =	smov.u32 s17  }
0x141: {  	s20 =	sadd.s32 $0x10F, s17;
	v21 =	vmov s19;
	s19 =	sadd.s32 $0x109, s17;
	v26 =	vbroadcast v26, $0x0;
	v23 =	vld.idx.msk [tilespmem:v23+s11+$0x0], $0xffff;
	[tilespmem:s16+$0x260] =	vst v19  }
0x142: {  	v27 =	vmov s20;
	v19 =	vand.u32 $0xFFFFFFF8, v21;
	v21 =	vmov s19;
	s19 =	sadd.s32 $0x10A, s17;
	v22 =	vld.idx.msk [tilespmem:v22+s4+$0x0], $0xffff;
	[tilespmem:s16+$0x2E0] =	vst v18  }
0x143: {  	v18 =	vbroadcast v19, $0x0;
	v19 =	vand.u32 $0xFFFFFFF9, v21;
	v21 =	vmov s19;
	v24 =	vld.idx.msk [tilespmem:v24+s4+$0x0], $0xffff;
	[tilespmem:s16+$0x3E0] =	vst v17  }
0x144: {  	v28 =	vbroadcast v19, $0x0;
	v17 =	vand.u32 $0xFFFFFFFA, v21;
	[tilespmem:s16+$0x70] =	vst v16;
	v13 =	vld.idx.msk [tilespmem:v13+s4+$0x0], $0xffff  }
0x145: {  	v21 =	vbroadcast v17, $0x0;
	[tilespmem:s16+$0xF0] =	vst v14;
	v14 =	vld.idx.msk [tilespmem:v12+s4+$0x0], $0xffff  }
0x146: {  	v12 =	vshll.u32 v8, $0x7;
	v29 =	vld.idx.msk [tilespmem:v15+s11+$0x0], $0xffff;
	[tilespmem:s16+$0x170] =	vst v25  }
0x147: {  	v19 =	vshll.u32 v23, $0x7;
	v23 =	vor.u32 v0, v12;
	v25 =	vld.idx.msk [tilespmem:v26+s11+$0x0], $0xffff  }
0x148: {  	v16 =	vshll.u32 v11, $0x7;
	v26 =	vor.u32 v0, v19;
	v8 =	vld.idx.msk [tilespmem:v27+s11+$0x0], $0xffff;
	[tilespmem:s16+$0x1F0] =	vst v22  }
0x149: {  	v17 =	vshll.u32 v10, $0x7;
	v22 =	vor.u32 v0, v16;
	v11 =	vld.idx.msk [tilespmem:v18+s11+$0x0], $0xffff;
	[tilespmem:s16+$0x270] =	vst v24  }
0x14a: {  	v24 =	vor.u32 v0, v17;
	v18 =	vshll.u32 v9, $0x7;
	v10 =	vld.idx.msk [tilespmem:v28+s11+$0x0], $0xffff;
	[tilespmem:s16+$0x2F0] =	vst v13  }
0x14b: {  	v15 =	vshll.u32 v20, $0x7;
	v9 =	vld.idx.msk [tilespmem:v21+s11+$0x0], $0xffff;
	v21 =	vor.u32 v0, v18;
	[tilespmem:s16+$0x3F0] =	vst v14  }
0x14c: {  	v20 =	vor.u32 v0, v15;
	v14 =	vshll.u32 v29, $0x7;
	v23 =	vld.idx.msk [tilespmem:v23+s4+$0x0], $0xffff  }
0x14d: {  	v27 =	vor.u32 v0, v14;
	v13 =	vshll.u32 v25, $0x7;
	v25 =	vld.idx.msk [tilespmem:v26+s4+$0x0], $0xffff  }
0x14e: {  	v26 =	vor.u32 v0, v13;
	v22 =	vld.idx.msk [tilespmem:v22+s4+$0x0], $0xffff  }
0x14f: {  	v28 =	vor.u32 v1, v19;
	v24 =	vld.idx.msk [tilespmem:v24+s4+$0x0], $0xffff  }
0x150: {  	v29 =	vor.u32 v1, v16;
	v21 =	vld.idx.msk [tilespmem:v21+s4+$0x0], $0xffff  }
0x151: {  	v30 =	vor.u32 v1, v17;
	v20 =	vld.idx.msk [tilespmem:v20+s4+$0x0], $0xffff  }
0x152: {  	v31 =	vor.u32 v1, v18;
	s16 =	sadd.s32 $0x400, s16;
	v27 =	vld.idx.msk [tilespmem:v27+s4+$0x0], $0xffff  }
0x153: {  	v32 =	vor.u32 v1, v15;
	v26 =	vld.idx.msk [tilespmem:v26+s4+$0x0], $0xffff;
	[tilespmem:s16+$0x300] =	vst v25  }
0x154: {  	[tilespmem:s16+$0x0] =	vst v22;
	v22 =	vor.u32 v1, v14;
	v25 =	vld.idx.msk [tilespmem:v28+s4+$0x0], $0xffff  }
0x155: {  	v28 =	vld.idx.msk [tilespmem:v29+s4+$0x0], $0xffff;
	[tilespmem:s16+$0x80] =	vst v24;
	v24 =	vor.u32 v1, v13  }
0x156: {  	v29 =	vld.idx.msk [tilespmem:v30+s4+$0x0], $0xffff;
	[tilespmem:s16+$0x100] =	vst v21;
	v21 =	vor.u32 v2, v19  }
0x157: {  	v30 =	vld.idx.msk [tilespmem:v31+s4+$0x0], $0xffff;
	[tilespmem:s16+$0x180] =	vst v20;
	v20 =	vor.u32 v1, v12  }
0x158: {  	v31 =	vor.u32 v2, v16;
	v32 =	vld.idx.msk [tilespmem:v32+s4+$0x0], $0xffff;
	[tilespmem:s16+$0x200] =	vst v27  }
0x159: {  	v27 =	vor.u32 v2, v17;
	v22 =	vld.idx.msk [tilespmem:v22+s4+$0x0], $0xffff;
	[tilespmem:s16+$0x280] =	vst v26  }
0x15a: {  	v26 =	vor.u32 v2, v18;
	v24 =	vld.idx.msk [tilespmem:v24+s4+$0x0], $0xffff;
	[tilespmem:s16+$0x310] =	vst v25  }
0x15b: {  	v25 =	vor.u32 v2, v15;
	v21 =	vld.idx.msk [tilespmem:v21+s4+$0x0], $0xffff;
	[tilespmem:s16+$0x380] =	vst v23  }
0x15c: {  	v23 =	vor.u32 v2, v14;
	[tilespmem:s16+$0x10] =	vst v28;
	v20 =	vld.idx.msk [tilespmem:v20+s4+$0x0], $0xffff  }
0x15d: {  	v28 =	vld.idx.msk [tilespmem:v31+s4+$0x0], $0xffff;
	[tilespmem:s16+$0x90] =	vst v29;
	v29 =	vor.u32 v3, v19  }
0x15e: {  	v27 =	vld.idx.msk [tilespmem:v27+s4+$0x0], $0xffff;
	[tilespmem:s16+$0x110] =	vst v30;
	v30 =	vor.u32 v2, v13  }
0x15f: {  	v31 =	vor.u32 v2, v12;
	v26 =	vld.idx.msk [tilespmem:v26+s4+$0x0], $0xffff;
	[tilespmem:s16+$0x190] =	vst v32  }
0x160: {  	v32 =	vor.u32 v3, v16;
	v25 =	vld.idx.msk [tilespmem:v25+s4+$0x0], $0xffff;
	[tilespmem:s16+$0x210] =	vst v22  }
0x161: {  	v22 =	vor.u32 v3, v17;
	v23 =	vld.idx.msk [tilespmem:v23+s4+$0x0], $0xffff;
	[tilespmem:s16+$0x320] =	vst v21  }
0x162: {  	v21 =	vor.u32 v3, v18;
	[tilespmem:s16+$0x290] =	vst v24;
	v24 =	vld.idx.msk [tilespmem:v29+s4+$0x0], $0xffff  }
0x163: {  	v29 =	vor.u32 v3, v15;
	v30 =	vld.idx.msk [tilespmem:v30+s4+$0x0], $0xffff;
	[tilespmem:s16+$0x390] =	vst v20  }
0x164: {  	v20 =	vor.u32 v4, v19;
	[tilespmem:s16+$0x20] =	vst v28;
	v28 =	vld.idx.msk [tilespmem:v31+s4+$0x0], $0xffff  }
0x165: {  	v31 =	vld.idx.msk [tilespmem:v32+s4+$0x0], $0xffff;
	[tilespmem:s16+$0xA0] =	vst v27;
	v27 =	vor.u32 v3, v14  }
0x166: {  	v22 =	vld.idx.msk [tilespmem:v22+s4+$0x0], $0xffff;
	[tilespmem:s16+$0x120] =	vst v26;
	v26 =	vor.u32 v3, v13  }
0x167: {  	v21 =	vld.idx.msk [tilespmem:v21+s4+$0x0], $0xffff;
	[tilespmem:s16+$0x1A0] =	vst v25;
	v25 =	vor.u32 v3, v12  }
0x168: {  	v32 =	vor.u32 v4, v16;
	v29 =	vld.idx.msk [tilespmem:v29+s4+$0x0], $0xffff;
	[tilespmem:s16+$0x330] =	vst v24  }
0x169: {  	v24 =	vor.u32 v4, v17;
	[tilespmem:s16+$0x220] =	vst v23;
	v20 =	vld.idx.msk [tilespmem:v20+s4+$0x0], $0xffff  }
0x16a: {  	v23 =	vor.u32 v4, v18;
	v27 =	vld.idx.msk [tilespmem:v27+s4+$0x0], $0xffff;
	[tilespmem:s16+$0x2A0] =	vst v30  }
0x16b: {  	v30 =	vor.u32 v5, v19;
	v26 =	vld.idx.msk [tilespmem:v26+s4+$0x0], $0xffff;
	[tilespmem:s16+$0x3A0] =	vst v28  }
0x16c: {  	v28 =	vor.u32 v4, v15;
	[tilespmem:s16+$0x30] =	vst v31;
	v25 =	vld.idx.msk [tilespmem:v25+s4+$0x0], $0xffff  }
0x16d: {  	v31 =	vld.idx.msk [tilespmem:v32+s4+$0x0], $0xffff;
	[tilespmem:s16+$0xB0] =	vst v22;
	v22 =	vor.u32 v4, v14  }
0x16e: {  	v24 =	vld.idx.msk [tilespmem:v24+s4+$0x0], $0xffff;
	[tilespmem:s16+$0x130] =	vst v21;
	v21 =	vor.u32 v4, v13  }
0x16f: {  	v23 =	vld.idx.msk [tilespmem:v23+s4+$0x0], $0xffff;
	[tilespmem:s16+$0x340] =	vst v20;
	v20 =	vor.u32 v4, v12  }
0x170: {  	v32 =	vor.u32 v5, v16;
	[tilespmem:s16+$0x1B0] =	vst v29;
	v29 =	vld.idx.msk [tilespmem:v30+s4+$0x0], $0xffff  }
0x171: {  	v30 =	vor.u32 v5, v17;
	v28 =	vld.idx.msk [tilespmem:v28+s4+$0x0], $0xffff;
	[tilespmem:s16+$0x230] =	vst v27  }
0x172: {  	v22 =	vld.idx.msk [tilespmem:v22+s4+$0x0], $0xffff;
	[tilespmem:s16+$0x2B0] =	vst v26;
	v26 =	vor.u32 v6, v19  }
0x173: {  	v27 =	vor.u32 v5, v18;
	v21 =	vld.idx.msk [tilespmem:v21+s4+$0x0], $0xffff;
	[tilespmem:s16+$0x3B0] =	vst v25  }
0x174: {  	v25 =	vor.u32 v5, v15;
	[tilespmem:s16+$0x40] =	vst v31;
	v20 =	vld.idx.msk [tilespmem:v20+s4+$0x0], $0xffff  }
0x175: {  	v31 =	vld.idx.msk [tilespmem:v32+s4+$0x0], $0xffff;
	[tilespmem:s16+$0xC0] =	vst v24;
	v24 =	vor.u32 v5, v14  }
0x176: {  	v32 =	vor.u32 v5, v13;
	v30 =	vld.idx.msk [tilespmem:v30+s4+$0x0], $0xffff;
	[tilespmem:s16+$0x350] =	vst v29  }
0x177: {  	[tilespmem:s16+$0x140] =	vst v23;
	v23 =	vld.idx.msk [tilespmem:v26+s4+$0x0], $0xffff;
	v26 =	vor.u32 v5, v12  }
0x178: {  	v29 =	vor.u32 v6, v16;
	v27 =	vld.idx.msk [tilespmem:v27+s4+$0x0], $0xffff;
	[tilespmem:s16+$0x1C0] =	vst v28  }
0x179: {  	v19 =	vor.u32 v7, v19;
	v25 =	vld.idx.msk [tilespmem:v25+s4+$0x0], $0xffff;
	[tilespmem:s16+$0x240] =	vst v22  }
0x17a: {  	v22 =	vor.u32 v6, v17;
	v24 =	vld.idx.msk [tilespmem:v24+s4+$0x0], $0xffff;
	[tilespmem:s16+$0x2C0] =	vst v21  }
0x17b: {  	v21 =	vor.u32 v6, v18;
	v28 =	vld.idx.msk [tilespmem:v32+s4+$0x0], $0xffff;
	[tilespmem:s16+$0x3C0] =	vst v20  }
0x17c: {  	s19 =	sadd.s32 $0x10B, s17;
	v20 =	vor.u32 v6, v15;
	[tilespmem:s16+$0x50] =	vst v31;
	v26 =	vld.idx.msk [tilespmem:v26+s4+$0x0], $0xffff  }
0x17d: {  	v32 =	vor.u32 v6, v14;
	v31 =	vmov s19;
	v29 =	vld.idx.msk [tilespmem:v29+s4+$0x0], $0xffff;
	[tilespmem:s16+$0x360] =	vst v23  }
0x17e: {  	v23 =	vand.u32 $0xFFFFFFFB, v31;
	[tilespmem:s16+$0xD0] =	vst v30;
	v30 =	vor.u32 v6, v13;
	v31 =	vld.idx.msk [tilespmem:v19+s4+$0x0], $0xffff  }
0x17f: {  	v33 =	vbroadcast v23, $0x0;
	v34 =	vld.idx.msk [tilespmem:v22+s4+$0x0], $0xffff;
	[tilespmem:s16+$0x150] =	vst v27;
	v22 =	vor.u32 v6, v12  }
0x180: {  	s17 =	sadd.s32 $0x8, s17;
	s19 =	sadd.s32 $0x10E, s18;
	v27 =	vld.idx.msk [tilespmem:v21+s4+$0x0], $0xffff;
	[tilespmem:s16+$0x1D0] =	vst v25  }
0x181: {  	p0 =	slt.u32 s17, $0xF8;
	v16 =	vor.u32 v7, v16;
	v19 =	vmov s19;
	v21 =	vld.idx.msk [tilespmem:v20+s4+$0x0], $0xffff;
	[tilespmem:s16+$0x250] =	vst v24  }
0x182: {  	v35 =	vor.u32 v7, v17;
	v20 =	vand.u32 $0xFFFFFFFE, v19;
	v19 =	vld.idx.msk [tilespmem:v32+s4+$0x0], $0xffff;
	[tilespmem:s16+$0x2D0] =	vst v28  }
.Ltmp1:
0x183: {  	v25 =	vor.u32 v7, v18;
	v23 =	vbroadcast v20, $0x0;
	v18 =	vld.idx.msk [tilespmem:v30+s4+$0x0], $0xffff;
	[tilespmem:s16+$0x3D0] =	vst v26;
	(pc) =	sbr.rel @p0 .LBB2_4-.Ltmp1, $4  }
0x184: {  	[tilespmem:s16+$0x370] =	vst v31;
	v17 =	vld.idx.msk [tilespmem:v22+s4+$0x0], $0xffff  }
0x185: {  	s19 =	sadd.s32 $0x10C, s18;
	v22 =	vor.u32 v7, v15;
	v20 =	vld.idx.msk [tilespmem:v33+s11+$0x0], $0xffff;
	[tilespmem:s16+$0x60] =	vst v29  }
0x186: {  	s18 =	sadd.s32 $0x10D, s18;
	v24 =	vor.u32 v7, v14;
	v15 =	vmov s19;
	v16 =	vld.idx.msk [tilespmem:v16+s4+$0x0], $0xffff;
	[tilespmem:s16+$0xE0] =	vst v34  }
0x187: {  	v13 =	vor.u32 v7, v13;
	v26 =	vmov s18;
	v15 =	vand.u32 $0xFFFFFFFC, v15;
	v14 =	vld.idx.msk [tilespmem:v35+s4+$0x0], $0xffff;
	[tilespmem:s16+$0x160] =	vst v27  }
0x188: {  	_ =	sdelay $0x3  }
0x189: {  	v15 =	vbroadcast v15, $0x0;
	v23 =	vld.idx.msk [tilespmem:v23+s11+$0x0], $0xffff;
	v62 =	vor.u32 v7, v12  }
0x18a: {  	v26 =	vand.u32 $0xFFFFFFFD, v26;
	v25 =	vld.idx.msk [tilespmem:v25+s4+$0x0], $0xffff;
	[tilespmem:s16+$0x1E0] =	vst v21;
	v11 =	vshll.u32 v11, $0x7  }
0x18b: {  	[tilespmem:s16+$0x260] =	vst v19;
	v26 =	vbroadcast v26, $0x0;
	v22 =	vld.idx.msk [tilespmem:v22+s4+$0x0], $0xffff;
	v28 =	vor.u32 v0, v11  }
0x18c: {  	[tilespmem:s16+$0x2E0] =	vst v18;
	v10 =	vshll.u32 v10, $0x7;
	v24 =	vld.idx.msk [tilespmem:v24+s4+$0x0], $0xffff  }
0x18d: {  	v9 =	vshll.u32 v9, $0x7;
	[tilespmem:s16+$0x3E0] =	vst v17;
	v29 =	vor.u32 v0, v10;
	v30 =	vld.idx.msk [tilespmem:v13+s4+$0x0], $0xffff  }
0x18e: {  	v31 =	vor.u32 v0, v9;
	v12 =	vshll.u32 v20, $0x7;
	v32 =	vld.idx.msk [tilespmem:v62+s4+$0x0], $0xffff  }
0x18f: {  	v8 =	vshll.u32 v8, $0x7;
	[tilespmem:s16+$0x70] =	vst v16;
	v33 =	vor.u32 v0, v12;
	v27 =	vld.idx.msk [tilespmem:v15+s11+$0x0], $0xffff  }
0x190: {  	v38 =	vor.u32 v0, v8;
	[tilespmem:s16+$0xF0] =	vst v14;
	v15 =	vshll.u32 v23, $0x7;
	v18 =	vld.idx.msk [tilespmem:v28+s4+$0x0], $0xffff  }
0x191: {  	[tilespmem:s16+$0x170] =	vst v25;
	v63 =	vld.idx.msk [tilespmem:v26+s11+$0x0], $0xffff;
	v23 =	vor.u32 v0, v15  }
0x192: {  	v40 =	vor.u32 v1, v11;
	[tilespmem:s16+$0x1F0] =	vst v22;
	v17 =	vld.idx.msk [tilespmem:v29+s4+$0x0], $0xffff  }
0x193: {  	v41 =	vor.u32 v1, v10;
	[tilespmem:s16+$0x270] =	vst v24;
	v39 =	vld.idx.msk [tilespmem:v31+s4+$0x0], $0xffff  }
0x194: {  	v42 =	vor.u32 v1, v9;
	[tilespmem:s16+$0x2F0] =	vst v30;
	v21 =	vld.idx.msk [tilespmem:v33+s4+$0x0], $0xffff  }
0x195: {  	s31 =	sadd.s32 $0x400, s16;
	v43 =	vor.u32 v1, v12;
	v44 =	vld.idx.msk [tilespmem:v38+s4+$0x0], $0xffff;
	[tilespmem:s16+$0x3F0] =	vst v32;
	v13 =	vshll.u32 v27, $0x7  }
0x196: {  	[tilespmem:s31+$0x0] =	vst v18;
	v34 =	vor.u32 v0, v13;
	v14 =	vshll.u32 v63, $0x7;
	v35 =	vld.idx.msk [tilespmem:v23+s4+$0x0], $0xffff  }
0x197: {  	[tilespmem:s31+$0x80] =	vst v17;
	v46 =	vld.idx.msk [tilespmem:v40+s4+$0x0], $0xffff;
	v36 =	vor.u32 v0, v14  }
0x198: {  	v37 =	vor.u32 v1, v15;
	[tilespmem:s31+$0x100] =	vst v39;
	v26 =	vld.idx.msk [tilespmem:v41+s4+$0x0], $0xffff  }
0x199: {  	v51 =	vor.u32 v2, v10;
	v19 =	vld.idx.msk [tilespmem:v42+s4+$0x0], $0xffff;
	[tilespmem:s31+$0x180] =	vst v21  }
0x19a: {  	v52 =	vor.u32 v2, v9;
	[tilespmem:s31+$0x380] =	vst v44;
	v18 =	vld.idx.msk [tilespmem:v43+s4+$0x0], $0xffff  }
0x19b: {  	v54 =	vor.u32 v2, v12;
	v25 =	vld.idx.msk [tilespmem:v34+s4+$0x0], $0xffff;
	[tilespmem:s31+$0x300] =	vst v35  }
0x19c: {  	v49 =	vor.u32 v1, v8;
	[tilespmem:s31+$0x10] =	vst v46;
	v22 =	vld.idx.msk [tilespmem:v36+s4+$0x0], $0xffff  }
0x19d: {  	v45 =	vor.u32 v1, v13;
	[tilespmem:s31+$0x90] =	vst v26;
	v23 =	vld.idx.msk [tilespmem:v37+s4+$0x0], $0xffff  }
0x19e: {  	v50 =	vor.u32 v2, v11;
	[tilespmem:s31+$0x110] =	vst v19;
	v57 =	vld.idx.msk [tilespmem:v51+s4+$0x0], $0xffff  }
0x19f: {  	v47 =	vor.u32 v2, v15;
	v17 =	vld.idx.msk [tilespmem:v52+s4+$0x0], $0xffff;
	[tilespmem:s31+$0x190] =	vst v18  }
0x1a0: {  	v48 =	vor.u32 v1, v14;
	v21 =	vld.idx.msk [tilespmem:v54+s4+$0x0], $0xffff;
	[tilespmem:s31+$0x200] =	vst v25  }
0x1a1: {  	v61 =	vor.u32 v3, v10;
	v25 =	vld.idx.msk [tilespmem:v49+s4+$0x0], $0xffff;
	[tilespmem:s31+$0x280] =	vst v22  }
0x1a2: {  	v29 =	vor.u32 v3, v12;
	[tilespmem:s31+$0x310] =	vst v23;
	v24 =	vld.idx.msk [tilespmem:v45+s4+$0x0], $0xffff  }
0x1a3: {  	v62 =	vor.u32 v3, v9;
	v22 =	vld.idx.msk [tilespmem:v50+s4+$0x0], $0xffff;
	[tilespmem:s31+$0xA0] =	vst v57  }
0x1a4: {  	v59 =	vor.u32 v2, v8;
	[tilespmem:s31+$0x120] =	vst v17;
	v20 =	vld.idx.msk [tilespmem:v47+s4+$0x0], $0xffff  }
0x1a5: {  	v56 =	vor.u32 v2, v13;
	v53 =	vld.idx.msk [tilespmem:v48+s4+$0x0], $0xffff;
	[tilespmem:s31+$0x1A0] =	vst v21  }
0x1a6: {  	v60 =	vor.u32 v3, v11;
	v16 =	vld.idx.msk [tilespmem:v61+s4+$0x0], $0xffff;
	[tilespmem:s31+$0x390] =	vst v25  }
0x1a7: {  	v55 =	vor.u32 v3, v15;
	v18 =	vld.idx.msk [tilespmem:v29+s4+$0x0], $0xffff;
	[tilespmem:s31+$0x210] =	vst v24  }
0x1a8: {  	v58 =	vor.u32 v2, v14;
	v25 =	vld.idx.msk [tilespmem:v62+s4+$0x0], $0xffff;
	[tilespmem:s31+$0x20] =	vst v22  }
0x1a9: {  	v35 =	vor.u32 v4, v10;
	v24 =	vld.idx.msk [tilespmem:v59+s4+$0x0], $0xffff;
	[tilespmem:s31+$0x320] =	vst v20  }
0x1aa: {  	v38 =	vor.u32 v4, v12;
	[tilespmem:s31+$0x290] =	vst v53;
	v19 =	vld.idx.msk [tilespmem:v56+s4+$0x0], $0xffff  }
0x1ab: {  	v37 =	vor.u32 v4, v9;
	v30 =	vld.idx.msk [tilespmem:v60+s4+$0x0], $0xffff;
	[tilespmem:s31+$0xB0] =	vst v16  }
0x1ac: {  	v31 =	vor.u32 v3, v13;
	v26 =	vld.idx.msk [tilespmem:v55+s4+$0x0], $0xffff;
	[tilespmem:s31+$0x1B0] =	vst v18  }
0x1ad: {  	v33 =	vor.u32 v3, v8;
	v63 =	vld.idx.msk [tilespmem:v58+s4+$0x0], $0xffff;
	[tilespmem:s31+$0x130] =	vst v25  }
0x1ae: {  	v34 =	vor.u32 v4, v11;
	v22 =	vld.idx.msk [tilespmem:v35+s4+$0x0], $0xffff;
	[tilespmem:s31+$0x3A0] =	vst v24  }
0x1af: {  	v28 =	vor.u32 v4, v15;
	v16 =	vld.idx.msk [tilespmem:v38+s4+$0x0], $0xffff;
	[tilespmem:s31+$0x220] =	vst v19  }
0x1b0: {  	v32 =	vor.u32 v3, v14;
	v17 =	vld.idx.msk [tilespmem:v37+s4+$0x0], $0xffff;
	[tilespmem:s31+$0x30] =	vst v30  }
0x1b1: {  	v44 =	vor.u32 v5, v10;
	[tilespmem:s31+$0x330] =	vst v26;
	v20 =	vld.idx.msk [tilespmem:v31+s4+$0x0], $0xffff  }
0x1b2: {  	v46 =	vor.u32 v5, v12;
	[tilespmem:s31+$0x2A0] =	vst v63;
	v26 =	vld.idx.msk [tilespmem:v33+s4+$0x0], $0xffff  }
0x1b3: {  	v45 =	vor.u32 v5, v9;
	v19 =	vld.idx.msk [tilespmem:v34+s4+$0x0], $0xffff;
	[tilespmem:s31+$0xC0] =	vst v22  }
0x1b4: {  	v39 =	vor.u32 v4, v13;
	v23 =	vld.idx.msk [tilespmem:v28+s4+$0x0], $0xffff;
	[tilespmem:s31+$0x1C0] =	vst v16  }
0x1b5: {  	v41 =	vor.u32 v4, v8;
	v21 =	vld.idx.msk [tilespmem:v32+s4+$0x0], $0xffff;
	[tilespmem:s31+$0x140] =	vst v17  }
0x1b6: {  	v42 =	vor.u32 v5, v11;
	v49 =	vld.idx.msk [tilespmem:v44+s4+$0x0], $0xffff;
	[tilespmem:s31+$0x230] =	vst v20  }
0x1b7: {  	v36 =	vor.u32 v5, v15;
	v22 =	vld.idx.msk [tilespmem:v46+s4+$0x0], $0xffff;
	[tilespmem:s31+$0x3B0] =	vst v26  }
0x1b8: {  	v40 =	vor.u32 v4, v14;
	[tilespmem:s31+$0x40] =	vst v19;
	v19 =	vld.idx.msk [tilespmem:v45+s4+$0x0], $0xffff  }
0x1b9: {  	v54 =	vor.u32 v6, v12;
	[tilespmem:s31+$0x340] =	vst v23;
	v25 =	vld.idx.msk [tilespmem:v39+s4+$0x0], $0xffff  }
0x1ba: {  	v52 =	vor.u32 v6, v10;
	[tilespmem:s31+$0x2B0] =	vst v21;
	v18 =	vld.idx.msk [tilespmem:v41+s4+$0x0], $0xffff  }
0x1bb: {  	v53 =	vor.u32 v6, v9;
	v20 =	vld.idx.msk [tilespmem:v42+s4+$0x0], $0xffff;
	[tilespmem:s31+$0xD0] =	vst v49  }
0x1bc: {  	v47 =	vor.u32 v5, v13;
	v24 =	vld.idx.msk [tilespmem:v36+s4+$0x0], $0xffff;
	[tilespmem:s31+$0x1D0] =	vst v22  }
0x1bd: {  	v50 =	vor.u32 v5, v8;
	v23 =	vld.idx.msk [tilespmem:v40+s4+$0x0], $0xffff;
	[tilespmem:s31+$0x150] =	vst v19  }
0x1be: {  	v51 =	vor.u32 v6, v11;
	v60 =	vld.idx.msk [tilespmem:v54+s4+$0x0], $0xffff;
	[tilespmem:s31+$0x240] =	vst v25  }
0x1bf: {  	v48 =	vor.u32 v5, v14;
	[tilespmem:s31+$0x3C0] =	vst v18;
	v18 =	vld.idx.msk [tilespmem:v52+s4+$0x0], $0xffff  }
0x1c0: {  	v43 =	vor.u32 v6, v15;
	[tilespmem:s31+$0x50] =	vst v20;
	v20 =	vld.idx.msk [tilespmem:v53+s4+$0x0], $0xffff  }
0x1c1: {  	v12 =	vor.u32 v7, v12;
	[tilespmem:s31+$0x350] =	vst v24;
	v24 =	vld.idx.msk [tilespmem:v47+s4+$0x0], $0xffff  }
0x1c2: {  	v10 =	vor.u32 v7, v10;
	[tilespmem:s31+$0x2C0] =	vst v23;
	v55 =	vld.idx.msk [tilespmem:v50+s4+$0x0], $0xffff  }
0x1c3: {  	v56 =	vor.u32 v6, v13;
	v57 =	vld.idx.msk [tilespmem:v51+s4+$0x0], $0xffff;
	[tilespmem:s31+$0x1E0] =	vst v60  }
0x1c4: {  	v59 =	vor.u32 v6, v8;
	v17 =	vld.idx.msk [tilespmem:v48+s4+$0x0], $0xffff;
	[tilespmem:s31+$0xE0] =	vst v18  }
0x1c5: {  	v58 =	vor.u32 v6, v14;
	v21 =	vld.idx.msk [tilespmem:v43+s4+$0x0], $0xffff;
	[tilespmem:s31+$0x160] =	vst v20  }
0x1c6: {  	v9 =	vor.u32 v7, v9;
	v12 =	vld.idx.msk [tilespmem:v12+s4+$0x0], $0xffff;
	[tilespmem:s31+$0x250] =	vst v24  }
0x1c7: {  	v11 =	vor.u32 v7, v11;
	[tilespmem:s31+$0x3D0] =	vst v55;
	v10 =	vld.idx.msk [tilespmem:v10+s4+$0x0], $0xffff  }
0x1c8: {  	v15 =	vor.u32 v7, v15;
	[tilespmem:s31+$0x60] =	vst v57;
	v16 =	vld.idx.msk [tilespmem:v56+s4+$0x0], $0xffff  }
0x1c9: {  	v13 =	vor.u32 v7, v13;
	[tilespmem:s31+$0x2D0] =	vst v17;
	v62 =	vld.idx.msk [tilespmem:v59+s4+$0x0], $0xffff  }
0x1ca: {  	v8 =	vor.u32 v7, v8;
	[tilespmem:s31+$0x360] =	vst v21;
	v61 =	vld.idx.msk [tilespmem:v58+s4+$0x0], $0xffff  }
0x1cb: {  	v14 =	vor.u32 v7, v14;
	v9 =	vld.idx.msk [tilespmem:v9+s4+$0x0], $0xffff;
	[tilespmem:s31+$0x1F0] =	vst v12  }
0x1cc: {  	v11 =	vld.idx.msk [tilespmem:v11+s4+$0x0], $0xffff;
	[tilespmem:s31+$0xF0] =	vst v10  }
0x1cd: {  	v15 =	vld.idx.msk [tilespmem:v15+s4+$0x0], $0xffff;
	[tilespmem:s31+$0x260] =	vst v16  }
0x1ce: {  	[tilespmem:s31+$0x3E0] =	vst v62;
	v13 =	vld.idx.msk [tilespmem:v13+s4+$0x0], $0xffff  }
0x1cf: {  	[tilespmem:s31+$0x2E0] =	vst v61;
	v8 =	vld.idx.msk [tilespmem:v8+s4+$0x0], $0xffff  }
0x1d0: {  	[tilespmem:s31+$0x170] =	vst v9;
	v63 =	vld.idx.msk [tilespmem:v14+s4+$0x0], $0xffff  }
0x1d1: {  	[tilespmem:s31+$0x70] =	vst v11  }
0x1d2: {  	[tilespmem:s31+$0x370] =	vst v15  }
0x1d3: {  	[tilespmem:s31+$0x270] =	vst v13  }
0x1d4: {  	[tilespmem:s31+$0x3F0] =	vst v8  }
0x1d5: {  	s17 =	simm.s32 $0x1;
	s16 =	simm.s32 $0x0;
	[tilespmem:s31+$0x2F0] =	vst v63  }
0x1d6: {  	[hbm4b:s7+s16] =	stream.linear.scatter [tilespmem:s13], [sflag:$0x1], $0x8000, $0x38;
	[tilespmem:$0x16E00] =	vst v63  }
.LBB2_6:
0x1d7: {  	s18 =	sadd.s32 $0xFFFFFFF8, s16  }
0x1d8: {  	s19 =	sadd.s32 $0x20E, s18  }
0x1d9: {  	s30 =	sadd.s32 $0x208, s18;
	v8 =	vmov s19  }
0x1da: {  	s31 =	sadd.s32 $0x209, s18;
	v9 =	vmov s30;
	v8 =	vand.u32 $0xFFFFFFFE, v8  }
0x1db: {  	v10 =	vmov s31;
	v9 =	vand.u32 $0xFFFFFFF8, v9;
	v8 =	vbroadcast v8, $0x0  }
0x1dc: {  	s20 =	sadd.s32 $0x20A, s18;
	v10 =	vand.u32 $0xFFFFFFF9, v10;
	v9 =	vbroadcast v9, $0x0  }
0x1dd: {  	s21 =	sadd.s32 $0x20B, s18;
	v11 =	vmov s20;
	v10 =	vbroadcast v10, $0x0  }
0x1de: {  	_ =	swait.ge [sflag:s14], $0x8000;
	s22 =	sadd.s32 $0x20C, s18;
	v12 =	vmov s21;
	v11 =	vand.u32 $0xFFFFFFFA, v11  }
0x1df: {  	[sflag:s14] =	ssyncset.done $0x0;
	v13 =	vmov s22;
	v12 =	vand.u32 $0xFFFFFFFB, v12;
	v11 =	vbroadcast v11, $0x0  }
0x1e0: {  	s23 =	sadd.s32 $0x20D, s18;
	[sflag:s14] =	ssyncadd.s32 $0xFFFF8000;
	v13 =	vand.u32 $0xFFFFFFFC, v13;
	v12 =	vbroadcast v12, $0x0  }
0x1e1: {  	v14 =	vmov s23;
	v13 =	vbroadcast v13, $0x0;
	v8 =	vld.idx.msk [tilespmem:v8+s11+$0x0], $0xffff  }
0x1e2: {  	s18 =	sadd.s32 $0x20F, s18;
	v14 =	vand.u32 $0xFFFFFFFD, v14;
	v9 =	vld.idx.msk [tilespmem:v9+s11+$0x0], $0xffff  }
0x1e3: {  	v17 =	vmov s18;
	v16 =	vbroadcast v14, $0x0;
	v10 =	vld.idx.msk [tilespmem:v10+s11+$0x0], $0xffff;
	_ =	sdelay $0x1  }
0x1e4: {  	v11 =	vld.idx.msk [tilespmem:v11+s11+$0x0], $0xffff  }
0x1e5: {  	v18 =	vld.idx.msk [tilespmem:v12+s11+$0x0], $0xffff  }
0x1e6: {  	v19 =	vld.idx.msk [tilespmem:v13+s11+$0x0], $0xffff;
	v15 =	vshll.u32 v8, $0x7  }
0x1e7: {  	v14 =	vshll.u32 v9, $0x7;
	v13 =	vshll.u32 v10, $0x7;
	v10 =	vld.idx.msk [tilespmem:v17+s11+$0x0], $0xffff;
	v8 =	vor.u32 v0, v15  }
0x1e8: {  	v16 =	vld.idx.msk [tilespmem:v16+s11+$0x0], $0xffff;
	v20 =	vor.u32 v0, v14  }
0x1e9: {  	v12 =	vshll.u32 v11, $0x7;
	v17 =	vor.u32 v0, v13  }
0x1ea: {  	v9 =	vshll.u32 v18, $0x7;
	v21 =	vor.u32 v0, v12  }
0x1eb: {  	v11 =	vshll.u32 v19, $0x7;
	v22 =	vor.u32 v0, v9  }
0x1ec: {  	v23 =	vor.u32 v0, v11;
	v10 =	vshll.u32 v10, $0x7;
	v18 =	vld.idx.msk [tilespmem:v8+s4+$0x0], $0xffff  }
0x1ed: {  	v8 =	vshll.u32 v16, $0x7;
	v16 =	vld.idx.msk [tilespmem:v20+s4+$0x0], $0xffff;
	v24 =	vor.u32 v0, v10  }
0x1ee: {  	v19 =	vor.u32 v1, v15;
	v17 =	vld.idx.msk [tilespmem:v17+s4+$0x0], $0xffff  }
0x1ef: {  	v21 =	vld.idx.msk [tilespmem:v21+s4+$0x0], $0xffff;
	v20 =	vor.u32 v0, v8  }
0x1f0: {  	s18 =	simm.s32 $0x7000;
	v25 =	vor.u32 v1, v14;
	v22 =	vld.idx.msk [tilespmem:v22+s4+$0x0], $0xffff  }
0x1f1: {  	v26 =	vor.u32 v1, v12;
	v23 =	vld.idx.msk [tilespmem:v23+s4+$0x0], $0xffff;
	[tilespmem:s18+$0x100] =	vst v18  }
0x1f2: {  	v28 =	vor.u32 v1, v9;
	[tilespmem:s18+$0xFFFFFE00] =	vst v16;
	v16 =	vld.idx.msk [tilespmem:v24+s4+$0x0], $0xffff  }
0x1f3: {  	v18 =	vor.u32 v1, v13;
	v19 =	vld.idx.msk [tilespmem:v19+s4+$0x0], $0xffff  }
0x1f4: {  	v24 =	vor.u32 v1, v11;
	[tilespmem:s18+$0xFFFFFE80] =	vst v17;
	v20 =	vld.idx.msk [tilespmem:v20+s4+$0x0], $0xffff  }
0x1f5: {  	v27 =	vor.u32 v2, v15;
	[tilespmem:s18+$0xFFFFFF00] =	vst v21;
	v17 =	vld.idx.msk [tilespmem:v25+s4+$0x0], $0xffff  }
0x1f6: {  	[tilespmem:s18+$0xFFFFFF80] =	vst v22;
	v25 =	vor.u32 v1, v8;
	v26 =	vld.idx.msk [tilespmem:v26+s4+$0x0], $0xffff  }
0x1f7: {  	v21 =	vor.u32 v1, v10;
	[tilespmem:s18+$0x0] =	vst v23;
	v23 =	vld.idx.msk [tilespmem:v28+s4+$0x0], $0xffff  }
0x1f8: {  	v28 =	vor.u32 v2, v12;
	v18 =	vld.idx.msk [tilespmem:v18+s4+$0x0], $0xffff;
	[tilespmem:s18+$0x110] =	vst v19  }
0x1f9: {  	v19 =	vor.u32 v2, v14;
	[tilespmem:s18+$0x80] =	vst v20;
	v20 =	vld.idx.msk [tilespmem:v24+s4+$0x0], $0xffff  }
0x1fa: {  	[tilespmem:s18+$0x180] =	vst v16;
	v22 =	vld.idx.msk [tilespmem:v27+s4+$0x0], $0xffff;
	v27 =	vor.u32 v2, v13  }
0x1fb: {  	[tilespmem:s18+$0xFFFFFE10] =	vst v17;
	v16 =	vld.idx.msk [tilespmem:v25+s4+$0x0], $0xffff;
	v25 =	vor.u32 v2, v9  }
0x1fc: {  	v17 =	vld.idx.msk [tilespmem:v21+s4+$0x0], $0xffff;
	v21 =	vor.u32 v2, v11;
	[tilespmem:s18+$0xFFFFFF10] =	vst v26  }
0x1fd: {  	v24 =	vor.u32 v3, v15;
	[tilespmem:s18+$0xFFFFFF90] =	vst v23;
	v23 =	vld.idx.msk [tilespmem:v28+s4+$0x0], $0xffff  }
0x1fe: {  	[tilespmem:s18+$0xFFFFFE90] =	vst v18;
	v18 =	vld.idx.msk [tilespmem:v19+s4+$0x0], $0xffff  }
0x1ff: {  	v19 =	vor.u32 v2, v8;
	[tilespmem:s18+$0x10] =	vst v20;
	v27 =	vld.idx.msk [tilespmem:v27+s4+$0x0], $0xffff  }
0x200: {  	[tilespmem:s18+$0x120] =	vst v22;
	v22 =	vor.u32 v2, v10;
	v20 =	vld.idx.msk [tilespmem:v25+s4+$0x0], $0xffff  }
0x201: {  	v26 =	vor.u32 v3, v14;
	[tilespmem:s18+$0x90] =	vst v16;
	v16 =	vld.idx.msk [tilespmem:v21+s4+$0x0], $0xffff  }
0x202: {  	[tilespmem:s18+$0x190] =	vst v17;
	v21 =	vor.u32 v3, v12;
	v24 =	vld.idx.msk [tilespmem:v24+s4+$0x0], $0xffff  }
0x203: {  	v28 =	vor.u32 v3, v13;
	[tilespmem:s18+$0xFFFFFF20] =	vst v23  }
0x204: {  	v25 =	vor.u32 v4, v15;
	v17 =	vld.idx.msk [tilespmem:v19+s4+$0x0], $0xffff;
	[tilespmem:s18+$0xFFFFFE20] =	vst v18  }
0x205: {  	v19 =	vor.u32 v3, v9;
	v18 =	vld.idx.msk [tilespmem:v22+s4+$0x0], $0xffff;
	[tilespmem:s18+$0xFFFFFEA0] =	vst v27  }
0x206: {  	v22 =	vor.u32 v3, v11;
	v26 =	vld.idx.msk [tilespmem:v26+s4+$0x0], $0xffff;
	[tilespmem:s18+$0xFFFFFFA0] =	vst v20  }
0x207: {  	v20 =	vld.idx.msk [tilespmem:v21+s4+$0x0], $0xffff;
	[tilespmem:s18+$0x130] =	vst v24;
	v24 =	vor.u32 v3, v8  }
0x208: {  	v23 =	vld.idx.msk [tilespmem:v28+s4+$0x0], $0xffff;
	v28 =	vor.u32 v4, v14  }
0x209: {  	v27 =	vor.u32 v3, v10;
	[tilespmem:s18+$0x20] =	vst v16;
	v25 =	vld.idx.msk [tilespmem:v25+s4+$0x0], $0xffff  }
0x20a: {  	v21 =	vor.u32 v5, v15;
	v16 =	vld.idx.msk [tilespmem:v19+s4+$0x0], $0xffff;
	[tilespmem:s18+$0xA0] =	vst v17  }
0x20b: {  	v19 =	vor.u32 v4, v13;
	v17 =	vld.idx.msk [tilespmem:v22+s4+$0x0], $0xffff;
	[tilespmem:s18+$0x1A0] =	vst v18  }
0x20c: {  	v22 =	vor.u32 v4, v12;
	[tilespmem:s18+$0xFFFFFE30] =	vst v26;
	v18 =	vld.idx.msk [tilespmem:v24+s4+$0x0], $0xffff  }
0x20d: {  	v24 =	vor.u32 v4, v9;
	[tilespmem:s18+$0xFFFFFEB0] =	vst v23;
	v23 =	vld.idx.msk [tilespmem:v28+s4+$0x0], $0xffff  }
0x20e: {  	[tilespmem:s18+$0x140] =	vst v25;
	v25 =	vld.idx.msk [tilespmem:v27+s4+$0x0], $0xffff;
	v27 =	vor.u32 v4, v11  }
0x20f: {  	v26 =	vor.u32 v4, v8;
	[tilespmem:s18+$0xFFFFFF30] =	vst v20;
	v21 =	vld.idx.msk [tilespmem:v21+s4+$0x0], $0xffff  }
0x210: {  	v28 =	vor.u32 v4, v10;
	v19 =	vld.idx.msk [tilespmem:v19+s4+$0x0], $0xffff;
	[tilespmem:s18+$0xFFFFFFB0] =	vst v16  }
0x211: {  	v20 =	vor.u32 v6, v15;
	v16 =	vld.idx.msk [tilespmem:v22+s4+$0x0], $0xffff;
	[tilespmem:s18+$0x30] =	vst v17  }
0x212: {  	v22 =	vor.u32 v5, v14;
	v17 =	vld.idx.msk [tilespmem:v24+s4+$0x0], $0xffff;
	[tilespmem:s18+$0xB0] =	vst v18  }
0x213: {  	v24 =	vor.u32 v5, v13;
	[tilespmem:s18+$0xFFFFFE40] =	vst v23;
	v18 =	vld.idx.msk [tilespmem:v27+s4+$0x0], $0xffff  }
0x214: {  	v27 =	vor.u32 v5, v12;
	v26 =	vld.idx.msk [tilespmem:v26+s4+$0x0], $0xffff;
	[tilespmem:s18+$0x1B0] =	vst v25  }
0x215: {  	[tilespmem:s18+$0x150] =	vst v21;
	v21 =	vor.u32 v5, v9;
	v23 =	vld.idx.msk [tilespmem:v28+s4+$0x0], $0xffff  }
0x216: {  	v25 =	vor.u32 v5, v11;
	v20 =	vld.idx.msk [tilespmem:v20+s4+$0x0], $0xffff;
	[tilespmem:s18+$0xFFFFFEC0] =	vst v19  }
0x217: {  	v15 =	vor.u32 v7, v15;
	v19 =	vld.idx.msk [tilespmem:v22+s4+$0x0], $0xffff;
	[tilespmem:s18+$0xFFFFFF40] =	vst v16  }
0x218: {  	v22 =	vor.u32 v5, v8;
	v16 =	vld.idx.msk [tilespmem:v24+s4+$0x0], $0xffff;
	[tilespmem:s18+$0xFFFFFFC0] =	vst v17  }
0x219: {  	v24 =	vor.u32 v5, v10;
	v17 =	vld.idx.msk [tilespmem:v27+s4+$0x0], $0xffff;
	[tilespmem:s18+$0x40] =	vst v18  }
0x21a: {  	v27 =	vor.u32 v6, v14;
	[tilespmem:s18+$0xC0] =	vst v26;
	v18 =	vld.idx.msk [tilespmem:v21+s4+$0x0], $0xffff  }
0x21b: {  	v21 =	vor.u32 v6, v13;
	v25 =	vld.idx.msk [tilespmem:v25+s4+$0x0], $0xffff;
	[tilespmem:s18+$0x160] =	vst v20  }
0x21c: {  	[tilespmem:s18+$0x1C0] =	vst v23;
	v20 =	vor.u32 v6, v12;
	v26 =	vld.idx.msk [tilespmem:v15+s4+$0x0], $0xffff  }
0x21d: {  	s24 =	sadd.s32 $0x0, s16;
	v23 =	vor.u32 v6, v11;
	v22 =	vld.idx.msk [tilespmem:v22+s4+$0x0], $0xffff;
	[tilespmem:s18+$0xFFFFFE50] =	vst v19  }
0x21e: {  	s25 =	sadd.s32 $0x20E, s24;
	v15 =	vor.u32 v6, v9;
	v19 =	vld.idx.msk [tilespmem:v24+s4+$0x0], $0xffff;
	[tilespmem:s18+$0xFFFFFED0] =	vst v16  }
0x21f: {  	v24 =	vor.u32 v6, v8;
	v16 =	vmov s25;
	v27 =	vld.idx.msk [tilespmem:v27+s4+$0x0], $0xffff;
	[tilespmem:s18+$0xFFFFFF50] =	vst v17  }
0x220: {  	v28 =	vor.u32 v6, v10;
	v16 =	vand.u32 $0xFFFFFFFE, v16;
	v17 =	vld.idx.msk [tilespmem:v21+s4+$0x0], $0xffff;
	[tilespmem:s18+$0xFFFFFFD0] =	vst v18  }
0x221: {  	v14 =	vor.u32 v7, v14;
	v16 =	vbroadcast v16, $0x0;
	[tilespmem:s18+$0x50] =	vst v25;
	v18 =	vld.idx.msk [tilespmem:v20+s4+$0x0], $0xffff  }
0x222: {  	s26 =	sadd.s32 $0x208, s24;
	v23 =	vld.idx.msk [tilespmem:v23+s4+$0x0], $0xffff  }
0x223: {  	s28 =	sadd.s32 $0x209, s24;
	v13 =	vor.u32 v7, v13;
	v11 =	vor.u32 v7, v11;
	v20 =	vmov s26;
	v15 =	vld.idx.msk [tilespmem:v15+s4+$0x0], $0xffff;
	[tilespmem:s18+$0xD0] =	vst v22  }
0x224: {  	s21 =	sadd.s32 $0x20A, s24;
	v12 =	vor.u32 v7, v12;
	v21 =	vmov s28;
	v20 =	vand.u32 $0xFFFFFFF8, v20;
	v24 =	vld.idx.msk [tilespmem:v24+s4+$0x0], $0xffff;
	[tilespmem:s18+$0x1D0] =	vst v19  }
0x225: {  	s29 =	sadd.s32 $0x20B, s24;
	v21 =	vand.u32 $0xFFFFFFF9, v21;
	v22 =	vmov s21;
	v20 =	vbroadcast v20, $0x0;
	[tilespmem:s18+$0xFFFFFE60] =	vst v27;
	v25 =	vld.idx.msk [tilespmem:v28+s4+$0x0], $0xffff  }
0x226: {  	s30 =	sadd.s32 $0x20C, s24;
	v21 =	vbroadcast v21, $0x0;
	v19 =	vmov s29;
	v22 =	vand.u32 $0xFFFFFFFA, v22;
	v28 =	vld.idx.msk [tilespmem:v14+s4+$0x0], $0xffff  }
0x227: {  	s31 =	sadd.s32 $0x20D, s24;
	v27 =	vmov s30;
	v19 =	vand.u32 $0xFFFFFFFB, v19;
	v22 =	vbroadcast v22, $0x0;
	[tilespmem:s18+$0xFFFFFEE0] =	vst v17;
	v16 =	vld.idx.msk [tilespmem:v16+s11+$0x0], $0xffff  }
0x228: {  	v14 =	vmov s31;
	v27 =	vand.u32 $0xFFFFFFFC, v27;
	v19 =	vbroadcast v19, $0x0;
	[tilespmem:s18+$0xFFFFFF60] =	vst v18;
	v18 =	vld.idx.msk [tilespmem:v13+s4+$0x0], $0xffff  }
0x229: {  	v14 =	vand.u32 $0xFFFFFFFD, v14;
	v17 =	vbroadcast v27, $0x0;
	[tilespmem:s18+$0x60] =	vst v23;
	v27 =	vld.idx.msk [tilespmem:v12+s4+$0x0], $0xffff  }
0x22a: {  	v30 =	vor.u32 v7, v8;
	v13 =	vbroadcast v14, $0x0;
	v8 =	vld.idx.msk [tilespmem:v11+s4+$0x0], $0xffff  }
0x22b: {  	v14 =	vld.idx.msk [tilespmem:v20+s11+$0x0], $0xffff  }
0x22c: {  	s19 =	sadd.s32 $0x20F, s24;
	v9 =	vor.u32 v7, v9;
	v21 =	vld.idx.msk [tilespmem:v21+s11+$0x0], $0xffff  }
0x22d: {  	v20 =	vmov s19;
	v22 =	vld.idx.msk [tilespmem:v22+s11+$0x0], $0xffff  }
0x22e: {  	v19 =	vld.idx.msk [tilespmem:v19+s11+$0x0], $0xffff;
	v12 =	vshll.u32 v16, $0x7  }
0x22f: {  	v17 =	vld.idx.msk [tilespmem:v17+s11+$0x0], $0xffff;
	v29 =	vor.u32 v0, v12  }
0x230: {  	v32 =	vor.u32 v7, v10;
	[tilespmem:s18+$0xFFFFFFE0] =	vst v15;
	v31 =	vld.idx.msk [tilespmem:v13+s11+$0x0], $0xffff;
	v13 =	vshll.u32 v14, $0x7  }
0x231: {  	v9 =	vld.idx.msk [tilespmem:v9+s4+$0x0], $0xffff;
	v14 =	vshll.u32 v21, $0x7;
	v23 =	vor.u32 v0, v13  }
0x232: {  	[tilespmem:s18+$0xE0] =	vst v24;
	v20 =	vld.idx.msk [tilespmem:v20+s11+$0x0], $0xffff;
	v21 =	vor.u32 v0, v14;
	v15 =	vshll.u32 v22, $0x7  }
0x233: {  	v10 =	vld.idx.msk [tilespmem:v30+s4+$0x0], $0xffff;
	v22 =	vor.u32 v0, v15;
	v16 =	vshll.u32 v19, $0x7  }
0x234: {  	[tilespmem:s18+$0x1E0] =	vst v25;
	v19 =	vld.idx.msk [tilespmem:v29+s4+$0x0], $0xffff;
	v24 =	vor.u32 v0, v16  }
0x235: {  	v11 =	vld.idx.msk [tilespmem:v32+s4+$0x0], $0xffff;
	v29 =	vshll.u32 v17, $0x7;
	v17 =	vor.u32 v1, v12  }
0x236: {  	v25 =	vor.u32 v0, v29;
	v30 =	vshll.u32 v31, $0x7;
	v23 =	vld.idx.msk [tilespmem:v23+s4+$0x0], $0xffff  }
0x237: {  	[tilespmem:s18+$0x170] =	vst v26;
	v26 =	vor.u32 v0, v30;
	v31 =	vshll.u32 v20, $0x7;
	v20 =	vld.idx.msk [tilespmem:v21+s4+$0x0], $0xffff  }
0x238: {  	s19 =	simm.s32 $0x7400;
	[tilespmem:s18+$0xFFFFFE70] =	vst v28;
	v21 =	vor.u32 v0, v31;
	v22 =	vld.idx.msk [tilespmem:v22+s4+$0x0], $0xffff  }
0x239: {  	v28 =	vor.u32 v1, v13;
	v24 =	vld.idx.msk [tilespmem:v24+s4+$0x0], $0xffff;
	[tilespmem:s19+$0x100] =	vst v19  }
0x23a: {  	[tilespmem:s18+$0xFFFFFEF0] =	vst v18;
	v18 =	vor.u32 v1, v14;
	v17 =	vld.idx.msk [tilespmem:v17+s4+$0x0], $0xffff  }
0x23b: {  	[tilespmem:s18+$0xFFFFFF70] =	vst v27;
	v19 =	vor.u32 v1, v15;
	v25 =	vld.idx.msk [tilespmem:v25+s4+$0x0], $0xffff  }
0x23c: {  	v27 =	vor.u32 v1, v16;
	[tilespmem:s19+$0xFFFFFE00] =	vst v23;
	v23 =	vld.idx.msk [tilespmem:v26+s4+$0x0], $0xffff  }
0x23d: {  	v26 =	vor.u32 v2, v12;
	[tilespmem:s19+$0xFFFFFE80] =	vst v20;
	v20 =	vld.idx.msk [tilespmem:v21+s4+$0x0], $0xffff  }
0x23e: {  	v21 =	vor.u32 v1, v29;
	v28 =	vld.idx.msk [tilespmem:v28+s4+$0x0], $0xffff;
	[tilespmem:s19+$0xFFFFFF00] =	vst v22  }
0x23f: {  	v22 =	vor.u32 v1, v30;
	v18 =	vld.idx.msk [tilespmem:v18+s4+$0x0], $0xffff;
	[tilespmem:s19+$0xFFFFFF80] =	vst v24  }
0x240: {  	v24 =	vor.u32 v1, v31;
	v19 =	vld.idx.msk [tilespmem:v19+s4+$0x0], $0xffff;
	[tilespmem:s19+$0x110] =	vst v17  }
0x241: {  	v17 =	vor.u32 v2, v13;
	[tilespmem:s19+$0x0] =	vst v25;
	v27 =	vld.idx.msk [tilespmem:v27+s4+$0x0], $0xffff  }
0x242: {  	v25 =	vld.idx.msk [tilespmem:v26+s4+$0x0], $0xffff;
	v26 =	vor.u32 v2, v14;
	[tilespmem:s19+$0x80] =	vst v23  }
0x243: {  	v21 =	vld.idx.msk [tilespmem:v21+s4+$0x0], $0xffff;
	[tilespmem:s19+$0x180] =	vst v20;
	v20 =	vor.u32 v2, v15  }
0x244: {  	v23 =	vor.u32 v3, v12;
	[tilespmem:s19+$0xFFFFFE10] =	vst v28;
	v22 =	vld.idx.msk [tilespmem:v22+s4+$0x0], $0xffff  }
0x245: {  	v28 =	vor.u32 v2, v16;
	[tilespmem:s19+$0xFFFFFE90] =	vst v18;
	v18 =	vld.idx.msk [tilespmem:v24+s4+$0x0], $0xffff  }
0x246: {  	v24 =	vor.u32 v2, v29;
	[tilespmem:s19+$0xFFFFFF10] =	vst v19;
	v17 =	vld.idx.msk [tilespmem:v17+s4+$0x0], $0xffff  }
0x247: {  	v19 =	vor.u32 v2, v30;
	[tilespmem:s19+$0xFFFFFF90] =	vst v27;
	v26 =	vld.idx.msk [tilespmem:v26+s4+$0x0], $0xffff  }
0x248: {  	v27 =	vor.u32 v3, v13;
	[tilespmem:s19+$0x120] =	vst v25;
	v20 =	vld.idx.msk [tilespmem:v20+s4+$0x0], $0xffff  }
0x249: {  	v25 =	vor.u32 v2, v31;
	[tilespmem:s19+$0x10] =	vst v21;
	v23 =	vld.idx.msk [tilespmem:v23+s4+$0x0], $0xffff  }
0x24a: {  	v21 =	vld.idx.msk [tilespmem:v28+s4+$0x0], $0xffff;
	[tilespmem:s19+$0x90] =	vst v22;
	v28 =	vor.u32 v3, v14  }
0x24b: {  	v22 =	vor.u32 v4, v12;
	v24 =	vld.idx.msk [tilespmem:v24+s4+$0x0], $0xffff;
	[tilespmem:s19+$0x190] =	vst v18  }
0x24c: {  	v18 =	vor.u32 v3, v15;
	[tilespmem:s19+$0xFFFFFE20] =	vst v17;
	v17 =	vld.idx.msk [tilespmem:v19+s4+$0x0], $0xffff  }
0x24d: {  	v19 =	vor.u32 v3, v16;
	v27 =	vld.idx.msk [tilespmem:v27+s4+$0x0], $0xffff;
	[tilespmem:s19+$0xFFFFFEA0] =	vst v26  }
0x24e: {  	v25 =	vld.idx.msk [tilespmem:v25+s4+$0x0], $0xffff;
	v26 =	vor.u32 v3, v29;
	[tilespmem:s19+$0xFFFFFF20] =	vst v20  }
0x24f: {  	[tilespmem:s19+$0x130] =	vst v23;
	v23 =	vor.u32 v3, v30;
	v28 =	vld.idx.msk [tilespmem:v28+s4+$0x0], $0xffff  }
0x250: {  	[tilespmem:s19+$0xFFFFFFA0] =	vst v21;
	v20 =	vld.idx.msk [tilespmem:v22+s4+$0x0], $0xffff;
	v22 =	vor.u32 v3, v31  }
0x251: {  	v18 =	vld.idx.msk [tilespmem:v18+s4+$0x0], $0xffff;
	[tilespmem:s19+$0x20] =	vst v24;
	v24 =	vor.u32 v4, v13  }
0x252: {  	v21 =	vor.u32 v5, v12;
	v19 =	vld.idx.msk [tilespmem:v19+s4+$0x0], $0xffff;
	[tilespmem:s19+$0xA0] =	vst v17  }
0x253: {  	v17 =	vor.u32 v4, v14;
	[tilespmem:s19+$0xFFFFFE30] =	vst v27;
	v26 =	vld.idx.msk [tilespmem:v26+s4+$0x0], $0xffff  }
0x254: {  	v27 =	vor.u32 v4, v16;
	[tilespmem:s19+$0x1A0] =	vst v25;
	v23 =	vld.idx.msk [tilespmem:v23+s4+$0x0], $0xffff  }
0x255: {  	v25 =	vor.u32 v4, v15;
	[tilespmem:s19+$0x140] =	vst v20;
	v20 =	vld.idx.msk [tilespmem:v22+s4+$0x0], $0xffff  }
0x256: {  	[tilespmem:s19+$0xFFFFFEB0] =	vst v28;
	v22 =	vor.u32 v4, v29;
	v24 =	vld.idx.msk [tilespmem:v24+s4+$0x0], $0xffff  }
0x257: {  	v28 =	vor.u32 v4, v30;
	[tilespmem:s19+$0xFFFFFF30] =	vst v18;
	v21 =	vld.idx.msk [tilespmem:v21+s4+$0x0], $0xffff  }
0x258: {  	v17 =	vld.idx.msk [tilespmem:v17+s4+$0x0], $0xffff;
	[tilespmem:s19+$0xFFFFFFB0] =	vst v19;
	v19 =	vor.u32 v4, v31  }
0x259: {  	v18 =	vor.u32 v6, v12;
	v36 =	vld.idx.msk [tilespmem:v27+s4+$0x0], $0xffff;
	[tilespmem:s19+$0x30] =	vst v26  }
0x25a: {  	v44 =	vor.u32 v7, v12;
	v33 =	vor.u32 v5, v13;
	v63 =	vld.idx.msk [tilespmem:v25+s4+$0x0], $0xffff;
	[tilespmem:s19+$0xB0] =	vst v23  }
0x25b: {  	v35 =	vor.u32 v5, v14;
	v37 =	vor.u32 v5, v15;
	v39 =	vld.idx.msk [tilespmem:v22+s4+$0x0], $0xffff;
	[tilespmem:s19+$0x1B0] =	vst v20  }
0x25c: {  	v38 =	vor.u32 v5, v16;
	v40 =	vor.u32 v5, v29;
	v41 =	vld.idx.msk [tilespmem:v28+s4+$0x0], $0xffff;
	[tilespmem:s19+$0xFFFFFE40] =	vst v24  }
0x25d: {  	v12 =	vor.u32 v7, v31;
	v27 =	vor.u32 v5, v30;
	[tilespmem:s19+$0x150] =	vst v21;
	v43 =	vld.idx.msk [tilespmem:v19+s4+$0x0], $0xffff  }
0x25e: {  	v26 =	vor.u32 v6, v13;
	v25 =	vor.u32 v6, v14;
	[tilespmem:s19+$0xFFFFFEC0] =	vst v17;
	v42 =	vld.idx.msk [tilespmem:v18+s4+$0x0], $0xffff  }
0x25f: {  	v23 =	vor.u32 v6, v16;
	v28 =	vor.u32 v5, v31;
	v34 =	vld.idx.msk [tilespmem:v33+s4+$0x0], $0xffff;
	[tilespmem:s19+$0xFFFFFFC0] =	vst v36  }
0x260: {  	v24 =	vor.u32 v6, v15;
	v22 =	vor.u32 v6, v29;
	v35 =	vld.idx.msk [tilespmem:v35+s4+$0x0], $0xffff;
	[tilespmem:s19+$0xFFFFFF40] =	vst v63  }
0x261: {  	v20 =	vor.u32 v6, v31;
	v21 =	vor.u32 v6, v30;
	v32 =	vld.idx.msk [tilespmem:v38+s4+$0x0], $0xffff;
	[tilespmem:s19+$0x40] =	vst v39  }
0x262: {  	v19 =	vor.u32 v7, v13;
	v17 =	vor.u32 v7, v14;
	v33 =	vld.idx.msk [tilespmem:v37+s4+$0x0], $0xffff;
	[tilespmem:s19+$0xC0] =	vst v41  }
0x263: {  	v18 =	vor.u32 v7, v15;
	v15 =	vor.u32 v7, v16;
	v16 =	vld.idx.msk [tilespmem:v40+s4+$0x0], $0xffff;
	[tilespmem:s19+$0x160] =	vst v42  }
0x264: {  	s20 =	simm.s32 $0x8;
	v14 =	vor.u32 v7, v29;
	v13 =	vor.u32 v7, v30;
	[tilespmem:s19+$0x1C0] =	vst v43;
	v29 =	vld.idx.msk [tilespmem:v44+s4+$0x0], $0xffff  }
.LBB2_7:
0x265: {  	s21 =	sadd.s32 s20, s16;
	s20 =	sadd.s32 $0x8, s20;
	[tilespmem:s19+$0xFFFFFE50] =	vst v34;
	v27 =	vld.idx.msk [tilespmem:v27+s4+$0x0], $0xffff  }
0x266: {  	s22 =	sadd.s32 $0x208, s21;
	s23 =	sadd.s32 $0x20E, s21;
	p0 =	slt.u32 s20, $0xF8;
	[tilespmem:s19+$0xFFFFFED0] =	vst v35;
	v28 =	vld.idx.msk [tilespmem:v28+s4+$0x0], $0xffff  }
0x267: {  	s24 =	sadd.s32 $0x20A, s21;
	s25 =	sadd.s32 $0x20B, s21;
	v30 =	vmov s22;
	s22 =	sadd.s32 $0x209, s21;
	v31 =	vmov s23;
	v26 =	vld.idx.msk [tilespmem:v26+s4+$0x0], $0xffff;
	[tilespmem:s19+$0xFFFFFF50] =	vst v33  }
0x268: {  	v34 =	vmov s24;
	s23 =	sadd.s32 $0x20D, s21;
	v33 =	vmov s22;
	s22 =	sadd.s32 $0x20C, s21;
	v31 =	vand.u32 $0xFFFFFFFE, v31;
	s21 =	sadd.s32 $0x20F, s21;
	v25 =	vld.idx.msk [tilespmem:v25+s4+$0x0], $0xffff;
	[tilespmem:s19+$0xFFFFFFD0] =	vst v32  }
0x269: {  	v32 =	vmov s25;
	v35 =	vmov s22;
	v31 =	vbroadcast v31, $0x0;
	v24 =	vld.idx.msk [tilespmem:v24+s4+$0x0], $0xffff;
	[tilespmem:s19+$0x50] =	vst v16  }
0x26a: {  	v16 =	vand.u32 $0xFFFFFFF8, v30;
	v30 =	vand.u32 $0xFFFFFFF9, v33;
	v33 =	vmov s23;
	v23 =	vld.idx.msk [tilespmem:v23+s4+$0x0], $0xffff;
	[tilespmem:s19+$0x170] =	vst v29  }
0x26b: {  	v32 =	vand.u32 $0xFFFFFFFB, v32;
	v29 =	vand.u32 $0xFFFFFFFA, v34;
	v34 =	vand.u32 $0xFFFFFFFC, v35;
	v22 =	vld.idx.msk [tilespmem:v22+s4+$0x0], $0xffff;
	[tilespmem:s19+$0xD0] =	vst v27  }
0x26c: {  	v16 =	vbroadcast v16, $0x0;
	v27 =	vbroadcast v30, $0x0;
	v30 =	vand.u32 $0xFFFFFFFD, v33;
	v21 =	vld.idx.msk [tilespmem:v21+s4+$0x0], $0xffff;
	[tilespmem:s19+$0x1D0] =	vst v28  }
0x26d: {  	v28 =	vbroadcast v29, $0x0;
	v29 =	vbroadcast v32, $0x0;
	v32 =	vmov s21;
	[tilespmem:s19+$0xFFFFFE60] =	vst v26;
	v20 =	vld.idx.msk [tilespmem:v20+s4+$0x0], $0xffff  }
0x26e: {  	v30 =	vbroadcast v30, $0x0;
	v26 =	vbroadcast v34, $0x0;
	v19 =	vld.idx.msk [tilespmem:v19+s4+$0x0], $0xffff;
	[tilespmem:s19+$0xFFFFFEE0] =	vst v25  }
0x26f: {  	v25 =	vld.idx.msk [tilespmem:v31+s11+$0x0], $0xffff;
	[tilespmem:s19+$0xFFFFFF60] =	vst v24  }
0x270: {  	v17 =	vld.idx.msk [tilespmem:v17+s4+$0x0], $0xffff;
	[tilespmem:s19+$0xFFFFFFE0] =	vst v23  }
0x271: {  	v18 =	vld.idx.msk [tilespmem:v18+s4+$0x0], $0xffff;
	[tilespmem:s19+$0x60] =	vst v22  }
0x272: {  	v22 =	vld.idx.msk [tilespmem:v16+s11+$0x0], $0xffff;
	[tilespmem:s19+$0xE0] =	vst v21  }
0x273: {  	v21 =	vld.idx.msk [tilespmem:v27+s11+$0x0], $0xffff;
	[tilespmem:s19+$0x1E0] =	vst v20  }
0x274: {  	v20 =	vld.idx.msk [tilespmem:v28+s11+$0x0], $0xffff;
	[tilespmem:s19+$0xFFFFFE70] =	vst v19  }
0x275: {  	v16 =	vshll.u32 v25, $0x7;
	v19 =	vld.idx.msk [tilespmem:v29+s11+$0x0], $0xffff;
	[tilespmem:s18+$0xFFFFFFF0] =	vst v9  }
0x276: {  	v24 =	vor.u32 v0, v16;
	v23 =	vld.idx.msk [tilespmem:v26+s11+$0x0], $0xffff;
	[tilespmem:s19+$0xFFFFFEF0] =	vst v17  }
0x277: {  	v17 =	vld.idx.msk [tilespmem:v30+s11+$0x0], $0xffff;
	[tilespmem:s19+$0xFFFFFF70] =	vst v18  }
0x278: {  	v18 =	vshll.u32 v22, $0x7;
	v22 =	vld.idx.msk [tilespmem:v32+s11+$0x0], $0xffff;
	[tilespmem:s18+$0x70] =	vst v8  }
0x279: {  	v25 =	vor.u32 v0, v18;
	v26 =	vor.u32 v1, v18;
	v29 =	vshll.u32 v21, $0x7;
	v9 =	vld.idx.msk [tilespmem:v15+s4+$0x0], $0xffff;
	[tilespmem:s18+$0xF0] =	vst v10  }
0x27a: {  	v15 =	vor.u32 v0, v29;
	v21 =	vor.u32 v1, v29;
	v30 =	vshll.u32 v20, $0x7;
	v8 =	vld.idx.msk [tilespmem:v14+s4+$0x0], $0xffff;
	[tilespmem:s18+$0x1F0] =	vst v11;
	s18 =	smov.u32 s19  }
0x27b: {  	v14 =	vor.u32 v0, v30;
	v20 =	vor.u32 v1, v30;
	v31 =	vshll.u32 v19, $0x7;
	v19 =	vld.idx.msk [tilespmem:v24+s4+$0x0], $0xffff  }
0x27c: {  	v24 =	vor.u32 v0, v31;
	v27 =	vor.u32 v1, v31;
	v32 =	vshll.u32 v23, $0x7;
	v10 =	vld.idx.msk [tilespmem:v13+s4+$0x0], $0xffff  }
0x27d: {  	v13 =	vor.u32 v0, v32;
	v33 =	vshll.u32 v17, $0x7;
	v17 =	vor.u32 v1, v16;
	v11 =	vld.idx.msk [tilespmem:v12+s4+$0x0], $0xffff  }
0x27e: {  	v23 =	vor.u32 v1, v32;
	v34 =	vshll.u32 v22, $0x7;
	v12 =	vld.idx.msk [tilespmem:v25+s4+$0x0], $0xffff;
	v25 =	vor.u32 v0, v33  }
0x27f: {  	v22 =	vor.u32 v1, v33;
	v28 =	vor.u32 v0, v34;
	v35 =	vor.u32 v1, v34;
	v15 =	vld.idx.msk [tilespmem:v15+s4+$0x0], $0xffff  }
0x280: {  	v36 =	vor.u32 v2, v18;
	v37 =	vor.u32 v2, v29;
	v38 =	vor.u32 v2, v30;
	s19 =	sadd.s32 $0x400, s19;
	v14 =	vld.idx.msk [tilespmem:v14+s4+$0x0], $0xffff  }
0x281: {  	v39 =	vor.u32 v2, v31;
	v40 =	vor.u32 v2, v32;
	v24 =	vld.idx.msk [tilespmem:v24+s4+$0x0], $0xffff;
	[tilespmem:s19+$0x100] =	vst v19  }
0x282: {  	v41 =	vor.u32 v3, v18;
	v42 =	vor.u32 v2, v33;
	v43 =	vor.u32 v2, v34;
	v17 =	vld.idx.msk [tilespmem:v17+s4+$0x0], $0xffff  }
0x283: {  	v44 =	vor.u32 v3, v29;
	v45 =	vor.u32 v3, v30;
	v46 =	vor.u32 v3, v31;
	v13 =	vld.idx.msk [tilespmem:v13+s4+$0x0], $0xffff  }
0x284: {  	v47 =	vor.u32 v3, v32;
	v19 =	vor.u32 v2, v16;
	[tilespmem:s19+$0xFFFFFE00] =	vst v12;
	v12 =	vld.idx.msk [tilespmem:v25+s4+$0x0], $0xffff  }
0x285: {  	v48 =	vor.u32 v3, v33;
	v49 =	vor.u32 v3, v34;
	[tilespmem:s19+$0xFFFFFE80] =	vst v15;
	v15 =	vld.idx.msk [tilespmem:v28+s4+$0x0], $0xffff  }
0x286: {  	v50 =	vor.u32 v4, v18;
	v51 =	vor.u32 v4, v29;
	v25 =	vld.idx.msk [tilespmem:v26+s4+$0x0], $0xffff;
	[tilespmem:s19+$0xFFFFFF00] =	vst v14  }
0x287: {  	v52 =	vor.u32 v4, v30;
	v53 =	vor.u32 v4, v31;
	v14 =	vld.idx.msk [tilespmem:v21+s4+$0x0], $0xffff;
	[tilespmem:s19+$0xFFFFFF80] =	vst v24  }
0x288: {  	v54 =	vor.u32 v4, v32;
	v55 =	vor.u32 v4, v33;
	v20 =	vld.idx.msk [tilespmem:v20+s4+$0x0], $0xffff;
	[tilespmem:s19+$0x110] =	vst v17  }
0x289: {  	v56 =	vor.u32 v5, v18;
	v57 =	vor.u32 v4, v34;
	[tilespmem:s19+$0x0] =	vst v13;
	v13 =	vld.idx.msk [tilespmem:v19+s4+$0x0], $0xffff  }
0x28a: {  	v58 =	vor.u32 v5, v29;
	v59 =	vor.u32 v5, v30;
	v17 =	vld.idx.msk [tilespmem:v27+s4+$0x0], $0xffff;
	[tilespmem:s19+$0x80] =	vst v12  }
0x28b: {  	v60 =	vor.u32 v5, v31;
	v19 =	vor.u32 v3, v16;
	v12 =	vld.idx.msk [tilespmem:v23+s4+$0x0], $0xffff;
	[tilespmem:s19+$0x180] =	vst v15  }
0x28c: {  	v61 =	vor.u32 v5, v32;
	v27 =	vor.u32 v5, v33;
	[tilespmem:s19+$0xFFFFFE10] =	vst v25;
	v15 =	vld.idx.msk [tilespmem:v22+s4+$0x0], $0xffff  }
0x28d: {  	v28 =	vor.u32 v5, v34;
	v26 =	vor.u32 v6, v18;
	[tilespmem:s19+$0xFFFFFE90] =	vst v14;
	v35 =	vld.idx.msk [tilespmem:v35+s4+$0x0], $0xffff  }
0x28e: {  	v24 =	vor.u32 v6, v30;
	v25 =	vor.u32 v6, v29;
	v36 =	vld.idx.msk [tilespmem:v36+s4+$0x0], $0xffff;
	[tilespmem:s19+$0xFFFFFF10] =	vst v20  }
0x28f: {  	v23 =	vor.u32 v6, v31;
	v22 =	vor.u32 v6, v32;
	v37 =	vld.idx.msk [tilespmem:v37+s4+$0x0], $0xffff;
	[tilespmem:s19+$0x120] =	vst v13  }
0x290: {  	v21 =	vor.u32 v6, v33;
	v20 =	vor.u32 v6, v34;
	[tilespmem:s19+$0xFFFFFF90] =	vst v17;
	v62 =	vld.idx.msk [tilespmem:v19+s4+$0x0], $0xffff  }
0x291: {  	v19 =	vor.u32 v7, v18;
	v17 =	vor.u32 v7, v29;
	v29 =	vld.idx.msk [tilespmem:v38+s4+$0x0], $0xffff;
	[tilespmem:s19+$0x10] =	vst v12  }
0x292: {  	v18 =	vor.u32 v7, v30;
	v38 =	vor.u32 v4, v16;
	v30 =	vld.idx.msk [tilespmem:v39+s4+$0x0], $0xffff;
	[tilespmem:s19+$0x90] =	vst v15  }
0x293: {  	v14 =	vor.u32 v7, v32;
	v15 =	vor.u32 v7, v31;
	v31 =	vld.idx.msk [tilespmem:v40+s4+$0x0], $0xffff;
	[tilespmem:s19+$0x190] =	vst v35  }
0x294: {  	v13 =	vor.u32 v7, v33;
	v12 =	vor.u32 v7, v34;
	[tilespmem:s19+$0xFFFFFE20] =	vst v36;
	v32 =	vld.idx.msk [tilespmem:v42+s4+$0x0], $0xffff  }
0x295: {  	[tilespmem:s19+$0xFFFFFEA0] =	vst v37;
	v33 =	vld.idx.msk [tilespmem:v43+s4+$0x0], $0xffff  }
0x296: {  	v34 =	vld.idx.msk [tilespmem:v41+s4+$0x0], $0xffff;
	[tilespmem:s19+$0x130] =	vst v62  }
0x297: {  	[tilespmem:s19+$0xFFFFFF20] =	vst v29;
	v29 =	vld.idx.msk [tilespmem:v38+s4+$0x0], $0xffff  }
0x298: {  	v35 =	vld.idx.msk [tilespmem:v44+s4+$0x0], $0xffff;
	[tilespmem:s19+$0xFFFFFFA0] =	vst v30  }
0x299: {  	v30 =	vld.idx.msk [tilespmem:v45+s4+$0x0], $0xffff;
	[tilespmem:s19+$0x20] =	vst v31;
	v31 =	vor.u32 v5, v16  }
0x29a: {  	v36 =	vld.idx.msk [tilespmem:v46+s4+$0x0], $0xffff;
	[tilespmem:s19+$0xA0] =	vst v32  }
0x29b: {  	v32 =	vld.idx.msk [tilespmem:v47+s4+$0x0], $0xffff;
	[tilespmem:s19+$0x1A0] =	vst v33  }
0x29c: {  	[tilespmem:s19+$0xFFFFFE30] =	vst v34;
	v33 =	vld.idx.msk [tilespmem:v48+s4+$0x0], $0xffff  }
0x29d: {  	[tilespmem:s19+$0x140] =	vst v29;
	v29 =	vld.idx.msk [tilespmem:v49+s4+$0x0], $0xffff  }
0x29e: {  	[tilespmem:s19+$0xFFFFFEB0] =	vst v35;
	v31 =	vld.idx.msk [tilespmem:v31+s4+$0x0], $0xffff  }
0x29f: {  	v34 =	vld.idx.msk [tilespmem:v50+s4+$0x0], $0xffff;
	[tilespmem:s19+$0xFFFFFF30] =	vst v30  }
0x2a0: {  	v35 =	vor.u32 v6, v16;
	v30 =	vld.idx.msk [tilespmem:v51+s4+$0x0], $0xffff;
	[tilespmem:s19+$0xFFFFFFB0] =	vst v36  }
0x2a1: {  	v36 =	vld.idx.msk [tilespmem:v52+s4+$0x0], $0xffff;
	[tilespmem:s19+$0x30] =	vst v32  }
0x2a2: {  	v32 =	vld.idx.msk [tilespmem:v53+s4+$0x0], $0xffff;
	[tilespmem:s19+$0xB0] =	vst v33  }
0x2a3: {  	v37 =	vld.idx.msk [tilespmem:v54+s4+$0x0], $0xffff;
	[tilespmem:s19+$0x1B0] =	vst v29  }
0x2a4: {  	v29 =	vld.idx.msk [tilespmem:v55+s4+$0x0], $0xffff;
	[tilespmem:s19+$0x150] =	vst v31  }
0x2a5: {  	[tilespmem:s19+$0xFFFFFE40] =	vst v34;
	v31 =	vld.idx.msk [tilespmem:v35+s4+$0x0], $0xffff  }
0x2a6: {  	[tilespmem:s19+$0xFFFFFEC0] =	vst v30;
	v30 =	vld.idx.msk [tilespmem:v57+s4+$0x0], $0xffff  }
0x2a7: {  	v34 =	vld.idx.msk [tilespmem:v56+s4+$0x0], $0xffff;
	[tilespmem:s19+$0xFFFFFF40] =	vst v36;
	v36 =	vor.u32 v7, v16  }
.Ltmp2:
0x2a8: {  	v35 =	vld.idx.msk [tilespmem:v58+s4+$0x0], $0xffff;
	[tilespmem:s19+$0xFFFFFFC0] =	vst v32;
	(pc) =	sbr.rel @p0 .LBB2_7-.Ltmp2, $4  }
0x2a9: {  	v33 =	vld.idx.msk [tilespmem:v59+s4+$0x0], $0xffff;
	[tilespmem:s19+$0x40] =	vst v37  }
0x2aa: {  	v32 =	vld.idx.msk [tilespmem:v60+s4+$0x0], $0xffff;
	[tilespmem:s19+$0xC0] =	vst v29  }
0x2ab: {  	v16 =	vld.idx.msk [tilespmem:v61+s4+$0x0], $0xffff;
	[tilespmem:s19+$0x160] =	vst v31  }
0x2ac: {  	v29 =	vld.idx.msk [tilespmem:v36+s4+$0x0], $0xffff;
	[tilespmem:s19+$0x1C0] =	vst v30  }
0x2ad: {  	[tilespmem:s19+$0xFFFFFE50] =	vst v34  }
0x2ae: {  	[tilespmem:s19+$0xFFFFFED0] =	vst v35  }
0x2af: {  	[tilespmem:s18+$0xFFFFFFF0] =	vst v9  }
0x2b0: {  	[tilespmem:s18+$0x70] =	vst v8  }
0x2b1: {  	[tilespmem:s18+$0xF0] =	vst v10  }
0x2b2: {  	v27 =	vld.idx.msk [tilespmem:v27+s4+$0x0], $0xffff;
	[tilespmem:s18+$0x1F0] =	vst v11  }
0x2b3: {  	v28 =	vld.idx.msk [tilespmem:v28+s4+$0x0], $0xffff;
	[tilespmem:s19+$0xFFFFFF50] =	vst v33  }
0x2b4: {  	v26 =	vld.idx.msk [tilespmem:v26+s4+$0x0], $0xffff;
	[tilespmem:s19+$0xFFFFFFD0] =	vst v32  }
0x2b5: {  	v25 =	vld.idx.msk [tilespmem:v25+s4+$0x0], $0xffff;
	[tilespmem:s19+$0x50] =	vst v16  }
0x2b6: {  	v16 =	vld.idx.msk [tilespmem:v24+s4+$0x0], $0xffff;
	[tilespmem:s19+$0x170] =	vst v29  }
0x2b7: {  	v23 =	vld.idx.msk [tilespmem:v23+s4+$0x0], $0xffff;
	[tilespmem:s19+$0xD0] =	vst v27  }
0x2b8: {  	v22 =	vld.idx.msk [tilespmem:v22+s4+$0x0], $0xffff;
	[tilespmem:s19+$0x1D0] =	vst v28  }
0x2b9: {  	v21 =	vld.idx.msk [tilespmem:v21+s4+$0x0], $0xffff;
	[tilespmem:s19+$0xFFFFFE60] =	vst v26  }
0x2ba: {  	v20 =	vld.idx.msk [tilespmem:v20+s4+$0x0], $0xffff;
	[tilespmem:s19+$0xFFFFFEE0] =	vst v25  }
0x2bb: {  	v19 =	vld.idx.msk [tilespmem:v19+s4+$0x0], $0xffff;
	[tilespmem:s19+$0xFFFFFF60] =	vst v16  }
0x2bc: {  	[tilespmem:s19+$0xFFFFFFE0] =	vst v23;
	v16 =	vld.idx.msk [tilespmem:v17+s4+$0x0], $0xffff  }
0x2bd: {  	[tilespmem:s19+$0x60] =	vst v22;
	v17 =	vld.idx.msk [tilespmem:v18+s4+$0x0], $0xffff  }
0x2be: {  	v9 =	vld.idx.msk [tilespmem:v15+s4+$0x0], $0xffff;
	[tilespmem:s19+$0xE0] =	vst v21  }
0x2bf: {  	[tilespmem:s19+$0x1E0] =	vst v20;
	v8 =	vld.idx.msk [tilespmem:v13+s4+$0x0], $0xffff  }
0x2c0: {  	[tilespmem:s19+$0xFFFFFE70] =	vst v19;
	v10 =	vld.idx.msk [tilespmem:v12+s4+$0x0], $0xffff  }
0x2c1: {  	s20 =	sadd.s32 $0xFFFFFFF8, s16;
	v14 =	vld.idx.msk [tilespmem:v14+s4+$0x0], $0xffff;
	[tilespmem:s19+$0xFFFFFEF0] =	vst v16  }
0x2c2: {  	s28 =	sadd.s32 $0x308, s20;
	[tilespmem:s19+$0xFFFFFF70] =	vst v17  }
0x2c3: {  	s25 =	sshll.u32 s17, $0x10;
	s26 =	sadd.s32 $0x30E, s20;
	[tilespmem:s19+$0xFFFFFFF0] =	vst v9;
	v9 =	vmov s28  }
0x2c4: {  	s18 =	sadd.s32 s8, s25;
	s29 =	sadd.s32 $0x309, s20;
	v9 =	vand.u32 $0xFFFFFFF8, v9;
	[tilespmem:s19+$0xF0] =	vst v8;
	v8 =	vmov s26  }
0x2c5: {  	s30 =	sadd.s32 $0x30A, s20;
	s18 =	sshrl.u32 s18, $0x3;
	v9 =	vbroadcast v9, $0x0;
	[tilespmem:s19+$0x1F0] =	vst v10;
	v10 =	vmov s29;
	v8 =	vand.u32 $0xFFFFFFFE, v8  }
0x2c6: {  	s31 =	sadd.s32 $0x30B, s20;
	s21 =	sadd.s32 $0x30C, s20;
	v11 =	vmov s30;
	s18 =	sadd.s32 s3, s18;
	[tilespmem:s19+$0x70] =	vst v14;
	v10 =	vand.u32 $0xFFFFFFF9, v10;
	v8 =	vbroadcast v8, $0x0  }
0x2c7: {  	v11 =	vand.u32 $0xFFFFFFFA, v11;
	v12 =	vmov s31;
	[hbm4b:s18+s4] =	stream.linear.scatter [tilespmem:s12], [sflag:$0x1], $0x8000, $0x38;
	v10 =	vbroadcast v10, $0x0;
	[tilespmem:$0x16E00] =	vst v63  }
0x2c8: {  	v11 =	vbroadcast v11, $0x0;
	v13 =	vmov s21;
	v12 =	vand.u32 $0xFFFFFFFB, v12;
	_ =	swait.ge [sflag:s14], $0x8000  }
0x2c9: {  	v13 =	vand.u32 $0xFFFFFFFC, v13;
	v12 =	vbroadcast v12, $0x0;
	[sflag:s14] =	ssyncset.done $0x0  }
0x2ca: {  	s22 =	sadd.s32 $0x30D, s20;
	v13 =	vbroadcast v13, $0x0;
	[sflag:s14] =	ssyncadd.s32 $0xFFFF8000  }
0x2cb: {  	v14 =	vmov s22;
	v9 =	vld.idx.msk [tilespmem:v9+s11+$0x0], $0xffff  }
0x2cc: {  	s23 =	sadd.s32 $0x30F, s20;
	v14 =	vand.u32 $0xFFFFFFFD, v14;
	v8 =	vld.idx.msk [tilespmem:v8+s11+$0x0], $0xffff  }
0x2cd: {  	v17 =	vmov s23;
	v16 =	vbroadcast v14, $0x0;
	v10 =	vld.idx.msk [tilespmem:v10+s11+$0x0], $0xffff  }
0x2ce: {  	v11 =	vld.idx.msk [tilespmem:v11+s11+$0x0], $0xffff  }
0x2cf: {  	v18 =	vld.idx.msk [tilespmem:v12+s11+$0x0], $0xffff  }
0x2d0: {  	v19 =	vld.idx.msk [tilespmem:v13+s11+$0x0], $0xffff  }
0x2d1: {  	v15 =	vshll.u32 v8, $0x7  }
0x2d2: {  	v14 =	vshll.u32 v9, $0x7;
	v13 =	vshll.u32 v10, $0x7;
	v10 =	vld.idx.msk [tilespmem:v17+s11+$0x0], $0xffff;
	v8 =	vor.u32 v0, v15  }
0x2d3: {  	v16 =	vld.idx.msk [tilespmem:v16+s11+$0x0], $0xffff;
	v12 =	vshll.u32 v11, $0x7;
	v20 =	vor.u32 v0, v14  }
0x2d4: {  	v9 =	vshll.u32 v18, $0x7;
	v21 =	vor.u32 v0, v12  }
0x2d5: {  	v11 =	vshll.u32 v19, $0x7;
	v22 =	vor.u32 v0, v9  }
0x2d6: {  	v23 =	vor.u32 v0, v11  }
0x2d7: {  	v17 =	vor.u32 v0, v13;
	v10 =	vshll.u32 v10, $0x7;
	v18 =	vld.idx.msk [tilespmem:v8+s4+$0x0], $0xffff  }
0x2d8: {  	v8 =	vshll.u32 v16, $0x7;
	v16 =	vld.idx.msk [tilespmem:v20+s4+$0x0], $0xffff;
	v24 =	vor.u32 v0, v10  }
0x2d9: {  	v19 =	vor.u32 v1, v15;
	v21 =	vld.idx.msk [tilespmem:v21+s4+$0x0], $0xffff  }
0x2da: {  	v22 =	vld.idx.msk [tilespmem:v22+s4+$0x0], $0xffff;
	v20 =	vor.u32 v0, v8  }
0x2db: {  	s18 =	simm.s32 $0xF1F0;
	v26 =	vor.u32 v1, v12;
	v23 =	vld.idx.msk [tilespmem:v23+s4+$0x0], $0xffff  }
0x2dc: {  	v25 =	vor.u32 v1, v14;
	v17 =	vld.idx.msk [tilespmem:v17+s4+$0x0], $0xffff;
	[tilespmem:s18+$0xFFFFFF10] =	vst v18  }
0x2dd: {  	v28 =	vor.u32 v1, v9;
	[tilespmem:s18+$0xFFFFFC10] =	vst v16;
	v16 =	vld.idx.msk [tilespmem:v24+s4+$0x0], $0xffff  }
0x2de: {  	v18 =	vor.u32 v1, v13;
	v19 =	vld.idx.msk [tilespmem:v19+s4+$0x0], $0xffff  }
0x2df: {  	[tilespmem:s18+$0xFFFFFD10] =	vst v21;
	v24 =	vor.u32 v1, v11;
	v20 =	vld.idx.msk [tilespmem:v20+s4+$0x0], $0xffff  }
0x2e0: {  	v27 =	vor.u32 v2, v15;
	[tilespmem:s18+$0xFFFFFD90] =	vst v22;
	v26 =	vld.idx.msk [tilespmem:v26+s4+$0x0], $0xffff  }
0x2e1: {  	[tilespmem:s18+$0xFFFFFC90] =	vst v17;
	v17 =	vld.idx.msk [tilespmem:v25+s4+$0x0], $0xffff;
	v25 =	vor.u32 v1, v8  }
0x2e2: {  	v21 =	vor.u32 v1, v10;
	[tilespmem:s18+$0xFFFFFE10] =	vst v23;
	v23 =	vld.idx.msk [tilespmem:v28+s4+$0x0], $0xffff  }
0x2e3: {  	v28 =	vor.u32 v2, v12;
	v18 =	vld.idx.msk [tilespmem:v18+s4+$0x0], $0xffff;
	[tilespmem:s18+$0xFFFFFF20] =	vst v19  }
0x2e4: {  	v19 =	vor.u32 v2, v14;
	[tilespmem:s18+$0xFFFFFE90] =	vst v20;
	v20 =	vld.idx.msk [tilespmem:v24+s4+$0x0], $0xffff  }
0x2e5: {  	[tilespmem:s18+$0xFFFFFD20] =	vst v26;
	v22 =	vld.idx.msk [tilespmem:v27+s4+$0x0], $0xffff;
	v27 =	vor.u32 v2, v13  }
0x2e6: {  	[tilespmem:s18+$0xFFFFFF90] =	vst v16;
	v16 =	vld.idx.msk [tilespmem:v25+s4+$0x0], $0xffff;
	v25 =	vor.u32 v2, v9  }
0x2e7: {  	[tilespmem:s18+$0xFFFFFC20] =	vst v17;
	v17 =	vld.idx.msk [tilespmem:v21+s4+$0x0], $0xffff;
	v21 =	vor.u32 v2, v11  }
0x2e8: {  	[tilespmem:s18+$0xFFFFFDA0] =	vst v23;
	v23 =	vld.idx.msk [tilespmem:v28+s4+$0x0], $0xffff;
	v24 =	vor.u32 v3, v15  }
0x2e9: {  	[tilespmem:s18+$0xFFFFFCA0] =	vst v18;
	v18 =	vld.idx.msk [tilespmem:v19+s4+$0x0], $0xffff  }
0x2ea: {  	v19 =	vor.u32 v2, v8;
	[tilespmem:s18+$0xFFFFFE20] =	vst v20;
	v27 =	vld.idx.msk [tilespmem:v27+s4+$0x0], $0xffff  }
0x2eb: {  	[tilespmem:s18+$0xFFFFFF30] =	vst v22;
	v22 =	vor.u32 v2, v10;
	v20 =	vld.idx.msk [tilespmem:v25+s4+$0x0], $0xffff  }
0x2ec: {  	v26 =	vor.u32 v3, v14;
	[tilespmem:s18+$0xFFFFFEA0] =	vst v16;
	v16 =	vld.idx.msk [tilespmem:v21+s4+$0x0], $0xffff  }
0x2ed: {  	[tilespmem:s18+$0xFFFFFD30] =	vst v23;
	v21 =	vor.u32 v3, v12;
	v24 =	vld.idx.msk [tilespmem:v24+s4+$0x0], $0xffff  }
0x2ee: {  	v28 =	vor.u32 v3, v13;
	[tilespmem:s18+$0xFFFFFFA0] =	vst v17  }
0x2ef: {  	v25 =	vor.u32 v4, v15;
	v17 =	vld.idx.msk [tilespmem:v19+s4+$0x0], $0xffff;
	[tilespmem:s18+$0xFFFFFC30] =	vst v18  }
0x2f0: {  	v19 =	vor.u32 v3, v9;
	v18 =	vld.idx.msk [tilespmem:v22+s4+$0x0], $0xffff;
	[tilespmem:s18+$0xFFFFFCB0] =	vst v27  }
0x2f1: {  	v22 =	vor.u32 v3, v11;
	v26 =	vld.idx.msk [tilespmem:v26+s4+$0x0], $0xffff;
	[tilespmem:s18+$0xFFFFFDB0] =	vst v20  }
0x2f2: {  	v20 =	vld.idx.msk [tilespmem:v21+s4+$0x0], $0xffff;
	[tilespmem:s18+$0xFFFFFF40] =	vst v24;
	v24 =	vor.u32 v3, v8  }
0x2f3: {  	v23 =	vld.idx.msk [tilespmem:v28+s4+$0x0], $0xffff;
	v28 =	vor.u32 v4, v14  }
0x2f4: {  	v27 =	vor.u32 v3, v10;
	[tilespmem:s18+$0xFFFFFE30] =	vst v16;
	v25 =	vld.idx.msk [tilespmem:v25+s4+$0x0], $0xffff  }
0x2f5: {  	v21 =	vor.u32 v5, v15;
	v16 =	vld.idx.msk [tilespmem:v19+s4+$0x0], $0xffff;
	[tilespmem:s18+$0xFFFFFEB0] =	vst v17  }
0x2f6: {  	v19 =	vor.u32 v4, v13;
	v17 =	vld.idx.msk [tilespmem:v22+s4+$0x0], $0xffff;
	[tilespmem:s18+$0xFFFFFFB0] =	vst v18  }
0x2f7: {  	v22 =	vor.u32 v4, v12;
	[tilespmem:s18+$0xFFFFFC40] =	vst v26;
	v18 =	vld.idx.msk [tilespmem:v24+s4+$0x0], $0xffff  }
0x2f8: {  	v24 =	vor.u32 v4, v9;
	[tilespmem:s18+$0xFFFFFCC0] =	vst v23;
	v23 =	vld.idx.msk [tilespmem:v28+s4+$0x0], $0xffff  }
0x2f9: {  	[tilespmem:s18+$0xFFFFFF50] =	vst v25;
	v25 =	vld.idx.msk [tilespmem:v27+s4+$0x0], $0xffff;
	v27 =	vor.u32 v4, v11  }
0x2fa: {  	v26 =	vor.u32 v4, v8;
	[tilespmem:s18+$0xFFFFFD40] =	vst v20;
	v21 =	vld.idx.msk [tilespmem:v21+s4+$0x0], $0xffff  }
0x2fb: {  	v28 =	vor.u32 v4, v10;
	v19 =	vld.idx.msk [tilespmem:v19+s4+$0x0], $0xffff;
	[tilespmem:s18+$0xFFFFFDC0] =	vst v16  }
0x2fc: {  	v20 =	vor.u32 v6, v15;
	v16 =	vld.idx.msk [tilespmem:v22+s4+$0x0], $0xffff;
	[tilespmem:s18+$0xFFFFFE40] =	vst v17  }
0x2fd: {  	v22 =	vor.u32 v5, v14;
	v17 =	vld.idx.msk [tilespmem:v24+s4+$0x0], $0xffff;
	[tilespmem:s18+$0xFFFFFEC0] =	vst v18  }
0x2fe: {  	v24 =	vor.u32 v5, v13;
	[tilespmem:s18+$0xFFFFFC50] =	vst v23;
	v18 =	vld.idx.msk [tilespmem:v27+s4+$0x0], $0xffff  }
0x2ff: {  	v27 =	vor.u32 v5, v12;
	v26 =	vld.idx.msk [tilespmem:v26+s4+$0x0], $0xffff;
	[tilespmem:s18+$0xFFFFFFC0] =	vst v25  }
0x300: {  	[tilespmem:s18+$0xFFFFFF60] =	vst v21;
	v21 =	vor.u32 v5, v9;
	v23 =	vld.idx.msk [tilespmem:v28+s4+$0x0], $0xffff  }
0x301: {  	v25 =	vor.u32 v5, v11;
	v20 =	vld.idx.msk [tilespmem:v20+s4+$0x0], $0xffff;
	[tilespmem:s18+$0xFFFFFCD0] =	vst v19  }
0x302: {  	v15 =	vor.u32 v7, v15;
	v19 =	vld.idx.msk [tilespmem:v22+s4+$0x0], $0xffff;
	[tilespmem:s18+$0xFFFFFD50] =	vst v16  }
0x303: {  	v22 =	vor.u32 v5, v8;
	v16 =	vld.idx.msk [tilespmem:v24+s4+$0x0], $0xffff;
	[tilespmem:s18+$0xFFFFFDD0] =	vst v17  }
0x304: {  	v24 =	vor.u32 v5, v10;
	v17 =	vld.idx.msk [tilespmem:v27+s4+$0x0], $0xffff;
	[tilespmem:s18+$0xFFFFFE50] =	vst v18  }
0x305: {  	v27 =	vor.u32 v6, v14;
	[tilespmem:s18+$0xFFFFFED0] =	vst v26;
	v18 =	vld.idx.msk [tilespmem:v21+s4+$0x0], $0xffff  }
0x306: {  	v21 =	vor.u32 v6, v13;
	v25 =	vld.idx.msk [tilespmem:v25+s4+$0x0], $0xffff;
	[tilespmem:s18+$0xFFFFFF70] =	vst v20  }
0x307: {  	[tilespmem:s18+$0xFFFFFFD0] =	vst v23;
	v20 =	vor.u32 v6, v12;
	v26 =	vld.idx.msk [tilespmem:v15+s4+$0x0], $0xffff  }
0x308: {  	s24 =	sadd.s32 $0x0, s16;
	v23 =	vor.u32 v6, v11;
	v22 =	vld.idx.msk [tilespmem:v22+s4+$0x0], $0xffff;
	[tilespmem:s18+$0xFFFFFC60] =	vst v19  }
0x309: {  	s25 =	sadd.s32 $0x30E, s24;
	v15 =	vor.u32 v6, v9;
	v19 =	vld.idx.msk [tilespmem:v24+s4+$0x0], $0xffff;
	[tilespmem:s18+$0xFFFFFCE0] =	vst v16  }
0x30a: {  	v24 =	vor.u32 v6, v8;
	v16 =	vmov s25;
	v27 =	vld.idx.msk [tilespmem:v27+s4+$0x0], $0xffff;
	[tilespmem:s18+$0xFFFFFD60] =	vst v17  }
0x30b: {  	v28 =	vor.u32 v6, v10;
	v16 =	vand.u32 $0xFFFFFFFE, v16;
	v17 =	vld.idx.msk [tilespmem:v21+s4+$0x0], $0xffff;
	[tilespmem:s18+$0xFFFFFDE0] =	vst v18  }
0x30c: {  	v14 =	vor.u32 v7, v14;
	v16 =	vbroadcast v16, $0x0;
	[tilespmem:s18+$0xFFFFFE60] =	vst v25;
	v18 =	vld.idx.msk [tilespmem:v20+s4+$0x0], $0xffff  }
0x30d: {  	s26 =	sadd.s32 $0x308, s24;
	v23 =	vld.idx.msk [tilespmem:v23+s4+$0x0], $0xffff  }
0x30e: {  	s28 =	sadd.s32 $0x309, s24;
	v13 =	vor.u32 v7, v13;
	v11 =	vor.u32 v7, v11;
	v20 =	vmov s26;
	v15 =	vld.idx.msk [tilespmem:v15+s4+$0x0], $0xffff;
	[tilespmem:s18+$0xFFFFFEE0] =	vst v22  }
0x30f: {  	s21 =	sadd.s32 $0x30A, s24;
	v12 =	vor.u32 v7, v12;
	v21 =	vmov s28;
	v20 =	vand.u32 $0xFFFFFFF8, v20;
	v24 =	vld.idx.msk [tilespmem:v24+s4+$0x0], $0xffff;
	[tilespmem:s18+$0xFFFFFFE0] =	vst v19  }
0x310: {  	s29 =	sadd.s32 $0x30B, s24;
	v21 =	vand.u32 $0xFFFFFFF9, v21;
	v22 =	vmov s21;
	v20 =	vbroadcast v20, $0x0;
	[tilespmem:s18+$0xFFFFFC70] =	vst v27;
	v25 =	vld.idx.msk [tilespmem:v28+s4+$0x0], $0xffff  }
0x311: {  	s30 =	sadd.s32 $0x30C, s24;
	v21 =	vbroadcast v21, $0x0;
	v19 =	vmov s29;
	v22 =	vand.u32 $0xFFFFFFFA, v22;
	v28 =	vld.idx.msk [tilespmem:v14+s4+$0x0], $0xffff  }
0x312: {  	s31 =	sadd.s32 $0x30D, s24;
	v27 =	vmov s30;
	v19 =	vand.u32 $0xFFFFFFFB, v19;
	v22 =	vbroadcast v22, $0x0;
	[tilespmem:s18+$0xFFFFFCF0] =	vst v17;
	v16 =	vld.idx.msk [tilespmem:v16+s11+$0x0], $0xffff  }
0x313: {  	v14 =	vmov s31;
	v27 =	vand.u32 $0xFFFFFFFC, v27;
	v19 =	vbroadcast v19, $0x0;
	[tilespmem:s18+$0xFFFFFD70] =	vst v18;
	v18 =	vld.idx.msk [tilespmem:v13+s4+$0x0], $0xffff  }
0x314: {  	v14 =	vand.u32 $0xFFFFFFFD, v14;
	v17 =	vbroadcast v27, $0x0;
	[tilespmem:s18+$0xFFFFFE70] =	vst v23;
	v27 =	vld.idx.msk [tilespmem:v12+s4+$0x0], $0xffff  }
0x315: {  	v30 =	vor.u32 v7, v8;
	v13 =	vbroadcast v14, $0x0;
	v8 =	vld.idx.msk [tilespmem:v11+s4+$0x0], $0xffff  }
0x316: {  	v14 =	vld.idx.msk [tilespmem:v20+s11+$0x0], $0xffff  }
0x317: {  	s19 =	sadd.s32 $0x30F, s24;
	v9 =	vor.u32 v7, v9;
	v21 =	vld.idx.msk [tilespmem:v21+s11+$0x0], $0xffff  }
0x318: {  	v20 =	vmov s19;
	v22 =	vld.idx.msk [tilespmem:v22+s11+$0x0], $0xffff  }
0x319: {  	v19 =	vld.idx.msk [tilespmem:v19+s11+$0x0], $0xffff;
	v12 =	vshll.u32 v16, $0x7  }
0x31a: {  	v17 =	vld.idx.msk [tilespmem:v17+s11+$0x0], $0xffff;
	v29 =	vor.u32 v0, v12  }
0x31b: {  	v60 =	vor.u32 v7, v10;
	[tilespmem:s18+$0xFFFFFDF0] =	vst v15;
	v31 =	vld.idx.msk [tilespmem:v13+s11+$0x0], $0xffff;
	v13 =	vshll.u32 v14, $0x7  }
0x31c: {  	v9 =	vld.idx.msk [tilespmem:v9+s4+$0x0], $0xffff;
	v14 =	vshll.u32 v21, $0x7;
	v23 =	vor.u32 v0, v13  }
0x31d: {  	[tilespmem:s18+$0xFFFFFEF0] =	vst v24;
	v20 =	vld.idx.msk [tilespmem:v20+s11+$0x0], $0xffff;
	v21 =	vor.u32 v0, v14;
	v15 =	vshll.u32 v22, $0x7  }
0x31e: {  	v10 =	vld.idx.msk [tilespmem:v30+s4+$0x0], $0xffff;
	v22 =	vor.u32 v0, v15;
	v16 =	vshll.u32 v19, $0x7  }
0x31f: {  	[tilespmem:s18+$0xFFFFFFF0] =	vst v25;
	v19 =	vld.idx.msk [tilespmem:v29+s4+$0x0], $0xffff;
	v24 =	vor.u32 v0, v16  }
0x320: {  	v11 =	vld.idx.msk [tilespmem:v60+s4+$0x0], $0xffff;
	v30 =	vshll.u32 v17, $0x7;
	v17 =	vor.u32 v1, v12  }
0x321: {  	v25 =	vor.u32 v0, v30;
	v29 =	vshll.u32 v31, $0x7;
	v23 =	vld.idx.msk [tilespmem:v23+s4+$0x0], $0xffff  }
0x322: {  	[tilespmem:s18+$0xFFFFFF80] =	vst v26;
	v26 =	vor.u32 v0, v29;
	v31 =	vshll.u32 v20, $0x7;
	v20 =	vld.idx.msk [tilespmem:v21+s4+$0x0], $0xffff  }
0x323: {  	s19 =	simm.s32 $0xF5F0;
	[tilespmem:s18+$0xFFFFFC80] =	vst v28;
	v21 =	vor.u32 v0, v31;
	v22 =	vld.idx.msk [tilespmem:v22+s4+$0x0], $0xffff  }
0x324: {  	v28 =	vor.u32 v1, v13;
	v24 =	vld.idx.msk [tilespmem:v24+s4+$0x0], $0xffff;
	[tilespmem:s19+$0xFFFFFF10] =	vst v19  }
0x325: {  	[tilespmem:s18+$0xFFFFFD00] =	vst v18;
	v18 =	vor.u32 v1, v14;
	v17 =	vld.idx.msk [tilespmem:v17+s4+$0x0], $0xffff  }
0x326: {  	[tilespmem:s18+$0xFFFFFD80] =	vst v27;
	v19 =	vor.u32 v1, v15;
	v25 =	vld.idx.msk [tilespmem:v25+s4+$0x0], $0xffff  }
0x327: {  	v27 =	vor.u32 v1, v16;
	[tilespmem:s19+$0xFFFFFC10] =	vst v23;
	v23 =	vld.idx.msk [tilespmem:v26+s4+$0x0], $0xffff  }
0x328: {  	v26 =	vor.u32 v2, v12;
	[tilespmem:s19+$0xFFFFFC90] =	vst v20;
	v20 =	vld.idx.msk [tilespmem:v21+s4+$0x0], $0xffff  }
0x329: {  	v21 =	vor.u32 v1, v30;
	v28 =	vld.idx.msk [tilespmem:v28+s4+$0x0], $0xffff;
	[tilespmem:s19+$0xFFFFFD10] =	vst v22  }
0x32a: {  	v22 =	vor.u32 v1, v29;
	v18 =	vld.idx.msk [tilespmem:v18+s4+$0x0], $0xffff;
	[tilespmem:s19+$0xFFFFFD90] =	vst v24  }
0x32b: {  	v24 =	vor.u32 v1, v31;
	v19 =	vld.idx.msk [tilespmem:v19+s4+$0x0], $0xffff;
	[tilespmem:s19+$0xFFFFFF20] =	vst v17  }
0x32c: {  	v17 =	vor.u32 v2, v13;
	[tilespmem:s19+$0xFFFFFE10] =	vst v25;
	v27 =	vld.idx.msk [tilespmem:v27+s4+$0x0], $0xffff  }
0x32d: {  	v25 =	vld.idx.msk [tilespmem:v26+s4+$0x0], $0xffff;
	v26 =	vor.u32 v2, v14;
	[tilespmem:s19+$0xFFFFFE90] =	vst v23  }
0x32e: {  	v21 =	vld.idx.msk [tilespmem:v21+s4+$0x0], $0xffff;
	[tilespmem:s19+$0xFFFFFF90] =	vst v20;
	v20 =	vor.u32 v2, v15  }
0x32f: {  	v23 =	vor.u32 v3, v12;
	[tilespmem:s19+$0xFFFFFC20] =	vst v28;
	v22 =	vld.idx.msk [tilespmem:v22+s4+$0x0], $0xffff  }
0x330: {  	v28 =	vor.u32 v2, v16;
	[tilespmem:s19+$0xFFFFFCA0] =	vst v18;
	v18 =	vld.idx.msk [tilespmem:v24+s4+$0x0], $0xffff  }
0x331: {  	v24 =	vor.u32 v2, v30;
	[tilespmem:s19+$0xFFFFFD20] =	vst v19;
	v17 =	vld.idx.msk [tilespmem:v17+s4+$0x0], $0xffff  }
0x332: {  	v19 =	vor.u32 v2, v29;
	[tilespmem:s19+$0xFFFFFDA0] =	vst v27;
	v26 =	vld.idx.msk [tilespmem:v26+s4+$0x0], $0xffff  }
0x333: {  	v27 =	vor.u32 v3, v13;
	[tilespmem:s19+$0xFFFFFF30] =	vst v25;
	v20 =	vld.idx.msk [tilespmem:v20+s4+$0x0], $0xffff  }
0x334: {  	v25 =	vor.u32 v2, v31;
	[tilespmem:s19+$0xFFFFFE20] =	vst v21;
	v23 =	vld.idx.msk [tilespmem:v23+s4+$0x0], $0xffff  }
0x335: {  	v21 =	vld.idx.msk [tilespmem:v28+s4+$0x0], $0xffff;
	[tilespmem:s19+$0xFFFFFEA0] =	vst v22;
	v28 =	vor.u32 v3, v14  }
0x336: {  	v22 =	vor.u32 v4, v12;
	v24 =	vld.idx.msk [tilespmem:v24+s4+$0x0], $0xffff;
	[tilespmem:s19+$0xFFFFFFA0] =	vst v18  }
0x337: {  	v18 =	vor.u32 v3, v15;
	[tilespmem:s19+$0xFFFFFC30] =	vst v17;
	v17 =	vld.idx.msk [tilespmem:v19+s4+$0x0], $0xffff  }
0x338: {  	v19 =	vor.u32 v3, v16;
	v27 =	vld.idx.msk [tilespmem:v27+s4+$0x0], $0xffff;
	[tilespmem:s19+$0xFFFFFCB0] =	vst v26  }
0x339: {  	v25 =	vld.idx.msk [tilespmem:v25+s4+$0x0], $0xffff;
	v26 =	vor.u32 v3, v30;
	[tilespmem:s19+$0xFFFFFD30] =	vst v20  }
0x33a: {  	[tilespmem:s19+$0xFFFFFF40] =	vst v23;
	v23 =	vor.u32 v3, v29;
	v28 =	vld.idx.msk [tilespmem:v28+s4+$0x0], $0xffff  }
0x33b: {  	[tilespmem:s19+$0xFFFFFDB0] =	vst v21;
	v20 =	vld.idx.msk [tilespmem:v22+s4+$0x0], $0xffff;
	v22 =	vor.u32 v3, v31  }
0x33c: {  	v18 =	vld.idx.msk [tilespmem:v18+s4+$0x0], $0xffff;
	[tilespmem:s19+$0xFFFFFE30] =	vst v24;
	v24 =	vor.u32 v4, v13  }
0x33d: {  	v21 =	vor.u32 v5, v12;
	v19 =	vld.idx.msk [tilespmem:v19+s4+$0x0], $0xffff;
	[tilespmem:s19+$0xFFFFFEB0] =	vst v17  }
0x33e: {  	v17 =	vor.u32 v4, v14;
	[tilespmem:s19+$0xFFFFFC40] =	vst v27;
	v26 =	vld.idx.msk [tilespmem:v26+s4+$0x0], $0xffff  }
0x33f: {  	v27 =	vor.u32 v4, v16;
	[tilespmem:s19+$0xFFFFFFB0] =	vst v25;
	v23 =	vld.idx.msk [tilespmem:v23+s4+$0x0], $0xffff  }
0x340: {  	v25 =	vor.u32 v4, v15;
	[tilespmem:s19+$0xFFFFFF50] =	vst v20;
	v20 =	vld.idx.msk [tilespmem:v22+s4+$0x0], $0xffff  }
0x341: {  	[tilespmem:s19+$0xFFFFFCC0] =	vst v28;
	v22 =	vor.u32 v4, v30;
	v24 =	vld.idx.msk [tilespmem:v24+s4+$0x0], $0xffff  }
0x342: {  	v28 =	vor.u32 v4, v29;
	[tilespmem:s19+$0xFFFFFD40] =	vst v18;
	v21 =	vld.idx.msk [tilespmem:v21+s4+$0x0], $0xffff  }
0x343: {  	v17 =	vld.idx.msk [tilespmem:v17+s4+$0x0], $0xffff;
	[tilespmem:s19+$0xFFFFFDC0] =	vst v19;
	v19 =	vor.u32 v4, v31  }
0x344: {  	v18 =	vor.u32 v6, v12;
	v36 =	vld.idx.msk [tilespmem:v27+s4+$0x0], $0xffff;
	[tilespmem:s19+$0xFFFFFE40] =	vst v26  }
0x345: {  	v44 =	vor.u32 v7, v12;
	v62 =	vor.u32 v5, v13;
	v61 =	vld.idx.msk [tilespmem:v25+s4+$0x0], $0xffff;
	[tilespmem:s19+$0xFFFFFEC0] =	vst v23  }
0x346: {  	v63 =	vor.u32 v5, v14;
	v37 =	vor.u32 v5, v15;
	v39 =	vld.idx.msk [tilespmem:v22+s4+$0x0], $0xffff;
	[tilespmem:s19+$0xFFFFFFC0] =	vst v20  }
0x347: {  	v38 =	vor.u32 v5, v16;
	v40 =	vor.u32 v5, v30;
	v41 =	vld.idx.msk [tilespmem:v28+s4+$0x0], $0xffff;
	[tilespmem:s19+$0xFFFFFC50] =	vst v24  }
0x348: {  	v12 =	vor.u32 v7, v31;
	v27 =	vor.u32 v5, v29;
	[tilespmem:s19+$0xFFFFFF60] =	vst v21;
	v43 =	vld.idx.msk [tilespmem:v19+s4+$0x0], $0xffff  }
0x349: {  	v26 =	vor.u32 v6, v13;
	v25 =	vor.u32 v6, v14;
	[tilespmem:s19+$0xFFFFFCD0] =	vst v17;
	v42 =	vld.idx.msk [tilespmem:v18+s4+$0x0], $0xffff  }
0x34a: {  	v23 =	vor.u32 v6, v16;
	v28 =	vor.u32 v5, v31;
	v34 =	vld.idx.msk [tilespmem:v62+s4+$0x0], $0xffff;
	[tilespmem:s19+$0xFFFFFDD0] =	vst v36  }
0x34b: {  	v24 =	vor.u32 v6, v15;
	v22 =	vor.u32 v6, v30;
	v35 =	vld.idx.msk [tilespmem:v63+s4+$0x0], $0xffff;
	[tilespmem:s19+$0xFFFFFD50] =	vst v61  }
0x34c: {  	v20 =	vor.u32 v6, v31;
	v21 =	vor.u32 v6, v29;
	v32 =	vld.idx.msk [tilespmem:v38+s4+$0x0], $0xffff;
	[tilespmem:s19+$0xFFFFFE50] =	vst v39  }
0x34d: {  	v19 =	vor.u32 v7, v13;
	v17 =	vor.u32 v7, v14;
	v33 =	vld.idx.msk [tilespmem:v37+s4+$0x0], $0xffff;
	[tilespmem:s19+$0xFFFFFED0] =	vst v41  }
0x34e: {  	v18 =	vor.u32 v7, v15;
	v15 =	vor.u32 v7, v16;
	v16 =	vld.idx.msk [tilespmem:v40+s4+$0x0], $0xffff;
	[tilespmem:s19+$0xFFFFFF70] =	vst v42  }
0x34f: {  	s20 =	sshllo.u32 s17, $0x1;
	s21 =	simm.s32 $0x8;
	v14 =	vor.u32 v7, v30;
	v13 =	vor.u32 v7, v29;
	[tilespmem:s19+$0xFFFFFFD0] =	vst v43;
	v29 =	vld.idx.msk [tilespmem:v44+s4+$0x0], $0xffff  }
.LBB2_9:
0x350: {  	s22 =	sadd.s32 s21, s16;
	s21 =	sadd.s32 $0x8, s21;
	[tilespmem:s19+$0xFFFFFC60] =	vst v34;
	v27 =	vld.idx.msk [tilespmem:v27+s4+$0x0], $0xffff  }
0x351: {  	s23 =	sadd.s32 $0x308, s22;
	s24 =	sadd.s32 $0x30E, s22;
	p0 =	slt.u32 s21, $0xF8;
	[tilespmem:s19+$0xFFFFFCE0] =	vst v35;
	v28 =	vld.idx.msk [tilespmem:v28+s4+$0x0], $0xffff  }
0x352: {  	s25 =	sadd.s32 $0x30A, s22;
	s26 =	sadd.s32 $0x30B, s22;
	v30 =	vmov s23;
	s23 =	sadd.s32 $0x309, s22;
	v31 =	vmov s24;
	v26 =	vld.idx.msk [tilespmem:v26+s4+$0x0], $0xffff;
	[tilespmem:s19+$0xFFFFFD60] =	vst v33  }
0x353: {  	v34 =	vmov s25;
	s24 =	sadd.s32 $0x30D, s22;
	v33 =	vmov s23;
	s23 =	sadd.s32 $0x30C, s22;
	v31 =	vand.u32 $0xFFFFFFFE, v31;
	s22 =	sadd.s32 $0x30F, s22;
	v25 =	vld.idx.msk [tilespmem:v25+s4+$0x0], $0xffff;
	[tilespmem:s19+$0xFFFFFDE0] =	vst v32  }
0x354: {  	v32 =	vmov s26;
	v35 =	vmov s23;
	v31 =	vbroadcast v31, $0x0;
	v24 =	vld.idx.msk [tilespmem:v24+s4+$0x0], $0xffff;
	[tilespmem:s19+$0xFFFFFE60] =	vst v16  }
0x355: {  	v16 =	vand.u32 $0xFFFFFFF8, v30;
	v30 =	vand.u32 $0xFFFFFFF9, v33;
	v33 =	vmov s24;
	v23 =	vld.idx.msk [tilespmem:v23+s4+$0x0], $0xffff;
	[tilespmem:s19+$0xFFFFFF80] =	vst v29  }
0x356: {  	v32 =	vand.u32 $0xFFFFFFFB, v32;
	v29 =	vand.u32 $0xFFFFFFFA, v34;
	v34 =	vand.u32 $0xFFFFFFFC, v35;
	v22 =	vld.idx.msk [tilespmem:v22+s4+$0x0], $0xffff;
	[tilespmem:s19+$0xFFFFFEE0] =	vst v27  }
0x357: {  	v16 =	vbroadcast v16, $0x0;
	v27 =	vbroadcast v30, $0x0;
	v30 =	vand.u32 $0xFFFFFFFD, v33;
	v21 =	vld.idx.msk [tilespmem:v21+s4+$0x0], $0xffff;
	[tilespmem:s19+$0xFFFFFFE0] =	vst v28  }
0x358: {  	v28 =	vbroadcast v29, $0x0;
	v29 =	vbroadcast v32, $0x0;
	v32 =	vmov s22;
	[tilespmem:s19+$0xFFFFFC70] =	vst v26;
	v20 =	vld.idx.msk [tilespmem:v20+s4+$0x0], $0xffff  }
0x359: {  	v30 =	vbroadcast v30, $0x0;
	v26 =	vbroadcast v34, $0x0;
	v19 =	vld.idx.msk [tilespmem:v19+s4+$0x0], $0xffff;
	[tilespmem:s19+$0xFFFFFCF0] =	vst v25  }
0x35a: {  	v25 =	vld.idx.msk [tilespmem:v31+s11+$0x0], $0xffff;
	[tilespmem:s19+$0xFFFFFD70] =	vst v24  }
0x35b: {  	v17 =	vld.idx.msk [tilespmem:v17+s4+$0x0], $0xffff;
	[tilespmem:s19+$0xFFFFFDF0] =	vst v23  }
0x35c: {  	v18 =	vld.idx.msk [tilespmem:v18+s4+$0x0], $0xffff;
	[tilespmem:s19+$0xFFFFFE70] =	vst v22  }
0x35d: {  	v22 =	vld.idx.msk [tilespmem:v16+s11+$0x0], $0xffff;
	[tilespmem:s19+$0xFFFFFEF0] =	vst v21  }
0x35e: {  	v21 =	vld.idx.msk [tilespmem:v27+s11+$0x0], $0xffff;
	[tilespmem:s19+$0xFFFFFFF0] =	vst v20  }
0x35f: {  	v20 =	vld.idx.msk [tilespmem:v28+s11+$0x0], $0xffff;
	[tilespmem:s19+$0xFFFFFC80] =	vst v19  }
0x360: {  	v16 =	vshll.u32 v25, $0x7;
	v19 =	vld.idx.msk [tilespmem:v29+s11+$0x0], $0xffff;
	[tilespmem:s18+$0xFFFFFE00] =	vst v9  }
0x361: {  	v24 =	vor.u32 v0, v16;
	v23 =	vld.idx.msk [tilespmem:v26+s11+$0x0], $0xffff;
	[tilespmem:s19+$0xFFFFFD00] =	vst v17  }
0x362: {  	v17 =	vld.idx.msk [tilespmem:v30+s11+$0x0], $0xffff;
	[tilespmem:s19+$0xFFFFFD80] =	vst v18  }
0x363: {  	v18 =	vshll.u32 v22, $0x7;
	v22 =	vld.idx.msk [tilespmem:v32+s11+$0x0], $0xffff;
	[tilespmem:s18+$0xFFFFFE80] =	vst v8  }
0x364: {  	v25 =	vor.u32 v0, v18;
	v26 =	vor.u32 v1, v18;
	v29 =	vshll.u32 v21, $0x7;
	v9 =	vld.idx.msk [tilespmem:v15+s4+$0x0], $0xffff;
	[tilespmem:s18+$0xFFFFFF00] =	vst v10  }
0x365: {  	v15 =	vor.u32 v0, v29;
	v21 =	vor.u32 v1, v29;
	v30 =	vshll.u32 v20, $0x7;
	v8 =	vld.idx.msk [tilespmem:v14+s4+$0x0], $0xffff;
	[tilespmem:s18+$0x0] =	vst v11;
	s18 =	smov.u32 s19  }
0x366: {  	v14 =	vor.u32 v0, v30;
	v20 =	vor.u32 v1, v30;
	v31 =	vshll.u32 v19, $0x7;
	v19 =	vld.idx.msk [tilespmem:v24+s4+$0x0], $0xffff  }
0x367: {  	v24 =	vor.u32 v0, v31;
	v27 =	vor.u32 v1, v31;
	v32 =	vshll.u32 v23, $0x7;
	v10 =	vld.idx.msk [tilespmem:v13+s4+$0x0], $0xffff  }
0x368: {  	v13 =	vor.u32 v0, v32;
	v33 =	vshll.u32 v17, $0x7;
	v17 =	vor.u32 v1, v16;
	v11 =	vld.idx.msk [tilespmem:v12+s4+$0x0], $0xffff  }
0x369: {  	v23 =	vor.u32 v1, v32;
	v34 =	vshll.u32 v22, $0x7;
	v12 =	vld.idx.msk [tilespmem:v25+s4+$0x0], $0xffff;
	v25 =	vor.u32 v0, v33  }
0x36a: {  	v22 =	vor.u32 v1, v33;
	v28 =	vor.u32 v0, v34;
	v35 =	vor.u32 v1, v34;
	v15 =	vld.idx.msk [tilespmem:v15+s4+$0x0], $0xffff  }
0x36b: {  	v36 =	vor.u32 v2, v18;
	v37 =	vor.u32 v2, v29;
	v38 =	vor.u32 v2, v30;
	s19 =	sadd.s32 $0x400, s19;
	v14 =	vld.idx.msk [tilespmem:v14+s4+$0x0], $0xffff  }
0x36c: {  	v39 =	vor.u32 v2, v31;
	v40 =	vor.u32 v2, v32;
	v24 =	vld.idx.msk [tilespmem:v24+s4+$0x0], $0xffff;
	[tilespmem:s19+$0xFFFFFF10] =	vst v19  }
0x36d: {  	v41 =	vor.u32 v3, v18;
	v42 =	vor.u32 v2, v33;
	v43 =	vor.u32 v2, v34;
	v17 =	vld.idx.msk [tilespmem:v17+s4+$0x0], $0xffff  }
0x36e: {  	v44 =	vor.u32 v3, v29;
	v45 =	vor.u32 v3, v30;
	v46 =	vor.u32 v3, v31;
	v13 =	vld.idx.msk [tilespmem:v13+s4+$0x0], $0xffff  }
0x36f: {  	v47 =	vor.u32 v3, v32;
	v19 =	vor.u32 v2, v16;
	[tilespmem:s19+$0xFFFFFC10] =	vst v12;
	v12 =	vld.idx.msk [tilespmem:v25+s4+$0x0], $0xffff  }
0x370: {  	v48 =	vor.u32 v3, v33;
	v49 =	vor.u32 v3, v34;
	[tilespmem:s19+$0xFFFFFC90] =	vst v15;
	v15 =	vld.idx.msk [tilespmem:v28+s4+$0x0], $0xffff  }
0x371: {  	v50 =	vor.u32 v4, v18;
	v51 =	vor.u32 v4, v29;
	v25 =	vld.idx.msk [tilespmem:v26+s4+$0x0], $0xffff;
	[tilespmem:s19+$0xFFFFFD10] =	vst v14  }
0x372: {  	v52 =	vor.u32 v4, v30;
	v53 =	vor.u32 v4, v31;
	v14 =	vld.idx.msk [tilespmem:v21+s4+$0x0], $0xffff;
	[tilespmem:s19+$0xFFFFFD90] =	vst v24  }
0x373: {  	v54 =	vor.u32 v4, v32;
	v55 =	vor.u32 v4, v33;
	v20 =	vld.idx.msk [tilespmem:v20+s4+$0x0], $0xffff;
	[tilespmem:s19+$0xFFFFFF20] =	vst v17  }
0x374: {  	v56 =	vor.u32 v5, v18;
	v57 =	vor.u32 v4, v34;
	[tilespmem:s19+$0xFFFFFE10] =	vst v13;
	v13 =	vld.idx.msk [tilespmem:v19+s4+$0x0], $0xffff  }
0x375: {  	v58 =	vor.u32 v5, v29;
	v59 =	vor.u32 v5, v30;
	v17 =	vld.idx.msk [tilespmem:v27+s4+$0x0], $0xffff;
	[tilespmem:s19+$0xFFFFFE90] =	vst v12  }
0x376: {  	v60 =	vor.u32 v5, v31;
	v19 =	vor.u32 v3, v16;
	v12 =	vld.idx.msk [tilespmem:v23+s4+$0x0], $0xffff;
	[tilespmem:s19+$0xFFFFFF90] =	vst v15  }
0x377: {  	v61 =	vor.u32 v5, v32;
	v27 =	vor.u32 v5, v33;
	[tilespmem:s19+$0xFFFFFC20] =	vst v25;
	v15 =	vld.idx.msk [tilespmem:v22+s4+$0x0], $0xffff  }
0x378: {  	v28 =	vor.u32 v5, v34;
	v26 =	vor.u32 v6, v18;
	[tilespmem:s19+$0xFFFFFCA0] =	vst v14;
	v35 =	vld.idx.msk [tilespmem:v35+s4+$0x0], $0xffff  }
0x379: {  	v24 =	vor.u32 v6, v30;
	v25 =	vor.u32 v6, v29;
	v36 =	vld.idx.msk [tilespmem:v36+s4+$0x0], $0xffff;
	[tilespmem:s19+$0xFFFFFD20] =	vst v20  }
0x37a: {  	v23 =	vor.u32 v6, v31;
	v22 =	vor.u32 v6, v32;
	v37 =	vld.idx.msk [tilespmem:v37+s4+$0x0], $0xffff;
	[tilespmem:s19+$0xFFFFFF30] =	vst v13  }
0x37b: {  	v21 =	vor.u32 v6, v33;
	v20 =	vor.u32 v6, v34;
	[tilespmem:s19+$0xFFFFFDA0] =	vst v17;
	v62 =	vld.idx.msk [tilespmem:v19+s4+$0x0], $0xffff  }
0x37c: {  	v19 =	vor.u32 v7, v18;
	v17 =	vor.u32 v7, v29;
	v29 =	vld.idx.msk [tilespmem:v38+s4+$0x0], $0xffff;
	[tilespmem:s19+$0xFFFFFE20] =	vst v12  }
0x37d: {  	v18 =	vor.u32 v7, v30;
	v38 =	vor.u32 v4, v16;
	v30 =	vld.idx.msk [tilespmem:v39+s4+$0x0], $0xffff;
	[tilespmem:s19+$0xFFFFFEA0] =	vst v15  }
0x37e: {  	v14 =	vor.u32 v7, v32;
	v15 =	vor.u32 v7, v31;
	v31 =	vld.idx.msk [tilespmem:v40+s4+$0x0], $0xffff;
	[tilespmem:s19+$0xFFFFFFA0] =	vst v35  }
0x37f: {  	v13 =	vor.u32 v7, v33;
	v12 =	vor.u32 v7, v34;
	[tilespmem:s19+$0xFFFFFC30] =	vst v36;
	v32 =	vld.idx.msk [tilespmem:v42+s4+$0x0], $0xffff  }
0x380: {  	[tilespmem:s19+$0xFFFFFCB0] =	vst v37;
	v33 =	vld.idx.msk [tilespmem:v43+s4+$0x0], $0xffff  }
0x381: {  	v34 =	vld.idx.msk [tilespmem:v41+s4+$0x0], $0xffff;
	[tilespmem:s19+$0xFFFFFF40] =	vst v62  }
0x382: {  	[tilespmem:s19+$0xFFFFFD30] =	vst v29;
	v29 =	vld.idx.msk [tilespmem:v38+s4+$0x0], $0xffff  }
0x383: {  	v35 =	vld.idx.msk [tilespmem:v44+s4+$0x0], $0xffff;
	[tilespmem:s19+$0xFFFFFDB0] =	vst v30  }
0x384: {  	v30 =	vld.idx.msk [tilespmem:v45+s4+$0x0], $0xffff;
	[tilespmem:s19+$0xFFFFFE30] =	vst v31;
	v31 =	vor.u32 v5, v16  }
0x385: {  	v36 =	vld.idx.msk [tilespmem:v46+s4+$0x0], $0xffff;
	[tilespmem:s19+$0xFFFFFEB0] =	vst v32  }
0x386: {  	v32 =	vld.idx.msk [tilespmem:v47+s4+$0x0], $0xffff;
	[tilespmem:s19+$0xFFFFFFB0] =	vst v33  }
0x387: {  	[tilespmem:s19+$0xFFFFFC40] =	vst v34;
	v33 =	vld.idx.msk [tilespmem:v48+s4+$0x0], $0xffff  }
0x388: {  	[tilespmem:s19+$0xFFFFFF50] =	vst v29;
	v29 =	vld.idx.msk [tilespmem:v49+s4+$0x0], $0xffff  }
0x389: {  	[tilespmem:s19+$0xFFFFFCC0] =	vst v35;
	v31 =	vld.idx.msk [tilespmem:v31+s4+$0x0], $0xffff  }
0x38a: {  	v34 =	vld.idx.msk [tilespmem:v50+s4+$0x0], $0xffff;
	[tilespmem:s19+$0xFFFFFD40] =	vst v30  }
0x38b: {  	v35 =	vor.u32 v6, v16;
	v30 =	vld.idx.msk [tilespmem:v51+s4+$0x0], $0xffff;
	[tilespmem:s19+$0xFFFFFDC0] =	vst v36  }
0x38c: {  	v36 =	vld.idx.msk [tilespmem:v52+s4+$0x0], $0xffff;
	[tilespmem:s19+$0xFFFFFE40] =	vst v32  }
0x38d: {  	v32 =	vld.idx.msk [tilespmem:v53+s4+$0x0], $0xffff;
	[tilespmem:s19+$0xFFFFFEC0] =	vst v33  }
0x38e: {  	v37 =	vld.idx.msk [tilespmem:v54+s4+$0x0], $0xffff;
	[tilespmem:s19+$0xFFFFFFC0] =	vst v29  }
0x38f: {  	v29 =	vld.idx.msk [tilespmem:v55+s4+$0x0], $0xffff;
	[tilespmem:s19+$0xFFFFFF60] =	vst v31  }
0x390: {  	[tilespmem:s19+$0xFFFFFC50] =	vst v34;
	v31 =	vld.idx.msk [tilespmem:v35+s4+$0x0], $0xffff  }
0x391: {  	[tilespmem:s19+$0xFFFFFCD0] =	vst v30;
	v30 =	vld.idx.msk [tilespmem:v57+s4+$0x0], $0xffff  }
0x392: {  	v34 =	vld.idx.msk [tilespmem:v56+s4+$0x0], $0xffff;
	[tilespmem:s19+$0xFFFFFD50] =	vst v36;
	v36 =	vor.u32 v7, v16  }
.Ltmp3:
0x393: {  	v35 =	vld.idx.msk [tilespmem:v58+s4+$0x0], $0xffff;
	[tilespmem:s19+$0xFFFFFDD0] =	vst v32;
	(pc) =	sbr.rel @p0 .LBB2_9-.Ltmp3, $4  }
0x394: {  	v33 =	vld.idx.msk [tilespmem:v59+s4+$0x0], $0xffff;
	[tilespmem:s19+$0xFFFFFE50] =	vst v37  }
0x395: {  	v32 =	vld.idx.msk [tilespmem:v60+s4+$0x0], $0xffff;
	[tilespmem:s19+$0xFFFFFED0] =	vst v29  }
0x396: {  	v16 =	vld.idx.msk [tilespmem:v61+s4+$0x0], $0xffff;
	[tilespmem:s19+$0xFFFFFF70] =	vst v31  }
0x397: {  	v29 =	vld.idx.msk [tilespmem:v36+s4+$0x0], $0xffff;
	[tilespmem:s19+$0xFFFFFFD0] =	vst v30  }
0x398: {  	[tilespmem:s19+$0xFFFFFC60] =	vst v34  }
0x399: {  	[tilespmem:s19+$0xFFFFFCE0] =	vst v35  }
0x39a: {  	[tilespmem:s18+$0xFFFFFE00] =	vst v9  }
0x39b: {  	[tilespmem:s18+$0xFFFFFE80] =	vst v8  }
0x39c: {  	[tilespmem:s18+$0xFFFFFF00] =	vst v10  }
0x39d: {  	v27 =	vld.idx.msk [tilespmem:v27+s4+$0x0], $0xffff;
	[tilespmem:s18+$0x0] =	vst v11  }
0x39e: {  	v28 =	vld.idx.msk [tilespmem:v28+s4+$0x0], $0xffff;
	[tilespmem:s19+$0xFFFFFD60] =	vst v33  }
0x39f: {  	v26 =	vld.idx.msk [tilespmem:v26+s4+$0x0], $0xffff;
	[tilespmem:s19+$0xFFFFFDE0] =	vst v32  }
0x3a0: {  	v25 =	vld.idx.msk [tilespmem:v25+s4+$0x0], $0xffff;
	[tilespmem:s19+$0xFFFFFE60] =	vst v16  }
0x3a1: {  	v59 =	vld.idx.msk [tilespmem:v24+s4+$0x0], $0xffff;
	[tilespmem:s19+$0xFFFFFF80] =	vst v29  }
0x3a2: {  	v23 =	vld.idx.msk [tilespmem:v23+s4+$0x0], $0xffff;
	[tilespmem:s19+$0xFFFFFEE0] =	vst v27  }
0x3a3: {  	v22 =	vld.idx.msk [tilespmem:v22+s4+$0x0], $0xffff;
	[tilespmem:s19+$0xFFFFFFE0] =	vst v28  }
0x3a4: {  	v21 =	vld.idx.msk [tilespmem:v21+s4+$0x0], $0xffff;
	[tilespmem:s19+$0xFFFFFC70] =	vst v26  }
0x3a5: {  	v20 =	vld.idx.msk [tilespmem:v20+s4+$0x0], $0xffff;
	[tilespmem:s19+$0xFFFFFCF0] =	vst v25  }
0x3a6: {  	v19 =	vld.idx.msk [tilespmem:v19+s4+$0x0], $0xffff;
	[tilespmem:s19+$0xFFFFFD70] =	vst v59  }
0x3a7: {  	v60 =	vld.idx.msk [tilespmem:v17+s4+$0x0], $0xffff;
	[tilespmem:s19+$0xFFFFFDF0] =	vst v23  }
0x3a8: {  	v61 =	vld.idx.msk [tilespmem:v18+s4+$0x0], $0xffff;
	[tilespmem:s19+$0xFFFFFE70] =	vst v22  }
0x3a9: {  	v62 =	vld.idx.msk [tilespmem:v15+s4+$0x0], $0xffff;
	[tilespmem:s19+$0xFFFFFEF0] =	vst v21  }
0x3aa: {  	v14 =	vld.idx.msk [tilespmem:v14+s4+$0x0], $0xffff;
	[tilespmem:s19+$0xFFFFFFF0] =	vst v20  }
0x3ab: {  	[tilespmem:s19+$0xFFFFFC80] =	vst v19;
	v8 =	vld.idx.msk [tilespmem:v13+s4+$0x0], $0xffff  }
0x3ac: {  	s17 =	sadd.s32 $0x1, s17;
	[tilespmem:s19+$0xFFFFFD00] =	vst v60;
	v63 =	vld.idx.msk [tilespmem:v12+s4+$0x0], $0xffff  }
0x3ad: {  	p0 =	sne.s32 s17, $0x32;
	[tilespmem:s19+$0xFFFFFD80] =	vst v61  }
.Ltmp4:
0x3ae: {  	s31 =	sshll.u32 s20, $0xF;
	[tilespmem:s19+$0xFFFFFE00] =	vst v62;
	(pc) =	sbr.rel @p0 .LBB2_6-.Ltmp4, $4  }
0x3af: {  	s18 =	sadd.s32 s8, s31;
	[tilespmem:s19+$0xFFFFFE80] =	vst v14  }
0x3b0: {  	s18 =	sshrl.u32 s18, $0x3;
	[tilespmem:s19+$0xFFFFFF00] =	vst v8  }
0x3b1: {  	s16 =	sadd.s32 $0x200, s16;
	s18 =	sadd.s32 s3, s18;
	[tilespmem:s19+$0x0] =	vst v63  }
0x3b2: {  	[hbm4b:s18+s4] =	stream.linear.scatter [tilespmem:s13], [sflag:$0x1], $0x8000, $0x38;
	[tilespmem:$0x16E00] =	vst v63  }
0x3b3: {  	s15 =	sadd.s32 $0x1, s15  }
0x3b4: {  	_ =	swait.ge [sflag:s14], $0x8000;
	p0 =	sne.s32 s15, s9  }
.Ltmp5:
0x3b5: {  	[sflag:s14] =	ssyncset.done $0x0;
	(pc) =	sbr.rel @p0 .LBB2_1-.Ltmp5, $4  }
0x3b6: {  	[sflag:s14] =	ssyncadd.s32 $0xFFFF8000  }
0x3b7: {  	_ =	swait.ge [sflag:s14], $0x8000  }
0x3b8: {  	[sflag:s14] =	ssyncset.done $0x0  }
0x3b9: {  	[sflag:s14] =	ssyncadd.s32 $0xFFFF8000  }
0x3ba: {  	_ =	sfence.sel $0x180000  }
0x3bb: {  	[bflag:$0x0] =	sbarrier.arrive $0xFFFF  }
0x3bc: {  	p0 =	sne.s32 s0, $0x0;
	_ =	strace $0x90000047  }
0x3bd: {  	s0 =	sadd.s32 @!p0 $0x100000, s1;
	[bflag:$0x2] =	sbarrier.arrive $0xFFFF  }
0x3be: {  	[sflag:s0] =	ssyncadd.tile.s32 @!p0 $0x1;
	_ =	shalt  }
.Lfunc_end2:
_tile_overlayer_lowered:
.L_overlay_start_2:
0x3bf: {  	(tag) =	ssettag $0x2  }
0x3c0: {  	s0 =	rddreg [dreg:$0x0];
	s2 =	stileid.u32  }
0x3c1: {  	s1 =	rddreg [dreg:$0x1];
	p0 =	sne.s32 s2, $0x0  }
0x3c2: {  	s3 =	rddreg [dreg:$0x2];
	[bflag:$0x3] =	sbarrier.arrive $0xFFFF;
	s2 =	simm.s32 @!p0 $0x1C02  }
0x3c3: {  	[timem:s3], [sflag:s2] =	dma.local @!p0 [hbm:s0], s1  }
0x3c4: {  	s0 =	simm.s32 @!p0 $0x2  }
0x3c5: {  	_ =	swait.ge @!p0 [sflag:s0], s1  }
0x3c6: {  	s1 =	ssub.s32 @!p0 $0x0, s1;
	[sflag:s0] =	ssyncset.done @!p0 $0x0  }
0x3c7: {  	[sflag:s0] =	ssyncadd.s32 @!p0 s1  }
0x3c8: {  	[bflag:$0x3] =	sbarrier.arrive $0xFFFF  }
0x3c9: {  	_ =	shalt  }

</sc_bundles>
